<compile_context>
chip_gen: v7x
topology: tpu7x:2x2x1
jax: 0.10.2.dev20260603
libtpu: 0.0.44.dev20260713+nightly
codegen_flags: <defaults>
</compile_context>

<pallas_src>
import functools

import jax
import jax.numpy as jnp
from jax import lax
from jax.experimental import pallas as pl
from jax.experimental.pallas import tpu as pltpu
from jax.experimental.pallas import tpu_sc as plsc

B = 16384
D = 64
NT = 1000
NC = 2
NS = 16
NW = NC * NS
BPW = B // NW

_mesh = plsc.VectorSubcoreMesh(core_axis_name="c", subcore_axis_name="s")


@functools.partial(
    pl.kernel,
    out_type=jax.ShapeDtypeStruct((B,), jnp.float32),
    mesh=_mesh,
    compiler_params=pltpu.CompilerParams(
        needs_layout_passes=False, use_tc_tiling_on_sc=True),
    scratch_types=[
        pltpu.VMEM((D, NT), jnp.float32),
        pltpu.VMEM((D, 128), jnp.float32),
        pltpu.VMEM((D, 128), jnp.float32),
        pltpu.VMEM((BPW,), jnp.float32),
        pltpu.VMEM((4, 128), jnp.int32),
        pltpu.VMEM((BPW,), jnp.int32),
        pltpu.VMEM((BPW,), jnp.int32),
        pltpu.SemaphoreType.DMA,
        pltpu.SemaphoreType.DMA,
        pltpu.SemaphoreType.DMA,
    ],
)
def _sc_score(ent_hbm, type_hbm, embt_hbm, typet_hbm, out_hbm,
              ttab, tbufA, tbufB, outv, bidx, eidx_v, tidx_v,
              semA, semB, sem2):
    wid = lax.axis_index("s") * NC + lax.axis_index("c")
    base = wid * BPW

    pltpu.sync_copy(ent_hbm.at[pl.ds(base, BPW)], eidx_v)
    pltpu.sync_copy(type_hbm.at[pl.ds(base, BPW)], tidx_v)
    pltpu.sync_copy(typet_hbm, ttab)

    iota = lax.iota(jnp.int32, 16)
    for r in range(4):
        for k in range(8):
            bidx[r, pl.ds(16 * k, 16)] = base + r * 128 + 16 * k + iota

    def issue(e, buf, sem):
        off = pl.multiple_of((e // 128) * 128, 128)
        pltpu.async_copy(embt_hbm.at[:, pl.ds(off, 128)], buf, sem)

    def drain(buf, sem):
        pltpu.make_async_copy(
            embt_hbm.at[:, pl.ds(0, 128)], buf, sem).wait()

    issue(eidx_v[pl.ds(0, 16)][0], tbufA, semA)

    def group(g, carry):
        svec = jnp.zeros((16,), jnp.float32)
        ev16 = eidx_v[pl.ds(g * 16, 16)]
        gn = jnp.minimum(g + 1, BPW // 16 - 1)
        ev16n = eidx_v[pl.ds(gn * 16, 16)]
        tv16 = tidx_v[pl.ds(g * 16, 16)]
        for u in range(16):
            buf, sem = (tbufA, semA) if u % 2 == 0 else (tbufB, semB)
            nbuf, nsem = (tbufB, semB) if u % 2 == 0 else (tbufA, semA)
            drain(buf, sem)
            e_next = ev16[u + 1] if u < 15 else ev16n[0]
            issue(e_next, nbuf, nsem)
            e = ev16[u]
            ec = e & 127
            tc = tv16[u]
            acc = jnp.zeros((16,), jnp.float32)
            for c in range(D // 16):
                fv = iota + 16 * c
                ev = plsc.load_gather(buf, [fv, jnp.full((16,), ec, jnp.int32)])
                tv = plsc.load_gather(ttab, [fv, jnp.full((16,), tc, jnp.int32)])
                acc = acc + ev * tv
            svec = jnp.where(iota == u, jnp.sum(acc), svec)
        outv[pl.ds(g * 16, 16)] = svec
        return carry

    lax.fori_loop(0, BPW // 16, group, 0)
    drain(tbufA, semA)

    copies = []
    for r in range(4):
        copies.append(pltpu.async_copy(
            outv.at[pl.ds(r * 128, 128)], out_hbm.at[bidx.at[r]], sem2))
    for cp in copies:
        cp.wait()


def kernel(ent, ent_type, batch_type, ent_emb, type_emb):
    del batch_type
    score = _sc_score(ent.astype(jnp.int32), ent_type.astype(jnp.int32),
                      ent_emb.T, type_emb.T)
    return score[:, None]

# --- scband reference (transcript-rebuilt; emitter-appended) ---
"""Pipeline reference for scband-type-model-compl-ex-16552803959075 (READ-ONLY COPY).

The authoritative reference and input builder live on the scoring server;
editing this copy changes nothing except your own understanding.
"""

import jax, jax.numpy as jnp
import numpy as np


def setup_inputs(seed: int = 0) -> dict:
    key = jax.random.key(seed)
    k1, k2, k3, k4 = jax.random.split(key, 4)
    ent = jax.random.randint(k1, (16384,), 0, 1000000)
    ent_type = jax.random.randint(k2, (16384,), 0, 1000)
    # learned parameters (embedding tables) sized per init_kwargs
    ent_emb = jax.random.normal(k3, (1000000, 64), dtype=jnp.float32) * 0.1
    type_emb = jax.random.normal(k4, (1000, 64), dtype=jnp.float32) * 0.1
    # batch_type != SINGLE -> 1D-index branch of the original forward
    return {"ent": ent, "ent_type": ent_type, "batch_type": 1,
            "ent_emb": ent_emb, "type_emb": type_emb}


def reference(ent, ent_type, batch_type, ent_emb, type_emb):
    # get_complex_embeddings with 1D indices: embedding lookup + unsqueeze(1)
    e = jnp.take(ent_emb, ent, axis=0)[:, None, :]      # [B, 1, D]
    t = jnp.take(type_emb, ent_type, axis=0)[:, None, :]  # [B, 1, D]
    d = e.shape[-1] // 2
    e_real, e_imag = e[..., :d], e[..., d:]
    t_real, t_imag = t[..., :d], t[..., d:]
    score_real = e_real * t_real + e_imag * t_imag
    score = jnp.sum(score_real, axis=-1)                 # [B, 1]
    return score

if __name__ == "__main__":
    import jax
    _d = setup_inputs()
    print(jax.jit(kernel)(*tuple(_d.values())))

</pallas_src>

<mosaic_0001>
#map = affine_map<(d0, d1) -> (0)>
#map1 = affine_map<(d0, d1) -> (0, 0)>
module attributes {stable_mosaic.version = 14 : i64} {
  func.func @_sc_score(%arg0: i32, %arg1: i32, %arg2: memref<16384xi32, #tpu.memory_space<hbm>>, %arg3: memref<16384xi32, #tpu.memory_space<hbm>>, %arg4: memref<64x1000000xf32, #tpu.memory_space<hbm>>, %arg5: memref<64x1000xf32, #tpu.memory_space<hbm>>, %arg6: memref<16384xf32, #tpu.memory_space<hbm>>, %arg7: memref<64x1000xf32, #tpu.memory_space<vmem>>, %arg8: memref<64x128xf32, #tpu.memory_space<vmem>>, %arg9: memref<64x128xf32, #tpu.memory_space<vmem>>, %arg10: memref<512xf32, #tpu.memory_space<vmem>>, %arg11: memref<4x128xi32, #tpu.memory_space<vmem>>, %arg12: memref<512xi32, #tpu.memory_space<vmem>>, %arg13: memref<512xi32, #tpu.memory_space<vmem>>, %arg14: memref<!tpu.dma_semaphore, #tpu.memory_space<semaphore_mem>>, %arg15: memref<!tpu.dma_semaphore, #tpu.memory_space<semaphore_mem>>, %arg16: memref<!tpu.dma_semaphore, #tpu.memory_space<semaphore_mem>>) attributes {dimension_semantics = [#tpu.dimension_semantics<core_parallel>, #tpu.dimension_semantics<subcore_parallel>], iteration_bounds = array<i64: 2, 16>, scalar_prefetch = 0 : i64, scratch_operands = 10 : i64, tpu.core_type = #tpu.core_type<sc_vector_subcore>, window_params = [{transform_indices = #map}, {transform_indices = #map}, {transform_indices = #map1}, {transform_indices = #map1}, {transform_indices = #map}]} {
    %mul3A = arith.constant 2 : i32
    %mul3A_0 = arith.muli %arg1, %mul3A : i32
    %add3A = arith.addi %mul3A_0, %arg0 : i32
    %mul3A_1 = arith.constant 512 : i32
    %mul3A_2 = arith.muli %add3A, %mul3A_1 : i32
    "tpu.region"() ({
      %run_scoped3A = tpu.sem_alloc : memref<!tpu.dma_semaphore, #tpu.memory_space<semaphore_mem>>
      %dma_start3A_418 = tpu.memref_slice %arg2[%mul3A_2] : memref<16384xi32, #tpu.memory_space<hbm>> -> memref<512xi32, #tpu.memory_space<hbm>>
      %dma_start3A_419 = tpu.memref_slice %arg2[%mul3A_2] : memref<16384xi32, #tpu.memory_space<hbm>> -> memref<512xi32, #tpu.memory_space<hbm>>
      tpu.enqueue_dma source(%dma_start3A_419 : memref<512xi32, #tpu.memory_space<hbm>>) target(%arg12 : memref<512xi32, #tpu.memory_space<vmem>>) target_semaphore(%run_scoped3A : memref<!tpu.dma_semaphore, #tpu.memory_space<semaphore_mem>>)
      %dma_wait3A_420 = tpu.memref_slice %arg2[%mul3A_2] : memref<16384xi32, #tpu.memory_space<hbm>> -> memref<512xi32, #tpu.memory_space<hbm>>
      %dma_wait3A_421 = tpu.memref_slice %arg2[%mul3A_2] : memref<16384xi32, #tpu.memory_space<hbm>> -> memref<512xi32, #tpu.memory_space<hbm>>
      tpu.wait_dma2 semaphore(%run_scoped3A : memref<!tpu.dma_semaphore, #tpu.memory_space<semaphore_mem>>) src(%dma_wait3A_421 : memref<512xi32, #tpu.memory_space<hbm>>) dst(%arg12 : memref<512xi32, #tpu.memory_space<vmem>>)
      tpu.yield
    }) : () -> ()
    "tpu.region"() ({
      %run_scoped3A = tpu.sem_alloc : memref<!tpu.dma_semaphore, #tpu.memory_space<semaphore_mem>>
      %dma_start3A_418 = tpu.memref_slice %arg3[%mul3A_2] : memref<16384xi32, #tpu.memory_space<hbm>> -> memref<512xi32, #tpu.memory_space<hbm>>
      %dma_start3A_419 = tpu.memref_slice %arg3[%mul3A_2] : memref<16384xi32, #tpu.memory_space<hbm>> -> memref<512xi32, #tpu.memory_space<hbm>>
      tpu.enqueue_dma source(%dma_start3A_419 : memref<512xi32, #tpu.memory_space<hbm>>) target(%arg13 : memref<512xi32, #tpu.memory_space<vmem>>) target_semaphore(%run_scoped3A : memref<!tpu.dma_semaphore, #tpu.memory_space<semaphore_mem>>)
      %dma_wait3A_420 = tpu.memref_slice %arg3[%mul3A_2] : memref<16384xi32, #tpu.memory_space<hbm>> -> memref<512xi32, #tpu.memory_space<hbm>>
      %dma_wait3A_421 = tpu.memref_slice %arg3[%mul3A_2] : memref<16384xi32, #tpu.memory_space<hbm>> -> memref<512xi32, #tpu.memory_space<hbm>>
      tpu.wait_dma2 semaphore(%run_scoped3A : memref<!tpu.dma_semaphore, #tpu.memory_space<semaphore_mem>>) src(%dma_wait3A_421 : memref<512xi32, #tpu.memory_space<hbm>>) dst(%arg13 : memref<512xi32, #tpu.memory_space<vmem>>)
      tpu.yield
    }) : () -> ()
    "tpu.region"() ({
      %run_scoped3A = tpu.sem_alloc : memref<!tpu.dma_semaphore, #tpu.memory_space<semaphore_mem>>
      tpu.enqueue_dma source(%arg5 : memref<64x1000xf32, #tpu.memory_space<hbm>>) target(%arg7 : memref<64x1000xf32, #tpu.memory_space<vmem>>) target_semaphore(%run_scoped3A : memref<!tpu.dma_semaphore, #tpu.memory_space<semaphore_mem>>)
      tpu.wait_dma2 semaphore(%run_scoped3A : memref<!tpu.dma_semaphore, #tpu.memory_space<semaphore_mem>>) src(%arg5 : memref<64x1000xf32, #tpu.memory_space<hbm>>) dst(%arg7 : memref<64x1000xf32, #tpu.memory_space<vmem>>)
      tpu.yield
    }) : () -> ()
    %iota3A = tpu.iota {dimensions = array<i32: 0>} : vector<16xi32>
    %add3A_3 = arith.constant 0 : i32
    %add3A_4 = arith.addi %mul3A_2, %add3A_3 : i32
    %add3A_5 = arith.constant 0 : i32
    %add3A_6 = arith.addi %add3A_4, %add3A_5 : i32
    %add3A_7 = vector.broadcast %add3A_6 : i32 to vector<16xi32>
    %add3A_8 = arith.addi %add3A_7, %iota3A : vector<16xi32>
    %swap3A = arith.constant 0 : i32
    %swap3A_9 = arith.index_cast %swap3A : i32 to index
    %swap3A_10 = arith.constant 0 : index
    %swap3A_11 = tpu.vector_load %arg11[%swap3A_9, %swap3A_10] {strides = array<i32>} : memref<4x128xi32, #tpu.memory_space<vmem>>, vector<16xi32>,
    tpu.vector_store %arg11[%swap3A_9, %swap3A_10], %add3A_8 {strides = array<i32>} : memref<4x128xi32, #tpu.memory_space<vmem>>, vector<16xi32>,
    %add3A_12 = arith.constant 0 : i32
    %add3A_13 = arith.addi %mul3A_2, %add3A_12 : i32
    %add3A_14 = arith.constant 16 : i32
    %add3A_15 = arith.addi %add3A_13, %add3A_14 : i32
    %add3A_16 = vector.broadcast %add3A_15 : i32 to vector<16xi32>
    %add3A_17 = arith.addi %add3A_16, %iota3A : vector<16xi32>
    %swap3A_18 = arith.constant 0 : i32
    %swap3A_19 = arith.index_cast %swap3A_18 : i32 to index
    %swap3A_20 = arith.constant 16 : index
    %swap3A_21 = tpu.vector_load %arg11[%swap3A_19, %swap3A_20] {strides = array<i32>} : memref<4x128xi32, #tpu.memory_space<vmem>>, vector<16xi32>,
    tpu.vector_store %arg11[%swap3A_19, %swap3A_20], %add3A_17 {strides = array<i32>} : memref<4x128xi32, #tpu.memory_space<vmem>>, vector<16xi32>,
    %add3A_22 = arith.constant 0 : i32
    %add3A_23 = arith.addi %mul3A_2, %add3A_22 : i32
    %add3A_24 = arith.constant 32 : i32
    %add3A_25 = arith.addi %add3A_23, %add3A_24 : i32
    %add3A_26 = vector.broadcast %add3A_25 : i32 to vector<16xi32>
    %add3A_27 = arith.addi %add3A_26, %iota3A : vector<16xi32>
    %swap3A_28 = arith.constant 0 : i32
    %swap3A_29 = arith.index_cast %swap3A_28 : i32 to index
    %swap3A_30 = arith.constant 32 : index
    %swap3A_31 = tpu.vector_load %arg11[%swap3A_29, %swap3A_30] {strides = array<i32>} : memref<4x128xi32, #tpu.memory_space<vmem>>, vector<16xi32>,
    tpu.vector_store %arg11[%swap3A_29, %swap3A_30], %add3A_27 {strides = array<i32>} : memref<4x128xi32, #tpu.memory_space<vmem>>, vector<16xi32>,
    %add3A_32 = arith.constant 0 : i32
    %add3A_33 = arith.addi %mul3A_2, %add3A_32 : i32
    %add3A_34 = arith.constant 48 : i32
    %add3A_35 = arith.addi %add3A_33, %add3A_34 : i32
    %add3A_36 = vector.broadcast %add3A_35 : i32 to vector<16xi32>
    %add3A_37 = arith.addi %add3A_36, %iota3A : vector<16xi32>
    %swap3A_38 = arith.constant 0 : i32
    %swap3A_39 = arith.index_cast %swap3A_38 : i32 to index
    %swap3A_40 = arith.constant 48 : index
    %swap3A_41 = tpu.vector_load %arg11[%swap3A_39, %swap3A_40] {strides = array<i32>} : memref<4x128xi32, #tpu.memory_space<vmem>>, vector<16xi32>,
    tpu.vector_store %arg11[%swap3A_39, %swap3A_40], %add3A_37 {strides = array<i32>} : memref<4x128xi32, #tpu.memory_space<vmem>>, vector<16xi32>,
    %add3A_42 = arith.constant 0 : i32
    %add3A_43 = arith.addi %mul3A_2, %add3A_42 : i32
    %add3A_44 = arith.constant 64 : i32
    %add3A_45 = arith.addi %add3A_43, %add3A_44 : i32
    %add3A_46 = vector.broadcast %add3A_45 : i32 to vector<16xi32>
    %add3A_47 = arith.addi %add3A_46, %iota3A : vector<16xi32>
    %swap3A_48 = arith.constant 0 : i32
    %swap3A_49 = arith.index_cast %swap3A_48 : i32 to index
    %swap3A_50 = arith.constant 64 : index
    %swap3A_51 = tpu.vector_load %arg11[%swap3A_49, %swap3A_50] {strides = array<i32>} : memref<4x128xi32, #tpu.memory_space<vmem>>, vector<16xi32>,
    tpu.vector_store %arg11[%swap3A_49, %swap3A_50], %add3A_47 {strides = array<i32>} : memref<4x128xi32, #tpu.memory_space<vmem>>, vector<16xi32>,
    %add3A_52 = arith.constant 0 : i32
    %add3A_53 = arith.addi %mul3A_2, %add3A_52 : i32
    %add3A_54 = arith.constant 80 : i32
    %add3A_55 = arith.addi %add3A_53, %add3A_54 : i32
    %add3A_56 = vector.broadcast %add3A_55 : i32 to vector<16xi32>
    %add3A_57 = arith.addi %add3A_56, %iota3A : vector<16xi32>
    %swap3A_58 = arith.constant 0 : i32
    %swap3A_59 = arith.index_cast %swap3A_58 : i32 to index
    %swap3A_60 = arith.constant 80 : index
    %swap3A_61 = tpu.vector_load %arg11[%swap3A_59, %swap3A_60] {strides = array<i32>} : memref<4x128xi32, #tpu.memory_space<vmem>>, vector<16xi32>,
    tpu.vector_store %arg11[%swap3A_59, %swap3A_60], %add3A_57 {strides = array<i32>} : memref<4x128xi32, #tpu.memory_space<vmem>>, vector<16xi32>,
    %add3A_62 = arith.constant 0 : i32
    %add3A_63 = arith.addi %mul3A_2, %add3A_62 : i32
    %add3A_64 = arith.constant 96 : i32
    %add3A_65 = arith.addi %add3A_63, %add3A_64 : i32
    %add3A_66 = vector.broadcast %add3A_65 : i32 to vector<16xi32>
    %add3A_67 = arith.addi %add3A_66, %iota3A : vector<16xi32>
    %swap3A_68 = arith.constant 0 : i32
    %swap3A_69 = arith.index_cast %swap3A_68 : i32 to index
    %swap3A_70 = arith.constant 96 : index
    %swap3A_71 = tpu.vector_load %arg11[%swap3A_69, %swap3A_70] {strides = array<i32>} : memref<4x128xi32, #tpu.memory_space<vmem>>, vector<16xi32>,
    tpu.vector_store %arg11[%swap3A_69, %swap3A_70], %add3A_67 {strides = array<i32>} : memref<4x128xi32, #tpu.memory_space<vmem>>, vector<16xi32>,
    %add3A_72 = arith.constant 0 : i32
    %add3A_73 = arith.addi %mul3A_2, %add3A_72 : i32
    %add3A_74 = arith.constant 112 : i32
    %add3A_75 = arith.addi %add3A_73, %add3A_74 : i32
    %add3A_76 = vector.broadcast %add3A_75 : i32 to vector<16xi32>
    %add3A_77 = arith.addi %add3A_76, %iota3A : vector<16xi32>
    %swap3A_78 = arith.constant 0 : i32
    %swap3A_79 = arith.index_cast %swap3A_78 : i32 to index
    %swap3A_80 = arith.constant 112 : index
    %swap3A_81 = tpu.vector_load %arg11[%swap3A_79, %swap3A_80] {strides = array<i32>} : memref<4x128xi32, #tpu.memory_space<vmem>>, vector<16xi32>,
    tpu.vector_store %arg11[%swap3A_79, %swap3A_80], %add3A_77 {strides = array<i32>} : memref<4x128xi32, #tpu.memory_space<vmem>>, vector<16xi32>,
    %add3A_82 = arith.constant 128 : i32
    %add3A_83 = arith.addi %mul3A_2, %add3A_82 : i32
    %add3A_84 = arith.constant 0 : i32
    %add3A_85 = arith.addi %add3A_83, %add3A_84 : i32
    %add3A_86 = vector.broadcast %add3A_85 : i32 to vector<16xi32>
    %add3A_87 = arith.addi %add3A_86, %iota3A : vector<16xi32>
    %swap3A_88 = arith.constant 1 : i32
    %swap3A_89 = arith.index_cast %swap3A_88 : i32 to index
    %swap3A_90 = arith.constant 0 : index
    %swap3A_91 = tpu.vector_load %arg11[%swap3A_89, %swap3A_90] {strides = array<i32>} : memref<4x128xi32, #tpu.memory_space<vmem>>, vector<16xi32>,
    tpu.vector_store %arg11[%swap3A_89, %swap3A_90], %add3A_87 {strides = array<i32>} : memref<4x128xi32, #tpu.memory_space<vmem>>, vector<16xi32>,
    %add3A_92 = arith.constant 128 : i32
    %add3A_93 = arith.addi %mul3A_2, %add3A_92 : i32
    %add3A_94 = arith.constant 16 : i32
    %add3A_95 = arith.addi %add3A_93, %add3A_94 : i32
    %add3A_96 = vector.broadcast %add3A_95 : i32 to vector<16xi32>
    %add3A_97 = arith.addi %add3A_96, %iota3A : vector<16xi32>
    %swap3A_98 = arith.constant 1 : i32
    %swap3A_99 = arith.index_cast %swap3A_98 : i32 to index
    %swap3A_100 = arith.constant 16 : index
    %swap3A_101 = tpu.vector_load %arg11[%swap3A_99, %swap3A_100] {strides = array<i32>} : memref<4x128xi32, #tpu.memory_space<vmem>>, vector<16xi32>,
    tpu.vector_store %arg11[%swap3A_99, %swap3A_100], %add3A_97 {strides = array<i32>} : memref<4x128xi32, #tpu.memory_space<vmem>>, vector<16xi32>,
    %add3A_102 = arith.constant 128 : i32
    %add3A_103 = arith.addi %mul3A_2, %add3A_102 : i32
    %add3A_104 = arith.constant 32 : i32
    %add3A_105 = arith.addi %add3A_103, %add3A_104 : i32
    %add3A_106 = vector.broadcast %add3A_105 : i32 to vector<16xi32>
    %add3A_107 = arith.addi %add3A_106, %iota3A : vector<16xi32>
    %swap3A_108 = arith.constant 1 : i32
    %swap3A_109 = arith.index_cast %swap3A_108 : i32 to index
    %swap3A_110 = arith.constant 32 : index
    %swap3A_111 = tpu.vector_load %arg11[%swap3A_109, %swap3A_110] {strides = array<i32>} : memref<4x128xi32, #tpu.memory_space<vmem>>, vector<16xi32>,
    tpu.vector_store %arg11[%swap3A_109, %swap3A_110], %add3A_107 {strides = array<i32>} : memref<4x128xi32, #tpu.memory_space<vmem>>, vector<16xi32>,
    %add3A_112 = arith.constant 128 : i32
    %add3A_113 = arith.addi %mul3A_2, %add3A_112 : i32
    %add3A_114 = arith.constant 48 : i32
    %add3A_115 = arith.addi %add3A_113, %add3A_114 : i32
    %add3A_116 = vector.broadcast %add3A_115 : i32 to vector<16xi32>
    %add3A_117 = arith.addi %add3A_116, %iota3A : vector<16xi32>
    %swap3A_118 = arith.constant 1 : i32
    %swap3A_119 = arith.index_cast %swap3A_118 : i32 to index
    %swap3A_120 = arith.constant 48 : index
    %swap3A_121 = tpu.vector_load %arg11[%swap3A_119, %swap3A_120] {strides = array<i32>} : memref<4x128xi32, #tpu.memory_space<vmem>>, vector<16xi32>,
    tpu.vector_store %arg11[%swap3A_119, %swap3A_120], %add3A_117 {strides = array<i32>} : memref<4x128xi32, #tpu.memory_space<vmem>>, vector<16xi32>,
    %add3A_122 = arith.constant 128 : i32
    %add3A_123 = arith.addi %mul3A_2, %add3A_122 : i32
    %add3A_124 = arith.constant 64 : i32
    %add3A_125 = arith.addi %add3A_123, %add3A_124 : i32
    %add3A_126 = vector.broadcast %add3A_125 : i32 to vector<16xi32>
    %add3A_127 = arith.addi %add3A_126, %iota3A : vector<16xi32>
    %swap3A_128 = arith.constant 1 : i32
    %swap3A_129 = arith.index_cast %swap3A_128 : i32 to index
    %swap3A_130 = arith.constant 64 : index
    %swap3A_131 = tpu.vector_load %arg11[%swap3A_129, %swap3A_130] {strides = array<i32>} : memref<4x128xi32, #tpu.memory_space<vmem>>, vector<16xi32>,
    tpu.vector_store %arg11[%swap3A_129, %swap3A_130], %add3A_127 {strides = array<i32>} : memref<4x128xi32, #tpu.memory_space<vmem>>, vector<16xi32>,
    %add3A_132 = arith.constant 128 : i32
    %add3A_133 = arith.addi %mul3A_2, %add3A_132 : i32
    %add3A_134 = arith.constant 80 : i32
    %add3A_135 = arith.addi %add3A_133, %add3A_134 : i32
    %add3A_136 = vector.broadcast %add3A_135 : i32 to vector<16xi32>
    %add3A_137 = arith.addi %add3A_136, %iota3A : vector<16xi32>
    %swap3A_138 = arith.constant 1 : i32
    %swap3A_139 = arith.index_cast %swap3A_138 : i32 to index
    %swap3A_140 = arith.constant 80 : index
    %swap3A_141 = tpu.vector_load %arg11[%swap3A_139, %swap3A_140] {strides = array<i32>} : memref<4x128xi32, #tpu.memory_space<vmem>>, vector<16xi32>,
    tpu.vector_store %arg11[%swap3A_139, %swap3A_140], %add3A_137 {strides = array<i32>} : memref<4x128xi32, #tpu.memory_space<vmem>>, vector<16xi32>,
    %add3A_142 = arith.constant 128 : i32
    %add3A_143 = arith.addi %mul3A_2, %add3A_142 : i32
    %add3A_144 = arith.constant 96 : i32
    %add3A_145 = arith.addi %add3A_143, %add3A_144 : i32
    %add3A_146 = vector.broadcast %add3A_145 : i32 to vector<16xi32>
    %add3A_147 = arith.addi %add3A_146, %iota3A : vector<16xi32>
    %swap3A_148 = arith.constant 1 : i32
    %swap3A_149 = arith.index_cast %swap3A_148 : i32 to index
    %swap3A_150 = arith.constant 96 : index
    %swap3A_151 = tpu.vector_load %arg11[%swap3A_149, %swap3A_150] {strides = array<i32>} : memref<4x128xi32, #tpu.memory_space<vmem>>, vector<16xi32>,
    tpu.vector_store %arg11[%swap3A_149, %swap3A_150], %add3A_147 {strides = array<i32>} : memref<4x128xi32, #tpu.memory_space<vmem>>, vector<16xi32>,
    %add3A_152 = arith.constant 128 : i32
    %add3A_153 = arith.addi %mul3A_2, %add3A_152 : i32
    %add3A_154 = arith.constant 112 : i32
    %add3A_155 = arith.addi %add3A_153, %add3A_154 : i32
    %add3A_156 = vector.broadcast %add3A_155 : i32 to vector<16xi32>
    %add3A_157 = arith.addi %add3A_156, %iota3A : vector<16xi32>
    %swap3A_158 = arith.constant 1 : i32
    %swap3A_159 = arith.index_cast %swap3A_158 : i32 to index
    %swap3A_160 = arith.constant 112 : index
    %swap3A_161 = tpu.vector_load %arg11[%swap3A_159, %swap3A_160] {strides = array<i32>} : memref<4x128xi32, #tpu.memory_space<vmem>>, vector<16xi32>,
    tpu.vector_store %arg11[%swap3A_159, %swap3A_160], %add3A_157 {strides = array<i32>} : memref<4x128xi32, #tpu.memory_space<vmem>>, vector<16xi32>,
    %add3A_162 = arith.constant 256 : i32
    %add3A_163 = arith.addi %mul3A_2, %add3A_162 : i32
    %add3A_164 = arith.constant 0 : i32
    %add3A_165 = arith.addi %add3A_163, %add3A_164 : i32
    %add3A_166 = vector.broadcast %add3A_165 : i32 to vector<16xi32>
    %add3A_167 = arith.addi %add3A_166, %iota3A : vector<16xi32>
    %swap3A_168 = arith.constant 2 : i32
    %swap3A_169 = arith.index_cast %swap3A_168 : i32 to index
    %swap3A_170 = arith.constant 0 : index
    %swap3A_171 = tpu.vector_load %arg11[%swap3A_169, %swap3A_170] {strides = array<i32>} : memref<4x128xi32, #tpu.memory_space<vmem>>, vector<16xi32>,
    tpu.vector_store %arg11[%swap3A_169, %swap3A_170], %add3A_167 {strides = array<i32>} : memref<4x128xi32, #tpu.memory_space<vmem>>, vector<16xi32>,
    %add3A_172 = arith.constant 256 : i32
    %add3A_173 = arith.addi %mul3A_2, %add3A_172 : i32
    %add3A_174 = arith.constant 16 : i32
    %add3A_175 = arith.addi %add3A_173, %add3A_174 : i32
    %add3A_176 = vector.broadcast %add3A_175 : i32 to vector<16xi32>
    %add3A_177 = arith.addi %add3A_176, %iota3A : vector<16xi32>
    %swap3A_178 = arith.constant 2 : i32
    %swap3A_179 = arith.index_cast %swap3A_178 : i32 to index
    %swap3A_180 = arith.constant 16 : index
    %swap3A_181 = tpu.vector_load %arg11[%swap3A_179, %swap3A_180] {strides = array<i32>} : memref<4x128xi32, #tpu.memory_space<vmem>>, vector<16xi32>,
    tpu.vector_store %arg11[%swap3A_179, %swap3A_180], %add3A_177 {strides = array<i32>} : memref<4x128xi32, #tpu.memory_space<vmem>>, vector<16xi32>,
    %add3A_182 = arith.constant 256 : i32
    %add3A_183 = arith.addi %mul3A_2, %add3A_182 : i32
    %add3A_184 = arith.constant 32 : i32
    %add3A_185 = arith.addi %add3A_183, %add3A_184 : i32
    %add3A_186 = vector.broadcast %add3A_185 : i32 to vector<16xi32>
    %add3A_187 = arith.addi %add3A_186, %iota3A : vector<16xi32>
    %swap3A_188 = arith.constant 2 : i32
    %swap3A_189 = arith.index_cast %swap3A_188 : i32 to index
    %swap3A_190 = arith.constant 32 : index
    %swap3A_191 = tpu.vector_load %arg11[%swap3A_189, %swap3A_190] {strides = array<i32>} : memref<4x128xi32, #tpu.memory_space<vmem>>, vector<16xi32>,
    tpu.vector_store %arg11[%swap3A_189, %swap3A_190], %add3A_187 {strides = array<i32>} : memref<4x128xi32, #tpu.memory_space<vmem>>, vector<16xi32>,
    %add3A_192 = arith.constant 256 : i32
    %add3A_193 = arith.addi %mul3A_2, %add3A_192 : i32
    %add3A_194 = arith.constant 48 : i32
    %add3A_195 = arith.addi %add3A_193, %add3A_194 : i32
    %add3A_196 = vector.broadcast %add3A_195 : i32 to vector<16xi32>
    %add3A_197 = arith.addi %add3A_196, %iota3A : vector<16xi32>
    %swap3A_198 = arith.constant 2 : i32
    %swap3A_199 = arith.index_cast %swap3A_198 : i32 to index
    %swap3A_200 = arith.constant 48 : index
    %swap3A_201 = tpu.vector_load %arg11[%swap3A_199, %swap3A_200] {strides = array<i32>} : memref<4x128xi32, #tpu.memory_space<vmem>>, vector<16xi32>,
    tpu.vector_store %arg11[%swap3A_199, %swap3A_200], %add3A_197 {strides = array<i32>} : memref<4x128xi32, #tpu.memory_space<vmem>>, vector<16xi32>,
    %add3A_202 = arith.constant 256 : i32
    %add3A_203 = arith.addi %mul3A_2, %add3A_202 : i32
    %add3A_204 = arith.constant 64 : i32
    %add3A_205 = arith.addi %add3A_203, %add3A_204 : i32
    %add3A_206 = vector.broadcast %add3A_205 : i32 to vector<16xi32>
    %add3A_207 = arith.addi %add3A_206, %iota3A : vector<16xi32>
    %swap3A_208 = arith.constant 2 : i32
    %swap3A_209 = arith.index_cast %swap3A_208 : i32 to index
    %swap3A_210 = arith.constant 64 : index
    %swap3A_211 = tpu.vector_load %arg11[%swap3A_209, %swap3A_210] {strides = array<i32>} : memref<4x128xi32, #tpu.memory_space<vmem>>, vector<16xi32>,
    tpu.vector_store %arg11[%swap3A_209, %swap3A_210], %add3A_207 {strides = array<i32>} : memref<4x128xi32, #tpu.memory_space<vmem>>, vector<16xi32>,
    %add3A_212 = arith.constant 256 : i32
    %add3A_213 = arith.addi %mul3A_2, %add3A_212 : i32
    %add3A_214 = arith.constant 80 : i32
    %add3A_215 = arith.addi %add3A_213, %add3A_214 : i32
    %add3A_216 = vector.broadcast %add3A_215 : i32 to vector<16xi32>
    %add3A_217 = arith.addi %add3A_216, %iota3A : vector<16xi32>
    %swap3A_218 = arith.constant 2 : i32
    %swap3A_219 = arith.index_cast %swap3A_218 : i32 to index
    %swap3A_220 = arith.constant 80 : index
    %swap3A_221 = tpu.vector_load %arg11[%swap3A_219, %swap3A_220] {strides = array<i32>} : memref<4x128xi32, #tpu.memory_space<vmem>>, vector<16xi32>,
    tpu.vector_store %arg11[%swap3A_219, %swap3A_220], %add3A_217 {strides = array<i32>} : memref<4x128xi32, #tpu.memory_space<vmem>>, vector<16xi32>,
    %add3A_222 = arith.constant 256 : i32
    %add3A_223 = arith.addi %mul3A_2, %add3A_222 : i32
    %add3A_224 = arith.constant 96 : i32
    %add3A_225 = arith.addi %add3A_223, %add3A_224 : i32
    %add3A_226 = vector.broadcast %add3A_225 : i32 to vector<16xi32>
    %add3A_227 = arith.addi %add3A_226, %iota3A : vector<16xi32>
    %swap3A_228 = arith.constant 2 : i32
    %swap3A_229 = arith.index_cast %swap3A_228 : i32 to index
    %swap3A_230 = arith.constant 96 : index
    %swap3A_231 = tpu.vector_load %arg11[%swap3A_229, %swap3A_230] {strides = array<i32>} : memref<4x128xi32, #tpu.memory_space<vmem>>, vector<16xi32>,
    tpu.vector_store %arg11[%swap3A_229, %swap3A_230], %add3A_227 {strides = array<i32>} : memref<4x128xi32, #tpu.memory_space<vmem>>, vector<16xi32>,
    %add3A_232 = arith.constant 256 : i32
    %add3A_233 = arith.addi %mul3A_2, %add3A_232 : i32
    %add3A_234 = arith.constant 112 : i32
    %add3A_235 = arith.addi %add3A_233, %add3A_234 : i32
    %add3A_236 = vector.broadcast %add3A_235 : i32 to vector<16xi32>
    %add3A_237 = arith.addi %add3A_236, %iota3A : vector<16xi32>
    %swap3A_238 = arith.constant 2 : i32
    %swap3A_239 = arith.index_cast %swap3A_238 : i32 to index
    %swap3A_240 = arith.constant 112 : index
    %swap3A_241 = tpu.vector_load %arg11[%swap3A_239, %swap3A_240] {strides = array<i32>} : memref<4x128xi32, #tpu.memory_space<vmem>>, vector<16xi32>,
    tpu.vector_store %arg11[%swap3A_239, %swap3A_240], %add3A_237 {strides = array<i32>} : memref<4x128xi32, #tpu.memory_space<vmem>>, vector<16xi32>,
    %add3A_242 = arith.constant 384 : i32
    %add3A_243 = arith.addi %mul3A_2, %add3A_242 : i32
    %add3A_244 = arith.constant 0 : i32
    %add3A_245 = arith.addi %add3A_243, %add3A_244 : i32
    %add3A_246 = vector.broadcast %add3A_245 : i32 to vector<16xi32>
    %add3A_247 = arith.addi %add3A_246, %iota3A : vector<16xi32>
    %swap3A_248 = arith.constant 3 : i32
    %swap3A_249 = arith.index_cast %swap3A_248 : i32 to index
    %swap3A_250 = arith.constant 0 : index
    %swap3A_251 = tpu.vector_load %arg11[%swap3A_249, %swap3A_250] {strides = array<i32>} : memref<4x128xi32, #tpu.memory_space<vmem>>, vector<16xi32>,
    tpu.vector_store %arg11[%swap3A_249, %swap3A_250], %add3A_247 {strides = array<i32>} : memref<4x128xi32, #tpu.memory_space<vmem>>, vector<16xi32>,
    %add3A_252 = arith.constant 384 : i32
    %add3A_253 = arith.addi %mul3A_2, %add3A_252 : i32
    %add3A_254 = arith.constant 16 : i32
    %add3A_255 = arith.addi %add3A_253, %add3A_254 : i32
    %add3A_256 = vector.broadcast %add3A_255 : i32 to vector<16xi32>
    %add3A_257 = arith.addi %add3A_256, %iota3A : vector<16xi32>
    %swap3A_258 = arith.constant 3 : i32
    %swap3A_259 = arith.index_cast %swap3A_258 : i32 to index
    %swap3A_260 = arith.constant 16 : index
    %swap3A_261 = tpu.vector_load %arg11[%swap3A_259, %swap3A_260] {strides = array<i32>} : memref<4x128xi32, #tpu.memory_space<vmem>>, vector<16xi32>,
    tpu.vector_store %arg11[%swap3A_259, %swap3A_260], %add3A_257 {strides = array<i32>} : memref<4x128xi32, #tpu.memory_space<vmem>>, vector<16xi32>,
    %add3A_262 = arith.constant 384 : i32
    %add3A_263 = arith.addi %mul3A_2, %add3A_262 : i32
    %add3A_264 = arith.constant 32 : i32
    %add3A_265 = arith.addi %add3A_263, %add3A_264 : i32
    %add3A_266 = vector.broadcast %add3A_265 : i32 to vector<16xi32>
    %add3A_267 = arith.addi %add3A_266, %iota3A : vector<16xi32>
    %swap3A_268 = arith.constant 3 : i32
    %swap3A_269 = arith.index_cast %swap3A_268 : i32 to index
    %swap3A_270 = arith.constant 32 : index
    %swap3A_271 = tpu.vector_load %arg11[%swap3A_269, %swap3A_270] {strides = array<i32>} : memref<4x128xi32, #tpu.memory_space<vmem>>, vector<16xi32>,
    tpu.vector_store %arg11[%swap3A_269, %swap3A_270], %add3A_267 {strides = array<i32>} : memref<4x128xi32, #tpu.memory_space<vmem>>, vector<16xi32>,
    %add3A_272 = arith.constant 384 : i32
    %add3A_273 = arith.addi %mul3A_2, %add3A_272 : i32
    %add3A_274 = arith.constant 48 : i32
    %add3A_275 = arith.addi %add3A_273, %add3A_274 : i32
    %add3A_276 = vector.broadcast %add3A_275 : i32 to vector<16xi32>
    %add3A_277 = arith.addi %add3A_276, %iota3A : vector<16xi32>
    %swap3A_278 = arith.constant 3 : i32
    %swap3A_279 = arith.index_cast %swap3A_278 : i32 to index
    %swap3A_280 = arith.constant 48 : index
    %swap3A_281 = tpu.vector_load %arg11[%swap3A_279, %swap3A_280] {strides = array<i32>} : memref<4x128xi32, #tpu.memory_space<vmem>>, vector<16xi32>,
    tpu.vector_store %arg11[%swap3A_279, %swap3A_280], %add3A_277 {strides = array<i32>} : memref<4x128xi32, #tpu.memory_space<vmem>>, vector<16xi32>,
    %add3A_282 = arith.constant 384 : i32
    %add3A_283 = arith.addi %mul3A_2, %add3A_282 : i32
    %add3A_284 = arith.constant 64 : i32
    %add3A_285 = arith.addi %add3A_283, %add3A_284 : i32
    %add3A_286 = vector.broadcast %add3A_285 : i32 to vector<16xi32>
    %add3A_287 = arith.addi %add3A_286, %iota3A : vector<16xi32>
    %swap3A_288 = arith.constant 3 : i32
    %swap3A_289 = arith.index_cast %swap3A_288 : i32 to index
    %swap3A_290 = arith.constant 64 : index
    %swap3A_291 = tpu.vector_load %arg11[%swap3A_289, %swap3A_290] {strides = array<i32>} : memref<4x128xi32, #tpu.memory_space<vmem>>, vector<16xi32>,
    tpu.vector_store %arg11[%swap3A_289, %swap3A_290], %add3A_287 {strides = array<i32>} : memref<4x128xi32, #tpu.memory_space<vmem>>, vector<16xi32>,
    %add3A_292 = arith.constant 384 : i32
    %add3A_293 = arith.addi %mul3A_2, %add3A_292 : i32
    %add3A_294 = arith.constant 80 : i32
    %add3A_295 = arith.addi %add3A_293, %add3A_294 : i32
    %add3A_296 = vector.broadcast %add3A_295 : i32 to vector<16xi32>
    %add3A_297 = arith.addi %add3A_296, %iota3A : vector<16xi32>
    %swap3A_298 = arith.constant 3 : i32
    %swap3A_299 = arith.index_cast %swap3A_298 : i32 to index
    %swap3A_300 = arith.constant 80 : index
    %swap3A_301 = tpu.vector_load %arg11[%swap3A_299, %swap3A_300] {strides = array<i32>} : memref<4x128xi32, #tpu.memory_space<vmem>>, vector<16xi32>,
    tpu.vector_store %arg11[%swap3A_299, %swap3A_300], %add3A_297 {strides = array<i32>} : memref<4x128xi32, #tpu.memory_space<vmem>>, vector<16xi32>,
    %add3A_302 = arith.constant 384 : i32
    %add3A_303 = arith.addi %mul3A_2, %add3A_302 : i32
    %add3A_304 = arith.constant 96 : i32
    %add3A_305 = arith.addi %add3A_303, %add3A_304 : i32
    %add3A_306 = vector.broadcast %add3A_305 : i32 to vector<16xi32>
    %add3A_307 = arith.addi %add3A_306, %iota3A : vector<16xi32>
    %swap3A_308 = arith.constant 3 : i32
    %swap3A_309 = arith.index_cast %swap3A_308 : i32 to index
    %swap3A_310 = arith.constant 96 : index
    %swap3A_311 = tpu.vector_load %arg11[%swap3A_309, %swap3A_310] {strides = array<i32>} : memref<4x128xi32, #tpu.memory_space<vmem>>, vector<16xi32>,
    tpu.vector_store %arg11[%swap3A_309, %swap3A_310], %add3A_307 {strides = array<i32>} : memref<4x128xi32, #tpu.memory_space<vmem>>, vector<16xi32>,
    %add3A_312 = arith.constant 384 : i32
    %add3A_313 = arith.addi %mul3A_2, %add3A_312 : i32
    %add3A_314 = arith.constant 112 : i32
    %add3A_315 = arith.addi %add3A_313, %add3A_314 : i32
    %add3A_316 = vector.broadcast %add3A_315 : i32 to vector<16xi32>
    %add3A_317 = arith.addi %add3A_316, %iota3A : vector<16xi32>
    %swap3A_318 = arith.constant 3 : i32
    %swap3A_319 = arith.index_cast %swap3A_318 : i32 to index
    %swap3A_320 = arith.constant 112 : index
    %swap3A_321 = tpu.vector_load %arg11[%swap3A_319, %swap3A_320] {strides = array<i32>} : memref<4x128xi32, #tpu.memory_space<vmem>>, vector<16xi32>,
    tpu.vector_store %arg11[%swap3A_319, %swap3A_320], %add3A_317 {strides = array<i32>} : memref<4x128xi32, #tpu.memory_space<vmem>>, vector<16xi32>,
    %get3A = arith.constant 0 : index
    %get3A_322 = tpu.vector_load %arg12[%get3A] {strides = array<i32>} : memref<512xi32, #tpu.memory_space<vmem>>, vector<16xi32>,
    %slice3A = vector.extract_strided_slice %get3A_322 {offsets = [0], sizes = [1], strides = [1]} : vector<16xi32> to vector<1xi32>
    %squeeze3A = vector.extract %slice3A[0] : i32 from vector<1xi32>
    %jit3A = arith.constant 128 : i32
    %div3A = arith.divsi %squeeze3A, %jit3A : i32
    %sign3A = arith.constant 0 : i32
    %sign3A_323 = arith.cmpi sgt, %squeeze3A, %sign3A : i32
    %sign3A_324 = arith.extui %sign3A_323 : i1 to i32
    %sign3A_325 = arith.constant 0 : i32
    %sign3A_326 = arith.cmpi slt, %squeeze3A, %sign3A_325 : i32
    %sign3A_327 = arith.extui %sign3A_326 : i1 to i32
    %sign3A_328 = arith.subi %sign3A_324, %sign3A_327 : i32
    %sign3A_329 = arith.constant 0 : i32
    %sign3A_330 = arith.cmpi sgt, %jit3A, %sign3A_329 : i32
    %sign3A_331 = arith.extui %sign3A_330 : i1 to i32
    %sign3A_332 = arith.constant 0 : i32
    %sign3A_333 = arith.cmpi slt, %jit3A, %sign3A_332 : i32
    %sign3A_334 = arith.extui %sign3A_333 : i1 to i32
    %sign3A_335 = arith.subi %sign3A_331, %sign3A_334 : i32
    %ne3A = arith.cmpi ne, %sign3A_328, %sign3A_335 : i32
    %rem3A = arith.remsi %squeeze3A, %jit3A : i32
    %ne3A_336 = arith.constant 0 : i32
    %ne3A_337 = arith.cmpi ne, %rem3A, %ne3A_336 : i32
    %and3A = arith.andi %ne3A, %ne3A_337 : i1
    %sub3A = arith.constant 1 : i32
    %sub3A_338 = arith.subi %div3A, %sub3A : i32
    %select_n3A = arith.select %and3A, %sub3A_338, %div3A : i32
    %mul3A_339 = arith.constant 128 : i32
    %mul3A_340 = arith.muli %select_n3A, %mul3A_339 : i32
    %multiple_of3A = tpu.assume_multiple %mul3A_340, 128 : i32
    %dma_start3A = arith.constant 0 : i32
    %dma_start3A_341 = tpu.memref_slice %arg4[%dma_start3A, %multiple_of3A] : memref<64x1000000xf32, #tpu.memory_space<hbm>> -> memref<64x128xf32, #tpu.memory_space<hbm>>
    %dma_start3A_342 = arith.constant 0 : i32
    %dma_start3A_343 = tpu.memref_slice %arg4[%dma_start3A_342, %multiple_of3A] : memref<64x1000000xf32, #tpu.memory_space<hbm>> -> memref<64x128xf32, #tpu.memory_space<hbm>>
    tpu.enqueue_dma source(%dma_start3A_343 : memref<64x128xf32, #tpu.memory_space<hbm>>) target(%arg8 : memref<64x128xf32, #tpu.memory_space<vmem>>) target_semaphore(%arg14 : memref<!tpu.dma_semaphore, #tpu.memory_space<semaphore_mem>>)
    %scan3A = arith.constant 0 : i32
    %scan3A_344 = arith.constant 0 : i32
    %scan3A_345 = arith.constant 32 : i32
    %scan3A_346 = arith.addi %scan3A_344, %scan3A_345 : i32
    %scan3A_347 = arith.constant 1 : i32
    scf.for %scan3A_418 = %scan3A_344 to %scan3A_346 step %scan3A_347  : i32 {
      %broadcast_in_dim3A = arith.constant 0.000000e+00 : f32
      %broadcast_in_dim3A_419 = vector.broadcast %broadcast_in_dim3A : f32 to vector<16xf32>
      %mul3A_420 = arith.constant 16 : i32
      %mul3A_421 = arith.muli %scan3A_418, %mul3A_420 : i32
      %get3A_422 = arith.index_cast %mul3A_421 : i32 to index
      %get3A_423 = tpu.vector_load %arg12[%get3A_422] {strides = array<i32>} : memref<512xi32, #tpu.memory_space<vmem>>, vector<16xi32>,
      %add3A_424 = arith.constant 1 : i32
      %add3A_425 = arith.addi %scan3A_418, %add3A_424 : i32
      %min3A = arith.constant 31 : i32
      %min3A_426 = arith.minsi %add3A_425, %min3A : i32
      %mul3A_427 = arith.constant 16 : i32
      %mul3A_428 = arith.muli %min3A_426, %mul3A_427 : i32
      %get3A_429 = arith.index_cast %mul3A_428 : i32 to index
      %get3A_430 = tpu.vector_load %arg12[%get3A_429] {strides = array<i32>} : memref<512xi32, #tpu.memory_space<vmem>>, vector<16xi32>,
      %mul3A_431 = arith.constant 16 : i32
      %mul3A_432 = arith.muli %scan3A_418, %mul3A_431 : i32
      %get3A_433 = arith.index_cast %mul3A_432 : i32 to index
      %get3A_434 = tpu.vector_load %arg13[%get3A_433] {strides = array<i32>} : memref<512xi32, #tpu.memory_space<vmem>>, vector<16xi32>,
      %dma_wait3A_435 = arith.constant 0 : i32
      %dma_wait3A_436 = arith.constant 0 : i32
      %dma_wait3A_437 = tpu.memref_slice %arg4[%dma_wait3A_435, %dma_wait3A_436] : memref<64x1000000xf32, #tpu.memory_space<hbm>> -> memref<64x128xf32, #tpu.memory_space<hbm>>
      %dma_wait3A_438 = arith.constant 0 : i32
      %dma_wait3A_439 = arith.constant 0 : i32
      %dma_wait3A_440 = tpu.memref_slice %arg4[%dma_wait3A_438, %dma_wait3A_439] : memref<64x1000000xf32, #tpu.memory_space<hbm>> -> memref<64x128xf32, #tpu.memory_space<hbm>>
      tpu.wait_dma2 semaphore(%arg14 : memref<!tpu.dma_semaphore, #tpu.memory_space<semaphore_mem>>) src(%dma_wait3A_440 : memref<64x128xf32, #tpu.memory_space<hbm>>) dst(%arg8 : memref<64x128xf32, #tpu.memory_space<vmem>>)
      %slice3A_441 = vector.extract_strided_slice %get3A_423 {offsets = [1], sizes = [1], strides = [1]} : vector<16xi32> to vector<1xi32>
      %squeeze3A_442 = vector.extract %slice3A_441[0] : i32 from vector<1xi32>
      %jit3A_443 = arith.constant 128 : i32
      %div3A_444 = arith.divsi %squeeze3A_442, %jit3A_443 : i32
      %sign3A_445 = arith.constant 0 : i32
      %sign3A_446 = arith.cmpi sgt, %squeeze3A_442, %sign3A_445 : i32
      %sign3A_447 = arith.extui %sign3A_446 : i1 to i32
      %sign3A_448 = arith.constant 0 : i32
      %sign3A_449 = arith.cmpi slt, %squeeze3A_442, %sign3A_448 : i32
      %sign3A_450 = arith.extui %sign3A_449 : i1 to i32
      %sign3A_451 = arith.subi %sign3A_447, %sign3A_450 : i32
      %sign3A_452 = arith.constant 0 : i32
      %sign3A_453 = arith.cmpi sgt, %jit3A_443, %sign3A_452 : i32
      %sign3A_454 = arith.extui %sign3A_453 : i1 to i32
      %sign3A_455 = arith.constant 0 : i32
      %sign3A_456 = arith.cmpi slt, %jit3A_443, %sign3A_455 : i32
      %sign3A_457 = arith.extui %sign3A_456 : i1 to i32
      %sign3A_458 = arith.subi %sign3A_454, %sign3A_457 : i32
      %ne3A_459 = arith.cmpi ne, %sign3A_451, %sign3A_458 : i32
      %rem3A_460 = arith.remsi %squeeze3A_442, %jit3A_443 : i32
      %ne3A_461 = arith.constant 0 : i32
      %ne3A_462 = arith.cmpi ne, %rem3A_460, %ne3A_461 : i32
      %and3A_463 = arith.andi %ne3A_459, %ne3A_462 : i1
      %sub3A_464 = arith.constant 1 : i32
      %sub3A_465 = arith.subi %div3A_444, %sub3A_464 : i32
      %select_n3A_466 = arith.select %and3A_463, %sub3A_465, %div3A_444 : i32
      %mul3A_467 = arith.constant 128 : i32
      %mul3A_468 = arith.muli %select_n3A_466, %mul3A_467 : i32
      %multiple_of3A_469 = tpu.assume_multiple %mul3A_468, 128 : i32
      %dma_start3A_470 = arith.constant 0 : i32
      %dma_start3A_471 = tpu.memref_slice %arg4[%dma_start3A_470, %multiple_of3A_469] : memref<64x1000000xf32, #tpu.memory_space<hbm>> -> memref<64x128xf32, #tpu.memory_space<hbm>>
      %dma_start3A_472 = arith.constant 0 : i32
      %dma_start3A_473 = tpu.memref_slice %arg4[%dma_start3A_472, %multiple_of3A_469] : memref<64x1000000xf32, #tpu.memory_space<hbm>> -> memref<64x128xf32, #tpu.memory_space<hbm>>
      tpu.enqueue_dma source(%dma_start3A_473 : memref<64x128xf32, #tpu.memory_space<hbm>>) target(%arg9 : memref<64x128xf32, #tpu.memory_space<vmem>>) target_semaphore(%arg15 : memref<!tpu.dma_semaphore, #tpu.memory_space<semaphore_mem>>)
      %slice3A_474 = vector.extract_strided_slice %get3A_423 {offsets = [0], sizes = [1], strides = [1]} : vector<16xi32> to vector<1xi32>
      %squeeze3A_475 = vector.extract %slice3A_474[0] : i32 from vector<1xi32>
      %and3A_476 = arith.constant 127 : i32
      %and3A_477 = arith.andi %squeeze3A_475, %and3A_476 : i32
      %slice3A_478 = vector.extract_strided_slice %get3A_434 {offsets = [0], sizes = [1], strides = [1]} : vector<16xi32> to vector<1xi32>
      %squeeze3A_479 = vector.extract %slice3A_478[0] : i32 from vector<1xi32>
      %broadcast_in_dim3A_480 = arith.constant 0.000000e+00 : f32
      %broadcast_in_dim3A_481 = vector.broadcast %broadcast_in_dim3A_480 : f32 to vector<16xf32>
      %add3A_482 = arith.constant 0 : i32
      %add3A_483 = vector.broadcast %add3A_482 : i32 to vector<16xi32>
      %add3A_484 = arith.addi %iota3A, %add3A_483 : vector<16xi32>
      %broadcast_in_dim3A_485 = vector.broadcast %and3A_477 : i32 to vector<16xi32>
      %gather3A = tpu.vector_load_idx %arg8[%add3A_484, %broadcast_in_dim3A_485] : memref<64x128xf32, #tpu.memory_space<vmem>>[vector<16xi32>, vector<16xi32>], vector<16xf32>,
      %broadcast_in_dim3A_486 = vector.broadcast %squeeze3A_479 : i32 to vector<16xi32>
      %gather3A_487 = tpu.vector_load_idx %arg7[%add3A_484, %broadcast_in_dim3A_486] : memref<64x1000xf32, #tpu.memory_space<vmem>>[vector<16xi32>, vector<16xi32>], vector<16xf32>,
      %mul3A_488 = arith.mulf %gather3A, %gather3A_487 : vector<16xf32>
      %add3A_489 = arith.addf %broadcast_in_dim3A_481, %mul3A_488 : vector<16xf32>
      %add3A_490 = arith.constant 16 : i32
      %add3A_491 = vector.broadcast %add3A_490 : i32 to vector<16xi32>
      %add3A_492 = arith.addi %iota3A, %add3A_491 : vector<16xi32>
      %broadcast_in_dim3A_493 = vector.broadcast %and3A_477 : i32 to vector<16xi32>
      %gather3A_494 = tpu.vector_load_idx %arg8[%add3A_492, %broadcast_in_dim3A_493] : memref<64x128xf32, #tpu.memory_space<vmem>>[vector<16xi32>, vector<16xi32>], vector<16xf32>,
      %broadcast_in_dim3A_495 = vector.broadcast %squeeze3A_479 : i32 to vector<16xi32>
      %gather3A_496 = tpu.vector_load_idx %arg7[%add3A_492, %broadcast_in_dim3A_495] : memref<64x1000xf32, #tpu.memory_space<vmem>>[vector<16xi32>, vector<16xi32>], vector<16xf32>,
      %mul3A_497 = arith.mulf %gather3A_494, %gather3A_496 : vector<16xf32>
      %add3A_498 = arith.addf %add3A_489, %mul3A_497 : vector<16xf32>
      %add3A_499 = arith.constant 32 : i32
      %add3A_500 = vector.broadcast %add3A_499 : i32 to vector<16xi32>
      %add3A_501 = arith.addi %iota3A, %add3A_500 : vector<16xi32>
      %broadcast_in_dim3A_502 = vector.broadcast %and3A_477 : i32 to vector<16xi32>
      %gather3A_503 = tpu.vector_load_idx %arg8[%add3A_501, %broadcast_in_dim3A_502] : memref<64x128xf32, #tpu.memory_space<vmem>>[vector<16xi32>, vector<16xi32>], vector<16xf32>,
      %broadcast_in_dim3A_504 = vector.broadcast %squeeze3A_479 : i32 to vector<16xi32>
      %gather3A_505 = tpu.vector_load_idx %arg7[%add3A_501, %broadcast_in_dim3A_504] : memref<64x1000xf32, #tpu.memory_space<vmem>>[vector<16xi32>, vector<16xi32>], vector<16xf32>,
      %mul3A_506 = arith.mulf %gather3A_503, %gather3A_505 : vector<16xf32>
      %add3A_507 = arith.addf %add3A_498, %mul3A_506 : vector<16xf32>
      %add3A_508 = arith.constant 48 : i32
      %add3A_509 = vector.broadcast %add3A_508 : i32 to vector<16xi32>
      %add3A_510 = arith.addi %iota3A, %add3A_509 : vector<16xi32>
      %broadcast_in_dim3A_511 = vector.broadcast %and3A_477 : i32 to vector<16xi32>
      %gather3A_512 = tpu.vector_load_idx %arg8[%add3A_510, %broadcast_in_dim3A_511] : memref<64x128xf32, #tpu.memory_space<vmem>>[vector<16xi32>, vector<16xi32>], vector<16xf32>,
      %broadcast_in_dim3A_513 = vector.broadcast %squeeze3A_479 : i32 to vector<16xi32>
      %gather3A_514 = tpu.vector_load_idx %arg7[%add3A_510, %broadcast_in_dim3A_513] : memref<64x1000xf32, #tpu.memory_space<vmem>>[vector<16xi32>, vector<16xi32>], vector<16xf32>,
      %mul3A_515 = arith.mulf %gather3A_512, %gather3A_514 : vector<16xf32>
      %add3A_516 = arith.addf %add3A_507, %mul3A_515 : vector<16xf32>
      %eq3A = arith.constant 0 : i32
      %eq3A_517 = vector.broadcast %eq3A : i32 to vector<16xi32>
      %eq3A_518 = arith.cmpi eq, %iota3A, %eq3A_517 : vector<16xi32>
      %reduce_sum3A = arith.constant true
      %reduce_sum3A_519 = vector.broadcast %reduce_sum3A : i1 to vector<16xi1>
      %reduce_sum3A_520 = tpu.scan <sum>, %add3A_516 masked %reduce_sum3A_519 : vector<16xf32>, vector<16xi1> -> vector<16xf32>
      %reduce_sum3A_521 = vector.extract %reduce_sum3A_520[15] : f32 from vector<16xf32>
      %broadcast_in_dim3A_522 = vector.broadcast %reduce_sum3A_521 : f32 to vector<16xf32>
      %select_n3A_523 = arith.select %eq3A_518, %broadcast_in_dim3A_522, %broadcast_in_dim3A_419 : vector<16xi1>, vector<16xf32>
      %dma_wait3A_524 = arith.constant 0 : i32
      %dma_wait3A_525 = arith.constant 0 : i32
      %dma_wait3A_526 = tpu.memref_slice %arg4[%dma_wait3A_524, %dma_wait3A_525] : memref<64x1000000xf32, #tpu.memory_space<hbm>> -> memref<64x128xf32, #tpu.memory_space<hbm>>
      %dma_wait3A_527 = arith.constant 0 : i32
      %dma_wait3A_528 = arith.constant 0 : i32
      %dma_wait3A_529 = tpu.memref_slice %arg4[%dma_wait3A_527, %dma_wait3A_528] : memref<64x1000000xf32, #tpu.memory_space<hbm>> -> memref<64x128xf32, #tpu.memory_space<hbm>>
      tpu.wait_dma2 semaphore(%arg15 : memref<!tpu.dma_semaphore, #tpu.memory_space<semaphore_mem>>) src(%dma_wait3A_529 : memref<64x128xf32, #tpu.memory_space<hbm>>) dst(%arg9 : memref<64x128xf32, #tpu.memory_space<vmem>>)
      %slice3A_530 = vector.extract_strided_slice %get3A_423 {offsets = [2], sizes = [1], strides = [1]} : vector<16xi32> to vector<1xi32>
      %squeeze3A_531 = vector.extract %slice3A_530[0] : i32 from vector<1xi32>
      %jit3A_532 = arith.constant 128 : i32
      %div3A_533 = arith.divsi %squeeze3A_531, %jit3A_532 : i32
      %sign3A_534 = arith.constant 0 : i32
      %sign3A_535 = arith.cmpi sgt, %squeeze3A_531, %sign3A_534 : i32
      %sign3A_536 = arith.extui %sign3A_535 : i1 to i32
      %sign3A_537 = arith.constant 0 : i32
      %sign3A_538 = arith.cmpi slt, %squeeze3A_531, %sign3A_537 : i32
      %sign3A_539 = arith.extui %sign3A_538 : i1 to i32
      %sign3A_540 = arith.subi %sign3A_536, %sign3A_539 : i32
      %sign3A_541 = arith.constant 0 : i32
      %sign3A_542 = arith.cmpi sgt, %jit3A_532, %sign3A_541 : i32
      %sign3A_543 = arith.extui %sign3A_542 : i1 to i32
      %sign3A_544 = arith.constant 0 : i32
      %sign3A_545 = arith.cmpi slt, %jit3A_532, %sign3A_544 : i32
      %sign3A_546 = arith.extui %sign3A_545 : i1 to i32
      %sign3A_547 = arith.subi %sign3A_543, %sign3A_546 : i32
      %ne3A_548 = arith.cmpi ne, %sign3A_540, %sign3A_547 : i32
      %rem3A_549 = arith.remsi %squeeze3A_531, %jit3A_532 : i32
      %ne3A_550 = arith.constant 0 : i32
      %ne3A_551 = arith.cmpi ne, %rem3A_549, %ne3A_550 : i32
      %and3A_552 = arith.andi %ne3A_548, %ne3A_551 : i1
      %sub3A_553 = arith.constant 1 : i32
      %sub3A_554 = arith.subi %div3A_533, %sub3A_553 : i32
      %select_n3A_555 = arith.select %and3A_552, %sub3A_554, %div3A_533 : i32
      %mul3A_556 = arith.constant 128 : i32
      %mul3A_557 = arith.muli %select_n3A_555, %mul3A_556 : i32
      %multiple_of3A_558 = tpu.assume_multiple %mul3A_557, 128 : i32
      %dma_start3A_559 = arith.constant 0 : i32
      %dma_start3A_560 = tpu.memref_slice %arg4[%dma_start3A_559, %multiple_of3A_558] : memref<64x1000000xf32, #tpu.memory_space<hbm>> -> memref<64x128xf32, #tpu.memory_space<hbm>>
      %dma_start3A_561 = arith.constant 0 : i32
      %dma_start3A_562 = tpu.memref_slice %arg4[%dma_start3A_561, %multiple_of3A_558] : memref<64x1000000xf32, #tpu.memory_space<hbm>> -> memref<64x128xf32, #tpu.memory_space<hbm>>
      tpu.enqueue_dma source(%dma_start3A_562 : memref<64x128xf32, #tpu.memory_space<hbm>>) target(%arg8 : memref<64x128xf32, #tpu.memory_space<vmem>>) target_semaphore(%arg14 : memref<!tpu.dma_semaphore, #tpu.memory_space<semaphore_mem>>)
      %slice3A_563 = vector.extract_strided_slice %get3A_423 {offsets = [1], sizes = [1], strides = [1]} : vector<16xi32> to vector<1xi32>
      %squeeze3A_564 = vector.extract %slice3A_563[0] : i32 from vector<1xi32>
      %and3A_565 = arith.constant 127 : i32
      %and3A_566 = arith.andi %squeeze3A_564, %and3A_565 : i32
      %slice3A_567 = vector.extract_strided_slice %get3A_434 {offsets = [1], sizes = [1], strides = [1]} : vector<16xi32> to vector<1xi32>
      %squeeze3A_568 = vector.extract %slice3A_567[0] : i32 from vector<1xi32>
      %broadcast_in_dim3A_569 = arith.constant 0.000000e+00 : f32
      %broadcast_in_dim3A_570 = vector.broadcast %broadcast_in_dim3A_569 : f32 to vector<16xf32>
      %add3A_571 = arith.constant 0 : i32
      %add3A_572 = vector.broadcast %add3A_571 : i32 to vector<16xi32>
      %add3A_573 = arith.addi %iota3A, %add3A_572 : vector<16xi32>
      %broadcast_in_dim3A_574 = vector.broadcast %and3A_566 : i32 to vector<16xi32>
      %gather3A_575 = tpu.vector_load_idx %arg9[%add3A_573, %broadcast_in_dim3A_574] : memref<64x128xf32, #tpu.memory_space<vmem>>[vector<16xi32>, vector<16xi32>], vector<16xf32>,
      %broadcast_in_dim3A_576 = vector.broadcast %squeeze3A_568 : i32 to vector<16xi32>
      %gather3A_577 = tpu.vector_load_idx %arg7[%add3A_573, %broadcast_in_dim3A_576] : memref<64x1000xf32, #tpu.memory_space<vmem>>[vector<16xi32>, vector<16xi32>], vector<16xf32>,
      %mul3A_578 = arith.mulf %gather3A_575, %gather3A_577 : vector<16xf32>
      %add3A_579 = arith.addf %broadcast_in_dim3A_570, %mul3A_578 : vector<16xf32>
      %add3A_580 = arith.constant 16 : i32
      %add3A_581 = vector.broadcast %add3A_580 : i32 to vector<16xi32>
      %add3A_582 = arith.addi %iota3A, %add3A_581 : vector<16xi32>
      %broadcast_in_dim3A_583 = vector.broadcast %and3A_566 : i32 to vector<16xi32>
      %gather3A_584 = tpu.vector_load_idx %arg9[%add3A_582, %broadcast_in_dim3A_583] : memref<64x128xf32, #tpu.memory_space<vmem>>[vector<16xi32>, vector<16xi32>], vector<16xf32>,
      %broadcast_in_dim3A_585 = vector.broadcast %squeeze3A_568 : i32 to vector<16xi32>
      %gather3A_586 = tpu.vector_load_idx %arg7[%add3A_582, %broadcast_in_dim3A_585] : memref<64x1000xf32, #tpu.memory_space<vmem>>[vector<16xi32>, vector<16xi32>], vector<16xf32>,
      %mul3A_587 = arith.mulf %gather3A_584, %gather3A_586 : vector<16xf32>
      %add3A_588 = arith.addf %add3A_579, %mul3A_587 : vector<16xf32>
      %add3A_589 = arith.constant 32 : i32
      %add3A_590 = vector.broadcast %add3A_589 : i32 to vector<16xi32>
      %add3A_591 = arith.addi %iota3A, %add3A_590 : vector<16xi32>
      %broadcast_in_dim3A_592 = vector.broadcast %and3A_566 : i32 to vector<16xi32>
      %gather3A_593 = tpu.vector_load_idx %arg9[%add3A_591, %broadcast_in_dim3A_592] : memref<64x128xf32, #tpu.memory_space<vmem>>[vector<16xi32>, vector<16xi32>], vector<16xf32>,
      %broadcast_in_dim3A_594 = vector.broadcast %squeeze3A_568 : i32 to vector<16xi32>
      %gather3A_595 = tpu.vector_load_idx %arg7[%add3A_591, %broadcast_in_dim3A_594] : memref<64x1000xf32, #tpu.memory_space<vmem>>[vector<16xi32>, vector<16xi32>], vector<16xf32>,
      %mul3A_596 = arith.mulf %gather3A_593, %gather3A_595 : vector<16xf32>
      %add3A_597 = arith.addf %add3A_588, %mul3A_596 : vector<16xf32>
      %add3A_598 = arith.constant 48 : i32
      %add3A_599 = vector.broadcast %add3A_598 : i32 to vector<16xi32>
      %add3A_600 = arith.addi %iota3A, %add3A_599 : vector<16xi32>
      %broadcast_in_dim3A_601 = vector.broadcast %and3A_566 : i32 to vector<16xi32>
      %gather3A_602 = tpu.vector_load_idx %arg9[%add3A_600, %broadcast_in_dim3A_601] : memref<64x128xf32, #tpu.memory_space<vmem>>[vector<16xi32>, vector<16xi32>], vector<16xf32>,
      %broadcast_in_dim3A_603 = vector.broadcast %squeeze3A_568 : i32 to vector<16xi32>
      %gather3A_604 = tpu.vector_load_idx %arg7[%add3A_600, %broadcast_in_dim3A_603] : memref<64x1000xf32, #tpu.memory_space<vmem>>[vector<16xi32>, vector<16xi32>], vector<16xf32>,
      %mul3A_605 = arith.mulf %gather3A_602, %gather3A_604 : vector<16xf32>
      %add3A_606 = arith.addf %add3A_597, %mul3A_605 : vector<16xf32>
      %eq3A_607 = arith.constant 1 : i32
      %eq3A_608 = vector.broadcast %eq3A_607 : i32 to vector<16xi32>
      %eq3A_609 = arith.cmpi eq, %iota3A, %eq3A_608 : vector<16xi32>
      %reduce_sum3A_610 = arith.constant true
      %reduce_sum3A_611 = vector.broadcast %reduce_sum3A_610 : i1 to vector<16xi1>
      %reduce_sum3A_612 = tpu.scan <sum>, %add3A_606 masked %reduce_sum3A_611 : vector<16xf32>, vector<16xi1> -> vector<16xf32>
      %reduce_sum3A_613 = vector.extract %reduce_sum3A_612[15] : f32 from vector<16xf32>
      %broadcast_in_dim3A_614 = vector.broadcast %reduce_sum3A_613 : f32 to vector<16xf32>
      %select_n3A_615 = arith.select %eq3A_609, %broadcast_in_dim3A_614, %select_n3A_523 : vector<16xi1>, vector<16xf32>
      %dma_wait3A_616 = arith.constant 0 : i32
      %dma_wait3A_617 = arith.constant 0 : i32
      %dma_wait3A_618 = tpu.memref_slice %arg4[%dma_wait3A_616, %dma_wait3A_617] : memref<64x1000000xf32, #tpu.memory_space<hbm>> -> memref<64x128xf32, #tpu.memory_space<hbm>>
      %dma_wait3A_619 = arith.constant 0 : i32
      %dma_wait3A_620 = arith.constant 0 : i32
      %dma_wait3A_621 = tpu.memref_slice %arg4[%dma_wait3A_619, %dma_wait3A_620] : memref<64x1000000xf32, #tpu.memory_space<hbm>> -> memref<64x128xf32, #tpu.memory_space<hbm>>
      tpu.wait_dma2 semaphore(%arg14 : memref<!tpu.dma_semaphore, #tpu.memory_space<semaphore_mem>>) src(%dma_wait3A_621 : memref<64x128xf32, #tpu.memory_space<hbm>>) dst(%arg8 : memref<64x128xf32, #tpu.memory_space<vmem>>)
      %slice3A_622 = vector.extract_strided_slice %get3A_423 {offsets = [3], sizes = [1], strides = [1]} : vector<16xi32> to vector<1xi32>
      %squeeze3A_623 = vector.extract %slice3A_622[0] : i32 from vector<1xi32>
      %jit3A_624 = arith.constant 128 : i32
      %div3A_625 = arith.divsi %squeeze3A_623, %jit3A_624 : i32
      %sign3A_626 = arith.constant 0 : i32
      %sign3A_627 = arith.cmpi sgt, %squeeze3A_623, %sign3A_626 : i32
      %sign3A_628 = arith.extui %sign3A_627 : i1 to i32
      %sign3A_629 = arith.constant 0 : i32
      %sign3A_630 = arith.cmpi slt, %squeeze3A_623, %sign3A_629 : i32
      %sign3A_631 = arith.extui %sign3A_630 : i1 to i32
      %sign3A_632 = arith.subi %sign3A_628, %sign3A_631 : i32
      %sign3A_633 = arith.constant 0 : i32
      %sign3A_634 = arith.cmpi sgt, %jit3A_624, %sign3A_633 : i32
      %sign3A_635 = arith.extui %sign3A_634 : i1 to i32
      %sign3A_636 = arith.constant 0 : i32
      %sign3A_637 = arith.cmpi slt, %jit3A_624, %sign3A_636 : i32
      %sign3A_638 = arith.extui %sign3A_637 : i1 to i32
      %sign3A_639 = arith.subi %sign3A_635, %sign3A_638 : i32
      %ne3A_640 = arith.cmpi ne, %sign3A_632, %sign3A_639 : i32
      %rem3A_641 = arith.remsi %squeeze3A_623, %jit3A_624 : i32
      %ne3A_642 = arith.constant 0 : i32
      %ne3A_643 = arith.cmpi ne, %rem3A_641, %ne3A_642 : i32
      %and3A_644 = arith.andi %ne3A_640, %ne3A_643 : i1
      %sub3A_645 = arith.constant 1 : i32
      %sub3A_646 = arith.subi %div3A_625, %sub3A_645 : i32
      %select_n3A_647 = arith.select %and3A_644, %sub3A_646, %div3A_625 : i32
      %mul3A_648 = arith.constant 128 : i32
      %mul3A_649 = arith.muli %select_n3A_647, %mul3A_648 : i32
      %multiple_of3A_650 = tpu.assume_multiple %mul3A_649, 128 : i32
      %dma_start3A_651 = arith.constant 0 : i32
      %dma_start3A_652 = tpu.memref_slice %arg4[%dma_start3A_651, %multiple_of3A_650] : memref<64x1000000xf32, #tpu.memory_space<hbm>> -> memref<64x128xf32, #tpu.memory_space<hbm>>
      %dma_start3A_653 = arith.constant 0 : i32
      %dma_start3A_654 = tpu.memref_slice %arg4[%dma_start3A_653, %multiple_of3A_650] : memref<64x1000000xf32, #tpu.memory_space<hbm>> -> memref<64x128xf32, #tpu.memory_space<hbm>>
      tpu.enqueue_dma source(%dma_start3A_654 : memref<64x128xf32, #tpu.memory_space<hbm>>) target(%arg9 : memref<64x128xf32, #tpu.memory_space<vmem>>) target_semaphore(%arg15 : memref<!tpu.dma_semaphore, #tpu.memory_space<semaphore_mem>>)
      %slice3A_655 = vector.extract_strided_slice %get3A_423 {offsets = [2], sizes = [1], strides = [1]} : vector<16xi32> to vector<1xi32>
      %squeeze3A_656 = vector.extract %slice3A_655[0] : i32 from vector<1xi32>
      %and3A_657 = arith.constant 127 : i32
      %and3A_658 = arith.andi %squeeze3A_656, %and3A_657 : i32
      %slice3A_659 = vector.extract_strided_slice %get3A_434 {offsets = [2], sizes = [1], strides = [1]} : vector<16xi32> to vector<1xi32>
      %squeeze3A_660 = vector.extract %slice3A_659[0] : i32 from vector<1xi32>
      %broadcast_in_dim3A_661 = arith.constant 0.000000e+00 : f32
      %broadcast_in_dim3A_662 = vector.broadcast %broadcast_in_dim3A_661 : f32 to vector<16xf32>
      %add3A_663 = arith.constant 0 : i32
      %add3A_664 = vector.broadcast %add3A_663 : i32 to vector<16xi32>
      %add3A_665 = arith.addi %iota3A, %add3A_664 : vector<16xi32>
      %broadcast_in_dim3A_666 = vector.broadcast %and3A_658 : i32 to vector<16xi32>
      %gather3A_667 = tpu.vector_load_idx %arg8[%add3A_665, %broadcast_in_dim3A_666] : memref<64x128xf32, #tpu.memory_space<vmem>>[vector<16xi32>, vector<16xi32>], vector<16xf32>,
      %broadcast_in_dim3A_668 = vector.broadcast %squeeze3A_660 : i32 to vector<16xi32>
      %gather3A_669 = tpu.vector_load_idx %arg7[%add3A_665, %broadcast_in_dim3A_668] : memref<64x1000xf32, #tpu.memory_space<vmem>>[vector<16xi32>, vector<16xi32>], vector<16xf32>,
      %mul3A_670 = arith.mulf %gather3A_667, %gather3A_669 : vector<16xf32>
      %add3A_671 = arith.addf %broadcast_in_dim3A_662, %mul3A_670 : vector<16xf32>
      %add3A_672 = arith.constant 16 : i32
      %add3A_673 = vector.broadcast %add3A_672 : i32 to vector<16xi32>
      %add3A_674 = arith.addi %iota3A, %add3A_673 : vector<16xi32>
      %broadcast_in_dim3A_675 = vector.broadcast %and3A_658 : i32 to vector<16xi32>
      %gather3A_676 = tpu.vector_load_idx %arg8[%add3A_674, %broadcast_in_dim3A_675] : memref<64x128xf32, #tpu.memory_space<vmem>>[vector<16xi32>, vector<16xi32>], vector<16xf32>,
      %broadcast_in_dim3A_677 = vector.broadcast %squeeze3A_660 : i32 to vector<16xi32>
      %gather3A_678 = tpu.vector_load_idx %arg7[%add3A_674, %broadcast_in_dim3A_677] : memref<64x1000xf32, #tpu.memory_space<vmem>>[vector<16xi32>, vector<16xi32>], vector<16xf32>,
      %mul3A_679 = arith.mulf %gather3A_676, %gather3A_678 : vector<16xf32>
      %add3A_680 = arith.addf %add3A_671, %mul3A_679 : vector<16xf32>
      %add3A_681 = arith.constant 32 : i32
      %add3A_682 = vector.broadcast %add3A_681 : i32 to vector<16xi32>
      %add3A_683 = arith.addi %iota3A, %add3A_682 : vector<16xi32>
      %broadcast_in_dim3A_684 = vector.broadcast %and3A_658 : i32 to vector<16xi32>
      %gather3A_685 = tpu.vector_load_idx %arg8[%add3A_683, %broadcast_in_dim3A_684] : memref<64x128xf32, #tpu.memory_space<vmem>>[vector<16xi32>, vector<16xi32>], vector<16xf32>,
      %broadcast_in_dim3A_686 = vector.broadcast %squeeze3A_660 : i32 to vector<16xi32>
      %gather3A_687 = tpu.vector_load_idx %arg7[%add3A_683, %broadcast_in_dim3A_686] : memref<64x1000xf32, #tpu.memory_space<vmem>>[vector<16xi32>, vector<16xi32>], vector<16xf32>,
      %mul3A_688 = arith.mulf %gather3A_685, %gather3A_687 : vector<16xf32>
      %add3A_689 = arith.addf %add3A_680, %mul3A_688 : vector<16xf32>
      %add3A_690 = arith.constant 48 : i32
      %add3A_691 = vector.broadcast %add3A_690 : i32 to vector<16xi32>
      %add3A_692 = arith.addi %iota3A, %add3A_691 : vector<16xi32>
      %broadcast_in_dim3A_693 = vector.broadcast %and3A_658 : i32 to vector<16xi32>
      %gather3A_694 = tpu.vector_load_idx %arg8[%add3A_692, %broadcast_in_dim3A_693] : memref<64x128xf32, #tpu.memory_space<vmem>>[vector<16xi32>, vector<16xi32>], vector<16xf32>,
      %broadcast_in_dim3A_695 = vector.broadcast %squeeze3A_660 : i32 to vector<16xi32>
      %gather3A_696 = tpu.vector_load_idx %arg7[%add3A_692, %broadcast_in_dim3A_695] : memref<64x1000xf32, #tpu.memory_space<vmem>>[vector<16xi32>, vector<16xi32>], vector<16xf32>,
      %mul3A_697 = arith.mulf %gather3A_694, %gather3A_696 : vector<16xf32>
      %add3A_698 = arith.addf %add3A_689, %mul3A_697 : vector<16xf32>
      %eq3A_699 = arith.constant 2 : i32
      %eq3A_700 = vector.broadcast %eq3A_699 : i32 to vector<16xi32>
      %eq3A_701 = arith.cmpi eq, %iota3A, %eq3A_700 : vector<16xi32>
      %reduce_sum3A_702 = arith.constant true
      %reduce_sum3A_703 = vector.broadcast %reduce_sum3A_702 : i1 to vector<16xi1>
      %reduce_sum3A_704 = tpu.scan <sum>, %add3A_698 masked %reduce_sum3A_703 : vector<16xf32>, vector<16xi1> -> vector<16xf32>
      %reduce_sum3A_705 = vector.extract %reduce_sum3A_704[15] : f32 from vector<16xf32>
      %broadcast_in_dim3A_706 = vector.broadcast %reduce_sum3A_705 : f32 to vector<16xf32>
      %select_n3A_707 = arith.select %eq3A_701, %broadcast_in_dim3A_706, %select_n3A_615 : vector<16xi1>, vector<16xf32>
      %dma_wait3A_708 = arith.constant 0 : i32
      %dma_wait3A_709 = arith.constant 0 : i32
      %dma_wait3A_710 = tpu.memref_slice %arg4[%dma_wait3A_708, %dma_wait3A_709] : memref<64x1000000xf32, #tpu.memory_space<hbm>> -> memref<64x128xf32, #tpu.memory_space<hbm>>
      %dma_wait3A_711 = arith.constant 0 : i32
      %dma_wait3A_712 = arith.constant 0 : i32
      %dma_wait3A_713 = tpu.memref_slice %arg4[%dma_wait3A_711, %dma_wait3A_712] : memref<64x1000000xf32, #tpu.memory_space<hbm>> -> memref<64x128xf32, #tpu.memory_space<hbm>>
      tpu.wait_dma2 semaphore(%arg15 : memref<!tpu.dma_semaphore, #tpu.memory_space<semaphore_mem>>) src(%dma_wait3A_713 : memref<64x128xf32, #tpu.memory_space<hbm>>) dst(%arg9 : memref<64x128xf32, #tpu.memory_space<vmem>>)
      %slice3A_714 = vector.extract_strided_slice %get3A_423 {offsets = [4], sizes = [1], strides = [1]} : vector<16xi32> to vector<1xi32>
      %squeeze3A_715 = vector.extract %slice3A_714[0] : i32 from vector<1xi32>
      %jit3A_716 = arith.constant 128 : i32
      %div3A_717 = arith.divsi %squeeze3A_715, %jit3A_716 : i32
      %sign3A_718 = arith.constant 0 : i32
      %sign3A_719 = arith.cmpi sgt, %squeeze3A_715, %sign3A_718 : i32
      %sign3A_720 = arith.extui %sign3A_719 : i1 to i32
      %sign3A_721 = arith.constant 0 : i32
      %sign3A_722 = arith.cmpi slt, %squeeze3A_715, %sign3A_721 : i32
      %sign3A_723 = arith.extui %sign3A_722 : i1 to i32
      %sign3A_724 = arith.subi %sign3A_720, %sign3A_723 : i32
      %sign3A_725 = arith.constant 0 : i32
      %sign3A_726 = arith.cmpi sgt, %jit3A_716, %sign3A_725 : i32
      %sign3A_727 = arith.extui %sign3A_726 : i1 to i32
      %sign3A_728 = arith.constant 0 : i32
      %sign3A_729 = arith.cmpi slt, %jit3A_716, %sign3A_728 : i32
      %sign3A_730 = arith.extui %sign3A_729 : i1 to i32
      %sign3A_731 = arith.subi %sign3A_727, %sign3A_730 : i32
      %ne3A_732 = arith.cmpi ne, %sign3A_724, %sign3A_731 : i32
      %rem3A_733 = arith.remsi %squeeze3A_715, %jit3A_716 : i32
      %ne3A_734 = arith.constant 0 : i32
      %ne3A_735 = arith.cmpi ne, %rem3A_733, %ne3A_734 : i32
      %and3A_736 = arith.andi %ne3A_732, %ne3A_735 : i1
      %sub3A_737 = arith.constant 1 : i32
      %sub3A_738 = arith.subi %div3A_717, %sub3A_737 : i32
      %select_n3A_739 = arith.select %and3A_736, %sub3A_738, %div3A_717 : i32
      %mul3A_740 = arith.constant 128 : i32
      %mul3A_741 = arith.muli %select_n3A_739, %mul3A_740 : i32
      %multiple_of3A_742 = tpu.assume_multiple %mul3A_741, 128 : i32
      %dma_start3A_743 = arith.constant 0 : i32
      %dma_start3A_744 = tpu.memref_slice %arg4[%dma_start3A_743, %multiple_of3A_742] : memref<64x1000000xf32, #tpu.memory_space<hbm>> -> memref<64x128xf32, #tpu.memory_space<hbm>>
      %dma_start3A_745 = arith.constant 0 : i32
      %dma_start3A_746 = tpu.memref_slice %arg4[%dma_start3A_745, %multiple_of3A_742] : memref<64x1000000xf32, #tpu.memory_space<hbm>> -> memref<64x128xf32, #tpu.memory_space<hbm>>
      tpu.enqueue_dma source(%dma_start3A_746 : memref<64x128xf32, #tpu.memory_space<hbm>>) target(%arg8 : memref<64x128xf32, #tpu.memory_space<vmem>>) target_semaphore(%arg14 : memref<!tpu.dma_semaphore, #tpu.memory_space<semaphore_mem>>)
      %slice3A_747 = vector.extract_strided_slice %get3A_423 {offsets = [3], sizes = [1], strides = [1]} : vector<16xi32> to vector<1xi32>
      %squeeze3A_748 = vector.extract %slice3A_747[0] : i32 from vector<1xi32>
      %and3A_749 = arith.constant 127 : i32
      %and3A_750 = arith.andi %squeeze3A_748, %and3A_749 : i32
      %slice3A_751 = vector.extract_strided_slice %get3A_434 {offsets = [3], sizes = [1], strides = [1]} : vector<16xi32> to vector<1xi32>
      %squeeze3A_752 = vector.extract %slice3A_751[0] : i32 from vector<1xi32>
      %broadcast_in_dim3A_753 = arith.constant 0.000000e+00 : f32
      %broadcast_in_dim3A_754 = vector.broadcast %broadcast_in_dim3A_753 : f32 to vector<16xf32>
      %add3A_755 = arith.constant 0 : i32
      %add3A_756 = vector.broadcast %add3A_755 : i32 to vector<16xi32>
      %add3A_757 = arith.addi %iota3A, %add3A_756 : vector<16xi32>
      %broadcast_in_dim3A_758 = vector.broadcast %and3A_750 : i32 to vector<16xi32>
      %gather3A_759 = tpu.vector_load_idx %arg9[%add3A_757, %broadcast_in_dim3A_758] : memref<64x128xf32, #tpu.memory_space<vmem>>[vector<16xi32>, vector<16xi32>], vector<16xf32>,
      %broadcast_in_dim3A_760 = vector.broadcast %squeeze3A_752 : i32 to vector<16xi32>
      %gather3A_761 = tpu.vector_load_idx %arg7[%add3A_757, %broadcast_in_dim3A_760] : memref<64x1000xf32, #tpu.memory_space<vmem>>[vector<16xi32>, vector<16xi32>], vector<16xf32>,
      %mul3A_762 = arith.mulf %gather3A_759, %gather3A_761 : vector<16xf32>
      %add3A_763 = arith.addf %broadcast_in_dim3A_754, %mul3A_762 : vector<16xf32>
      %add3A_764 = arith.constant 16 : i32
      %add3A_765 = vector.broadcast %add3A_764 : i32 to vector<16xi32>
      %add3A_766 = arith.addi %iota3A, %add3A_765 : vector<16xi32>
      %broadcast_in_dim3A_767 = vector.broadcast %and3A_750 : i32 to vector<16xi32>
      %gather3A_768 = tpu.vector_load_idx %arg9[%add3A_766, %broadcast_in_dim3A_767] : memref<64x128xf32, #tpu.memory_space<vmem>>[vector<16xi32>, vector<16xi32>], vector<16xf32>,
      %broadcast_in_dim3A_769 = vector.broadcast %squeeze3A_752 : i32 to vector<16xi32>
      %gather3A_770 = tpu.vector_load_idx %arg7[%add3A_766, %broadcast_in_dim3A_769] : memref<64x1000xf32, #tpu.memory_space<vmem>>[vector<16xi32>, vector<16xi32>], vector<16xf32>,
      %mul3A_771 = arith.mulf %gather3A_768, %gather3A_770 : vector<16xf32>
      %add3A_772 = arith.addf %add3A_763, %mul3A_771 : vector<16xf32>
      %add3A_773 = arith.constant 32 : i32
      %add3A_774 = vector.broadcast %add3A_773 : i32 to vector<16xi32>
      %add3A_775 = arith.addi %iota3A, %add3A_774 : vector<16xi32>
      %broadcast_in_dim3A_776 = vector.broadcast %and3A_750 : i32 to vector<16xi32>
      %gather3A_777 = tpu.vector_load_idx %arg9[%add3A_775, %broadcast_in_dim3A_776] : memref<64x128xf32, #tpu.memory_space<vmem>>[vector<16xi32>, vector<16xi32>], vector<16xf32>,
      %broadcast_in_dim3A_778 = vector.broadcast %squeeze3A_752 : i32 to vector<16xi32>
      %gather3A_779 = tpu.vector_load_idx %arg7[%add3A_775, %broadcast_in_dim3A_778] : memref<64x1000xf32, #tpu.memory_space<vmem>>[vector<16xi32>, vector<16xi32>], vector<16xf32>,
      %mul3A_780 = arith.mulf %gather3A_777, %gather3A_779 : vector<16xf32>
      %add3A_781 = arith.addf %add3A_772, %mul3A_780 : vector<16xf32>
      %add3A_782 = arith.constant 48 : i32
      %add3A_783 = vector.broadcast %add3A_782 : i32 to vector<16xi32>
      %add3A_784 = arith.addi %iota3A, %add3A_783 : vector<16xi32>
      %broadcast_in_dim3A_785 = vector.broadcast %and3A_750 : i32 to vector<16xi32>
      %gather3A_786 = tpu.vector_load_idx %arg9[%add3A_784, %broadcast_in_dim3A_785] : memref<64x128xf32, #tpu.memory_space<vmem>>[vector<16xi32>, vector<16xi32>], vector<16xf32>,
      %broadcast_in_dim3A_787 = vector.broadcast %squeeze3A_752 : i32 to vector<16xi32>
      %gather3A_788 = tpu.vector_load_idx %arg7[%add3A_784, %broadcast_in_dim3A_787] : memref<64x1000xf32, #tpu.memory_space<vmem>>[vector<16xi32>, vector<16xi32>], vector<16xf32>,
      %mul3A_789 = arith.mulf %gather3A_786, %gather3A_788 : vector<16xf32>
      %add3A_790 = arith.addf %add3A_781, %mul3A_789 : vector<16xf32>
      %eq3A_791 = arith.constant 3 : i32
      %eq3A_792 = vector.broadcast %eq3A_791 : i32 to vector<16xi32>
      %eq3A_793 = arith.cmpi eq, %iota3A, %eq3A_792 : vector<16xi32>
      %reduce_sum3A_794 = arith.constant true
      %reduce_sum3A_795 = vector.broadcast %reduce_sum3A_794 : i1 to vector<16xi1>
      %reduce_sum3A_796 = tpu.scan <sum>, %add3A_790 masked %reduce_sum3A_795 : vector<16xf32>, vector<16xi1> -> vector<16xf32>
      %reduce_sum3A_797 = vector.extract %reduce_sum3A_796[15] : f32 from vector<16xf32>
      %broadcast_in_dim3A_798 = vector.broadcast %reduce_sum3A_797 : f32 to vector<16xf32>
      %select_n3A_799 = arith.select %eq3A_793, %broadcast_in_dim3A_798, %select_n3A_707 : vector<16xi1>, vector<16xf32>
      %dma_wait3A_800 = arith.constant 0 : i32
      %dma_wait3A_801 = arith.constant 0 : i32
      %dma_wait3A_802 = tpu.memref_slice %arg4[%dma_wait3A_800, %dma_wait3A_801] : memref<64x1000000xf32, #tpu.memory_space<hbm>> -> memref<64x128xf32, #tpu.memory_space<hbm>>
      %dma_wait3A_803 = arith.constant 0 : i32
      %dma_wait3A_804 = arith.constant 0 : i32
      %dma_wait3A_805 = tpu.memref_slice %arg4[%dma_wait3A_803, %dma_wait3A_804] : memref<64x1000000xf32, #tpu.memory_space<hbm>> -> memref<64x128xf32, #tpu.memory_space<hbm>>
      tpu.wait_dma2 semaphore(%arg14 : memref<!tpu.dma_semaphore, #tpu.memory_space<semaphore_mem>>) src(%dma_wait3A_805 : memref<64x128xf32, #tpu.memory_space<hbm>>) dst(%arg8 : memref<64x128xf32, #tpu.memory_space<vmem>>)
      %slice3A_806 = vector.extract_strided_slice %get3A_423 {offsets = [5], sizes = [1], strides = [1]} : vector<16xi32> to vector<1xi32>
      %squeeze3A_807 = vector.extract %slice3A_806[0] : i32 from vector<1xi32>
      %jit3A_808 = arith.constant 128 : i32
      %div3A_809 = arith.divsi %squeeze3A_807, %jit3A_808 : i32
      %sign3A_810 = arith.constant 0 : i32
      %sign3A_811 = arith.cmpi sgt, %squeeze3A_807, %sign3A_810 : i32
      %sign3A_812 = arith.extui %sign3A_811 : i1 to i32
      %sign3A_813 = arith.constant 0 : i32
      %sign3A_814 = arith.cmpi slt, %squeeze3A_807, %sign3A_813 : i32
      %sign3A_815 = arith.extui %sign3A_814 : i1 to i32
      %sign3A_816 = arith.subi %sign3A_812, %sign3A_815 : i32
      %sign3A_817 = arith.constant 0 : i32
      %sign3A_818 = arith.cmpi sgt, %jit3A_808, %sign3A_817 : i32
      %sign3A_819 = arith.extui %sign3A_818 : i1 to i32
      %sign3A_820 = arith.constant 0 : i32
      %sign3A_821 = arith.cmpi slt, %jit3A_808, %sign3A_820 : i32
      %sign3A_822 = arith.extui %sign3A_821 : i1 to i32
      %sign3A_823 = arith.subi %sign3A_819, %sign3A_822 : i32
      %ne3A_824 = arith.cmpi ne, %sign3A_816, %sign3A_823 : i32
      %rem3A_825 = arith.remsi %squeeze3A_807, %jit3A_808 : i32
      %ne3A_826 = arith.constant 0 : i32
      %ne3A_827 = arith.cmpi ne, %rem3A_825, %ne3A_826 : i32
      %and3A_828 = arith.andi %ne3A_824, %ne3A_827 : i1
      %sub3A_829 = arith.constant 1 : i32
      %sub3A_830 = arith.subi %div3A_809, %sub3A_829 : i32
      %select_n3A_831 = arith.select %and3A_828, %sub3A_830, %div3A_809 : i32
      %mul3A_832 = arith.constant 128 : i32
      %mul3A_833 = arith.muli %select_n3A_831, %mul3A_832 : i32
      %multiple_of3A_834 = tpu.assume_multiple %mul3A_833, 128 : i32
      %dma_start3A_835 = arith.constant 0 : i32
      %dma_start3A_836 = tpu.memref_slice %arg4[%dma_start3A_835, %multiple_of3A_834] : memref<64x1000000xf32, #tpu.memory_space<hbm>> -> memref<64x128xf32, #tpu.memory_space<hbm>>
      %dma_start3A_837 = arith.constant 0 : i32
      %dma_start3A_838 = tpu.memref_slice %arg4[%dma_start3A_837, %multiple_of3A_834] : memref<64x1000000xf32, #tpu.memory_space<hbm>> -> memref<64x128xf32, #tpu.memory_space<hbm>>
      tpu.enqueue_dma source(%dma_start3A_838 : memref<64x128xf32, #tpu.memory_space<hbm>>) target(%arg9 : memref<64x128xf32, #tpu.memory_space<vmem>>) target_semaphore(%arg15 : memref<!tpu.dma_semaphore, #tpu.memory_space<semaphore_mem>>)
      %slice3A_839 = vector.extract_strided_slice %get3A_423 {offsets = [4], sizes = [1], strides = [1]} : vector<16xi32> to vector<1xi32>
      %squeeze3A_840 = vector.extract %slice3A_839[0] : i32 from vector<1xi32>
      %and3A_841 = arith.constant 127 : i32
      %and3A_842 = arith.andi %squeeze3A_840, %and3A_841 : i32
      %slice3A_843 = vector.extract_strided_slice %get3A_434 {offsets = [4], sizes = [1], strides = [1]} : vector<16xi32> to vector<1xi32>
      %squeeze3A_844 = vector.extract %slice3A_843[0] : i32 from vector<1xi32>
      %broadcast_in_dim3A_845 = arith.constant 0.000000e+00 : f32
      %broadcast_in_dim3A_846 = vector.broadcast %broadcast_in_dim3A_845 : f32 to vector<16xf32>
      %add3A_847 = arith.constant 0 : i32
      %add3A_848 = vector.broadcast %add3A_847 : i32 to vector<16xi32>
      %add3A_849 = arith.addi %iota3A, %add3A_848 : vector<16xi32>
      %broadcast_in_dim3A_850 = vector.broadcast %and3A_842 : i32 to vector<16xi32>
      %gather3A_851 = tpu.vector_load_idx %arg8[%add3A_849, %broadcast_in_dim3A_850] : memref<64x128xf32, #tpu.memory_space<vmem>>[vector<16xi32>, vector<16xi32>], vector<16xf32>,
      %broadcast_in_dim3A_852 = vector.broadcast %squeeze3A_844 : i32 to vector<16xi32>
      %gather3A_853 = tpu.vector_load_idx %arg7[%add3A_849, %broadcast_in_dim3A_852] : memref<64x1000xf32, #tpu.memory_space<vmem>>[vector<16xi32>, vector<16xi32>], vector<16xf32>,
      %mul3A_854 = arith.mulf %gather3A_851, %gather3A_853 : vector<16xf32>
      %add3A_855 = arith.addf %broadcast_in_dim3A_846, %mul3A_854 : vector<16xf32>
      %add3A_856 = arith.constant 16 : i32
      %add3A_857 = vector.broadcast %add3A_856 : i32 to vector<16xi32>
      %add3A_858 = arith.addi %iota3A, %add3A_857 : vector<16xi32>
      %broadcast_in_dim3A_859 = vector.broadcast %and3A_842 : i32 to vector<16xi32>
      %gather3A_860 = tpu.vector_load_idx %arg8[%add3A_858, %broadcast_in_dim3A_859] : memref<64x128xf32, #tpu.memory_space<vmem>>[vector<16xi32>, vector<16xi32>], vector<16xf32>,
      %broadcast_in_dim3A_861 = vector.broadcast %squeeze3A_844 : i32 to vector<16xi32>
      %gather3A_862 = tpu.vector_load_idx %arg7[%add3A_858, %broadcast_in_dim3A_861] : memref<64x1000xf32, #tpu.memory_space<vmem>>[vector<16xi32>, vector<16xi32>], vector<16xf32>,
      %mul3A_863 = arith.mulf %gather3A_860, %gather3A_862 : vector<16xf32>
      %add3A_864 = arith.addf %add3A_855, %mul3A_863 : vector<16xf32>
      %add3A_865 = arith.constant 32 : i32
      %add3A_866 = vector.broadcast %add3A_865 : i32 to vector<16xi32>
      %add3A_867 = arith.addi %iota3A, %add3A_866 : vector<16xi32>
      %broadcast_in_dim3A_868 = vector.broadcast %and3A_842 : i32 to vector<16xi32>
      %gather3A_869 = tpu.vector_load_idx %arg8[%add3A_867, %broadcast_in_dim3A_868] : memref<64x128xf32, #tpu.memory_space<vmem>>[vector<16xi32>, vector<16xi32>], vector<16xf32>,
      %broadcast_in_dim3A_870 = vector.broadcast %squeeze3A_844 : i32 to vector<16xi32>
      %gather3A_871 = tpu.vector_load_idx %arg7[%add3A_867, %broadcast_in_dim3A_870] : memref<64x1000xf32, #tpu.memory_space<vmem>>[vector<16xi32>, vector<16xi32>], vector<16xf32>,
      %mul3A_872 = arith.mulf %gather3A_869, %gather3A_871 : vector<16xf32>
      %add3A_873 = arith.addf %add3A_864, %mul3A_872 : vector<16xf32>
      %add3A_874 = arith.constant 48 : i32
      %add3A_875 = vector.broadcast %add3A_874 : i32 to vector<16xi32>
      %add3A_876 = arith.addi %iota3A, %add3A_875 : vector<16xi32>
      %broadcast_in_dim3A_877 = vector.broadcast %and3A_842 : i32 to vector<16xi32>
      %gather3A_878 = tpu.vector_load_idx %arg8[%add3A_876, %broadcast_in_dim3A_877] : memref<64x128xf32, #tpu.memory_space<vmem>>[vector<16xi32>, vector<16xi32>], vector<16xf32>,
      %broadcast_in_dim3A_879 = vector.broadcast %squeeze3A_844 : i32 to vector<16xi32>
      %gather3A_880 = tpu.vector_load_idx %arg7[%add3A_876, %broadcast_in_dim3A_879] : memref<64x1000xf32, #tpu.memory_space<vmem>>[vector<16xi32>, vector<16xi32>], vector<16xf32>,
      %mul3A_881 = arith.mulf %gather3A_878, %gather3A_880 : vector<16xf32>
      %add3A_882 = arith.addf %add3A_873, %mul3A_881 : vector<16xf32>
      %eq3A_883 = arith.constant 4 : i32
      %eq3A_884 = vector.broadcast %eq3A_883 : i32 to vector<16xi32>
      %eq3A_885 = arith.cmpi eq, %iota3A, %eq3A_884 : vector<16xi32>
      %reduce_sum3A_886 = arith.constant true
      %reduce_sum3A_887 = vector.broadcast %reduce_sum3A_886 : i1 to vector<16xi1>
      %reduce_sum3A_888 = tpu.scan <sum>, %add3A_882 masked %reduce_sum3A_887 : vector<16xf32>, vector<16xi1> -> vector<16xf32>
      %reduce_sum3A_889 = vector.extract %reduce_sum3A_888[15] : f32 from vector<16xf32>
      %broadcast_in_dim3A_890 = vector.broadcast %reduce_sum3A_889 : f32 to vector<16xf32>
      %select_n3A_891 = arith.select %eq3A_885, %broadcast_in_dim3A_890, %select_n3A_799 : vector<16xi1>, vector<16xf32>
      %dma_wait3A_892 = arith.constant 0 : i32
      %dma_wait3A_893 = arith.constant 0 : i32
      %dma_wait3A_894 = tpu.memref_slice %arg4[%dma_wait3A_892, %dma_wait3A_893] : memref<64x1000000xf32, #tpu.memory_space<hbm>> -> memref<64x128xf32, #tpu.memory_space<hbm>>
      %dma_wait3A_895 = arith.constant 0 : i32
      %dma_wait3A_896 = arith.constant 0 : i32
      %dma_wait3A_897 = tpu.memref_slice %arg4[%dma_wait3A_895, %dma_wait3A_896] : memref<64x1000000xf32, #tpu.memory_space<hbm>> -> memref<64x128xf32, #tpu.memory_space<hbm>>
      tpu.wait_dma2 semaphore(%arg15 : memref<!tpu.dma_semaphore, #tpu.memory_space<semaphore_mem>>) src(%dma_wait3A_897 : memref<64x128xf32, #tpu.memory_space<hbm>>) dst(%arg9 : memref<64x128xf32, #tpu.memory_space<vmem>>)
      %slice3A_898 = vector.extract_strided_slice %get3A_423 {offsets = [6], sizes = [1], strides = [1]} : vector<16xi32> to vector<1xi32>
      %squeeze3A_899 = vector.extract %slice3A_898[0] : i32 from vector<1xi32>
      %jit3A_900 = arith.constant 128 : i32
      %div3A_901 = arith.divsi %squeeze3A_899, %jit3A_900 : i32
      %sign3A_902 = arith.constant 0 : i32
      %sign3A_903 = arith.cmpi sgt, %squeeze3A_899, %sign3A_902 : i32
      %sign3A_904 = arith.extui %sign3A_903 : i1 to i32
      %sign3A_905 = arith.constant 0 : i32
      %sign3A_906 = arith.cmpi slt, %squeeze3A_899, %sign3A_905 : i32
      %sign3A_907 = arith.extui %sign3A_906 : i1 to i32
      %sign3A_908 = arith.subi %sign3A_904, %sign3A_907 : i32
      %sign3A_909 = arith.constant 0 : i32
      %sign3A_910 = arith.cmpi sgt, %jit3A_900, %sign3A_909 : i32
      %sign3A_911 = arith.extui %sign3A_910 : i1 to i32
      %sign3A_912 = arith.constant 0 : i32
      %sign3A_913 = arith.cmpi slt, %jit3A_900, %sign3A_912 : i32
      %sign3A_914 = arith.extui %sign3A_913 : i1 to i32
      %sign3A_915 = arith.subi %sign3A_911, %sign3A_914 : i32
      %ne3A_916 = arith.cmpi ne, %sign3A_908, %sign3A_915 : i32
      %rem3A_917 = arith.remsi %squeeze3A_899, %jit3A_900 : i32
      %ne3A_918 = arith.constant 0 : i32
      %ne3A_919 = arith.cmpi ne, %rem3A_917, %ne3A_918 : i32
      %and3A_920 = arith.andi %ne3A_916, %ne3A_919 : i1
      %sub3A_921 = arith.constant 1 : i32
      %sub3A_922 = arith.subi %div3A_901, %sub3A_921 : i32
      %select_n3A_923 = arith.select %and3A_920, %sub3A_922, %div3A_901 : i32
      %mul3A_924 = arith.constant 128 : i32
      %mul3A_925 = arith.muli %select_n3A_923, %mul3A_924 : i32
      %multiple_of3A_926 = tpu.assume_multiple %mul3A_925, 128 : i32
      %dma_start3A_927 = arith.constant 0 : i32
      %dma_start3A_928 = tpu.memref_slice %arg4[%dma_start3A_927, %multiple_of3A_926] : memref<64x1000000xf32, #tpu.memory_space<hbm>> -> memref<64x128xf32, #tpu.memory_space<hbm>>
      %dma_start3A_929 = arith.constant 0 : i32
      %dma_start3A_930 = tpu.memref_slice %arg4[%dma_start3A_929, %multiple_of3A_926] : memref<64x1000000xf32, #tpu.memory_space<hbm>> -> memref<64x128xf32, #tpu.memory_space<hbm>>
      tpu.enqueue_dma source(%dma_start3A_930 : memref<64x128xf32, #tpu.memory_space<hbm>>) target(%arg8 : memref<64x128xf32, #tpu.memory_space<vmem>>) target_semaphore(%arg14 : memref<!tpu.dma_semaphore, #tpu.memory_space<semaphore_mem>>)
      %slice3A_931 = vector.extract_strided_slice %get3A_423 {offsets = [5], sizes = [1], strides = [1]} : vector<16xi32> to vector<1xi32>
      %squeeze3A_932 = vector.extract %slice3A_931[0] : i32 from vector<1xi32>
      %and3A_933 = arith.constant 127 : i32
      %and3A_934 = arith.andi %squeeze3A_932, %and3A_933 : i32
      %slice3A_935 = vector.extract_strided_slice %get3A_434 {offsets = [5], sizes = [1], strides = [1]} : vector<16xi32> to vector<1xi32>
      %squeeze3A_936 = vector.extract %slice3A_935[0] : i32 from vector<1xi32>
      %broadcast_in_dim3A_937 = arith.constant 0.000000e+00 : f32
      %broadcast_in_dim3A_938 = vector.broadcast %broadcast_in_dim3A_937 : f32 to vector<16xf32>
      %add3A_939 = arith.constant 0 : i32
      %add3A_940 = vector.broadcast %add3A_939 : i32 to vector<16xi32>
      %add3A_941 = arith.addi %iota3A, %add3A_940 : vector<16xi32>
      %broadcast_in_dim3A_942 = vector.broadcast %and3A_934 : i32 to vector<16xi32>
      %gather3A_943 = tpu.vector_load_idx %arg9[%add3A_941, %broadcast_in_dim3A_942] : memref<64x128xf32, #tpu.memory_space<vmem>>[vector<16xi32>, vector<16xi32>], vector<16xf32>,
      %broadcast_in_dim3A_944 = vector.broadcast %squeeze3A_936 : i32 to vector<16xi32>
      %gather3A_945 = tpu.vector_load_idx %arg7[%add3A_941, %broadcast_in_dim3A_944] : memref<64x1000xf32, #tpu.memory_space<vmem>>[vector<16xi32>, vector<16xi32>], vector<16xf32>,
      %mul3A_946 = arith.mulf %gather3A_943, %gather3A_945 : vector<16xf32>
      %add3A_947 = arith.addf %broadcast_in_dim3A_938, %mul3A_946 : vector<16xf32>
      %add3A_948 = arith.constant 16 : i32
      %add3A_949 = vector.broadcast %add3A_948 : i32 to vector<16xi32>
      %add3A_950 = arith.addi %iota3A, %add3A_949 : vector<16xi32>
      %broadcast_in_dim3A_951 = vector.broadcast %and3A_934 : i32 to vector<16xi32>
      %gather3A_952 = tpu.vector_load_idx %arg9[%add3A_950, %broadcast_in_dim3A_951] : memref<64x128xf32, #tpu.memory_space<vmem>>[vector<16xi32>, vector<16xi32>], vector<16xf32>,
      %broadcast_in_dim3A_953 = vector.broadcast %squeeze3A_936 : i32 to vector<16xi32>
      %gather3A_954 = tpu.vector_load_idx %arg7[%add3A_950, %broadcast_in_dim3A_953] : memref<64x1000xf32, #tpu.memory_space<vmem>>[vector<16xi32>, vector<16xi32>], vector<16xf32>,
      %mul3A_955 = arith.mulf %gather3A_952, %gather3A_954 : vector<16xf32>
      %add3A_956 = arith.addf %add3A_947, %mul3A_955 : vector<16xf32>
      %add3A_957 = arith.constant 32 : i32
      %add3A_958 = vector.broadcast %add3A_957 : i32 to vector<16xi32>
      %add3A_959 = arith.addi %iota3A, %add3A_958 : vector<16xi32>
      %broadcast_in_dim3A_960 = vector.broadcast %and3A_934 : i32 to vector<16xi32>
      %gather3A_961 = tpu.vector_load_idx %arg9[%add3A_959, %broadcast_in_dim3A_960] : memref<64x128xf32, #tpu.memory_space<vmem>>[vector<16xi32>, vector<16xi32>], vector<16xf32>,
      %broadcast_in_dim3A_962 = vector.broadcast %squeeze3A_936 : i32 to vector<16xi32>
      %gather3A_963 = tpu.vector_load_idx %arg7[%add3A_959, %broadcast_in_dim3A_962] : memref<64x1000xf32, #tpu.memory_space<vmem>>[vector<16xi32>, vector<16xi32>], vector<16xf32>,
      %mul3A_964 = arith.mulf %gather3A_961, %gather3A_963 : vector<16xf32>
      %add3A_965 = arith.addf %add3A_956, %mul3A_964 : vector<16xf32>
      %add3A_966 = arith.constant 48 : i32
      %add3A_967 = vector.broadcast %add3A_966 : i32 to vector<16xi32>
      %add3A_968 = arith.addi %iota3A, %add3A_967 : vector<16xi32>
      %broadcast_in_dim3A_969 = vector.broadcast %and3A_934 : i32 to vector<16xi32>
      %gather3A_970 = tpu.vector_load_idx %arg9[%add3A_968, %broadcast_in_dim3A_969] : memref<64x128xf32, #tpu.memory_space<vmem>>[vector<16xi32>, vector<16xi32>], vector<16xf32>,
      %broadcast_in_dim3A_971 = vector.broadcast %squeeze3A_936 : i32 to vector<16xi32>
      %gather3A_972 = tpu.vector_load_idx %arg7[%add3A_968, %broadcast_in_dim3A_971] : memref<64x1000xf32, #tpu.memory_space<vmem>>[vector<16xi32>, vector<16xi32>], vector<16xf32>,
      %mul3A_973 = arith.mulf %gather3A_970, %gather3A_972 : vector<16xf32>
      %add3A_974 = arith.addf %add3A_965, %mul3A_973 : vector<16xf32>
      %eq3A_975 = arith.constant 5 : i32
      %eq3A_976 = vector.broadcast %eq3A_975 : i32 to vector<16xi32>
      %eq3A_977 = arith.cmpi eq, %iota3A, %eq3A_976 : vector<16xi32>
      %reduce_sum3A_978 = arith.constant true
      %reduce_sum3A_979 = vector.broadcast %reduce_sum3A_978 : i1 to vector<16xi1>
      %reduce_sum3A_980 = tpu.scan <sum>, %add3A_974 masked %reduce_sum3A_979 : vector<16xf32>, vector<16xi1> -> vector<16xf32>
      %reduce_sum3A_981 = vector.extract %reduce_sum3A_980[15] : f32 from vector<16xf32>
      %broadcast_in_dim3A_982 = vector.broadcast %reduce_sum3A_981 : f32 to vector<16xf32>
      %select_n3A_983 = arith.select %eq3A_977, %broadcast_in_dim3A_982, %select_n3A_891 : vector<16xi1>, vector<16xf32>
      %dma_wait3A_984 = arith.constant 0 : i32
      %dma_wait3A_985 = arith.constant 0 : i32
      %dma_wait3A_986 = tpu.memref_slice %arg4[%dma_wait3A_984, %dma_wait3A_985] : memref<64x1000000xf32, #tpu.memory_space<hbm>> -> memref<64x128xf32, #tpu.memory_space<hbm>>
      %dma_wait3A_987 = arith.constant 0 : i32
      %dma_wait3A_988 = arith.constant 0 : i32
      %dma_wait3A_989 = tpu.memref_slice %arg4[%dma_wait3A_987, %dma_wait3A_988] : memref<64x1000000xf32, #tpu.memory_space<hbm>> -> memref<64x128xf32, #tpu.memory_space<hbm>>
      tpu.wait_dma2 semaphore(%arg14 : memref<!tpu.dma_semaphore, #tpu.memory_space<semaphore_mem>>) src(%dma_wait3A_989 : memref<64x128xf32, #tpu.memory_space<hbm>>) dst(%arg8 : memref<64x128xf32, #tpu.memory_space<vmem>>)
      %slice3A_990 = vector.extract_strided_slice %get3A_423 {offsets = [7], sizes = [1], strides = [1]} : vector<16xi32> to vector<1xi32>
      %squeeze3A_991 = vector.extract %slice3A_990[0] : i32 from vector<1xi32>
      %jit3A_992 = arith.constant 128 : i32
      %div3A_993 = arith.divsi %squeeze3A_991, %jit3A_992 : i32
      %sign3A_994 = arith.constant 0 : i32
      %sign3A_995 = arith.cmpi sgt, %squeeze3A_991, %sign3A_994 : i32
      %sign3A_996 = arith.extui %sign3A_995 : i1 to i32
      %sign3A_997 = arith.constant 0 : i32
      %sign3A_998 = arith.cmpi slt, %squeeze3A_991, %sign3A_997 : i32
      %sign3A_999 = arith.extui %sign3A_998 : i1 to i32
      %sign3A_1000 = arith.subi %sign3A_996, %sign3A_999 : i32
      %sign3A_1001 = arith.constant 0 : i32
      %sign3A_1002 = arith.cmpi sgt, %jit3A_992, %sign3A_1001 : i32
      %sign3A_1003 = arith.extui %sign3A_1002 : i1 to i32
      %sign3A_1004 = arith.constant 0 : i32
      %sign3A_1005 = arith.cmpi slt, %jit3A_992, %sign3A_1004 : i32
      %sign3A_1006 = arith.extui %sign3A_1005 : i1 to i32
      %sign3A_1007 = arith.subi %sign3A_1003, %sign3A_1006 : i32
      %ne3A_1008 = arith.cmpi ne, %sign3A_1000, %sign3A_1007 : i32
      %rem3A_1009 = arith.remsi %squeeze3A_991, %jit3A_992 : i32
      %ne3A_1010 = arith.constant 0 : i32
      %ne3A_1011 = arith.cmpi ne, %rem3A_1009, %ne3A_1010 : i32
      %and3A_1012 = arith.andi %ne3A_1008, %ne3A_1011 : i1
      %sub3A_1013 = arith.constant 1 : i32
      %sub3A_1014 = arith.subi %div3A_993, %sub3A_1013 : i32
      %select_n3A_1015 = arith.select %and3A_1012, %sub3A_1014, %div3A_993 : i32
      %mul3A_1016 = arith.constant 128 : i32
      %mul3A_1017 = arith.muli %select_n3A_1015, %mul3A_1016 : i32
      %multiple_of3A_1018 = tpu.assume_multiple %mul3A_1017, 128 : i32
      %dma_start3A_1019 = arith.constant 0 : i32
      %dma_start3A_1020 = tpu.memref_slice %arg4[%dma_start3A_1019, %multiple_of3A_1018] : memref<64x1000000xf32, #tpu.memory_space<hbm>> -> memref<64x128xf32, #tpu.memory_space<hbm>>
      %dma_start3A_1021 = arith.constant 0 : i32
      %dma_start3A_1022 = tpu.memref_slice %arg4[%dma_start3A_1021, %multiple_of3A_1018] : memref<64x1000000xf32, #tpu.memory_space<hbm>> -> memref<64x128xf32, #tpu.memory_space<hbm>>
      tpu.enqueue_dma source(%dma_start3A_1022 : memref<64x128xf32, #tpu.memory_space<hbm>>) target(%arg9 : memref<64x128xf32, #tpu.memory_space<vmem>>) target_semaphore(%arg15 : memref<!tpu.dma_semaphore, #tpu.memory_space<semaphore_mem>>)
      %slice3A_1023 = vector.extract_strided_slice %get3A_423 {offsets = [6], sizes = [1], strides = [1]} : vector<16xi32> to vector<1xi32>
      %squeeze3A_1024 = vector.extract %slice3A_1023[0] : i32 from vector<1xi32>
      %and3A_1025 = arith.constant 127 : i32
      %and3A_1026 = arith.andi %squeeze3A_1024, %and3A_1025 : i32
      %slice3A_1027 = vector.extract_strided_slice %get3A_434 {offsets = [6], sizes = [1], strides = [1]} : vector<16xi32> to vector<1xi32>
      %squeeze3A_1028 = vector.extract %slice3A_1027[0] : i32 from vector<1xi32>
      %broadcast_in_dim3A_1029 = arith.constant 0.000000e+00 : f32
      %broadcast_in_dim3A_1030 = vector.broadcast %broadcast_in_dim3A_1029 : f32 to vector<16xf32>
      %add3A_1031 = arith.constant 0 : i32
      %add3A_1032 = vector.broadcast %add3A_1031 : i32 to vector<16xi32>
      %add3A_1033 = arith.addi %iota3A, %add3A_1032 : vector<16xi32>
      %broadcast_in_dim3A_1034 = vector.broadcast %and3A_1026 : i32 to vector<16xi32>
      %gather3A_1035 = tpu.vector_load_idx %arg8[%add3A_1033, %broadcast_in_dim3A_1034] : memref<64x128xf32, #tpu.memory_space<vmem>>[vector<16xi32>, vector<16xi32>], vector<16xf32>,
      %broadcast_in_dim3A_1036 = vector.broadcast %squeeze3A_1028 : i32 to vector<16xi32>
      %gather3A_1037 = tpu.vector_load_idx %arg7[%add3A_1033, %broadcast_in_dim3A_1036] : memref<64x1000xf32, #tpu.memory_space<vmem>>[vector<16xi32>, vector<16xi32>], vector<16xf32>,
      %mul3A_1038 = arith.mulf %gather3A_1035, %gather3A_1037 : vector<16xf32>
      %add3A_1039 = arith.addf %broadcast_in_dim3A_1030, %mul3A_1038 : vector<16xf32>
      %add3A_1040 = arith.constant 16 : i32
      %add3A_1041 = vector.broadcast %add3A_1040 : i32 to vector<16xi32>
      %add3A_1042 = arith.addi %iota3A, %add3A_1041 : vector<16xi32>
      %broadcast_in_dim3A_1043 = vector.broadcast %and3A_1026 : i32 to vector<16xi32>
      %gather3A_1044 = tpu.vector_load_idx %arg8[%add3A_1042, %broadcast_in_dim3A_1043] : memref<64x128xf32, #tpu.memory_space<vmem>>[vector<16xi32>, vector<16xi32>], vector<16xf32>,
      %broadcast_in_dim3A_1045 = vector.broadcast %squeeze3A_1028 : i32 to vector<16xi32>
      %gather3A_1046 = tpu.vector_load_idx %arg7[%add3A_1042, %broadcast_in_dim3A_1045] : memref<64x1000xf32, #tpu.memory_space<vmem>>[vector<16xi32>, vector<16xi32>], vector<16xf32>,
      %mul3A_1047 = arith.mulf %gather3A_1044, %gather3A_1046 : vector<16xf32>
      %add3A_1048 = arith.addf %add3A_1039, %mul3A_1047 : vector<16xf32>
      %add3A_1049 = arith.constant 32 : i32
      %add3A_1050 = vector.broadcast %add3A_1049 : i32 to vector<16xi32>
      %add3A_1051 = arith.addi %iota3A, %add3A_1050 : vector<16xi32>
      %broadcast_in_dim3A_1052 = vector.broadcast %and3A_1026 : i32 to vector<16xi32>
      %gather3A_1053 = tpu.vector_load_idx %arg8[%add3A_1051, %broadcast_in_dim3A_1052] : memref<64x128xf32, #tpu.memory_space<vmem>>[vector<16xi32>, vector<16xi32>], vector<16xf32>,
      %broadcast_in_dim3A_1054 = vector.broadcast %squeeze3A_1028 : i32 to vector<16xi32>
      %gather3A_1055 = tpu.vector_load_idx %arg7[%add3A_1051, %broadcast_in_dim3A_1054] : memref<64x1000xf32, #tpu.memory_space<vmem>>[vector<16xi32>, vector<16xi32>], vector<16xf32>,
      %mul3A_1056 = arith.mulf %gather3A_1053, %gather3A_1055 : vector<16xf32>
      %add3A_1057 = arith.addf %add3A_1048, %mul3A_1056 : vector<16xf32>
      %add3A_1058 = arith.constant 48 : i32
      %add3A_1059 = vector.broadcast %add3A_1058 : i32 to vector<16xi32>
      %add3A_1060 = arith.addi %iota3A, %add3A_1059 : vector<16xi32>
      %broadcast_in_dim3A_1061 = vector.broadcast %and3A_1026 : i32 to vector<16xi32>
      %gather3A_1062 = tpu.vector_load_idx %arg8[%add3A_1060, %broadcast_in_dim3A_1061] : memref<64x128xf32, #tpu.memory_space<vmem>>[vector<16xi32>, vector<16xi32>], vector<16xf32>,
      %broadcast_in_dim3A_1063 = vector.broadcast %squeeze3A_1028 : i32 to vector<16xi32>
      %gather3A_1064 = tpu.vector_load_idx %arg7[%add3A_1060, %broadcast_in_dim3A_1063] : memref<64x1000xf32, #tpu.memory_space<vmem>>[vector<16xi32>, vector<16xi32>], vector<16xf32>,
      %mul3A_1065 = arith.mulf %gather3A_1062, %gather3A_1064 : vector<16xf32>
      %add3A_1066 = arith.addf %add3A_1057, %mul3A_1065 : vector<16xf32>
      %eq3A_1067 = arith.constant 6 : i32
      %eq3A_1068 = vector.broadcast %eq3A_1067 : i32 to vector<16xi32>
      %eq3A_1069 = arith.cmpi eq, %iota3A, %eq3A_1068 : vector<16xi32>
      %reduce_sum3A_1070 = arith.constant true
      %reduce_sum3A_1071 = vector.broadcast %reduce_sum3A_1070 : i1 to vector<16xi1>
      %reduce_sum3A_1072 = tpu.scan <sum>, %add3A_1066 masked %reduce_sum3A_1071 : vector<16xf32>, vector<16xi1> -> vector<16xf32>
      %reduce_sum3A_1073 = vector.extract %reduce_sum3A_1072[15] : f32 from vector<16xf32>
      %broadcast_in_dim3A_1074 = vector.broadcast %reduce_sum3A_1073 : f32 to vector<16xf32>
      %select_n3A_1075 = arith.select %eq3A_1069, %broadcast_in_dim3A_1074, %select_n3A_983 : vector<16xi1>, vector<16xf32>
      %dma_wait3A_1076 = arith.constant 0 : i32
      %dma_wait3A_1077 = arith.constant 0 : i32
      %dma_wait3A_1078 = tpu.memref_slice %arg4[%dma_wait3A_1076, %dma_wait3A_1077] : memref<64x1000000xf32, #tpu.memory_space<hbm>> -> memref<64x128xf32, #tpu.memory_space<hbm>>
      %dma_wait3A_1079 = arith.constant 0 : i32
      %dma_wait3A_1080 = arith.constant 0 : i32
      %dma_wait3A_1081 = tpu.memref_slice %arg4[%dma_wait3A_1079, %dma_wait3A_1080] : memref<64x1000000xf32, #tpu.memory_space<hbm>> -> memref<64x128xf32, #tpu.memory_space<hbm>>
      tpu.wait_dma2 semaphore(%arg15 : memref<!tpu.dma_semaphore, #tpu.memory_space<semaphore_mem>>) src(%dma_wait3A_1081 : memref<64x128xf32, #tpu.memory_space<hbm>>) dst(%arg9 : memref<64x128xf32, #tpu.memory_space<vmem>>)
      %slice3A_1082 = vector.extract_strided_slice %get3A_423 {offsets = [8], sizes = [1], strides = [1]} : vector<16xi32> to vector<1xi32>
      %squeeze3A_1083 = vector.extract %slice3A_1082[0] : i32 from vector<1xi32>
      %jit3A_1084 = arith.constant 128 : i32
      %div3A_1085 = arith.divsi %squeeze3A_1083, %jit3A_1084 : i32
      %sign3A_1086 = arith.constant 0 : i32
      %sign3A_1087 = arith.cmpi sgt, %squeeze3A_1083, %sign3A_1086 : i32
      %sign3A_1088 = arith.extui %sign3A_1087 : i1 to i32
      %sign3A_1089 = arith.constant 0 : i32
      %sign3A_1090 = arith.cmpi slt, %squeeze3A_1083, %sign3A_1089 : i32
      %sign3A_1091 = arith.extui %sign3A_1090 : i1 to i32
      %sign3A_1092 = arith.subi %sign3A_1088, %sign3A_1091 : i32
      %sign3A_1093 = arith.constant 0 : i32
      %sign3A_1094 = arith.cmpi sgt, %jit3A_1084, %sign3A_1093 : i32
      %sign3A_1095 = arith.extui %sign3A_1094 : i1 to i32
      %sign3A_1096 = arith.constant 0 : i32
      %sign3A_1097 = arith.cmpi slt, %jit3A_1084, %sign3A_1096 : i32
      %sign3A_1098 = arith.extui %sign3A_1097 : i1 to i32
      %sign3A_1099 = arith.subi %sign3A_1095, %sign3A_1098 : i32
      %ne3A_1100 = arith.cmpi ne, %sign3A_1092, %sign3A_1099 : i32
      %rem3A_1101 = arith.remsi %squeeze3A_1083, %jit3A_1084 : i32
      %ne3A_1102 = arith.constant 0 : i32
      %ne3A_1103 = arith.cmpi ne, %rem3A_1101, %ne3A_1102 : i32
      %and3A_1104 = arith.andi %ne3A_1100, %ne3A_1103 : i1
      %sub3A_1105 = arith.constant 1 : i32
      %sub3A_1106 = arith.subi %div3A_1085, %sub3A_1105 : i32
      %select_n3A_1107 = arith.select %and3A_1104, %sub3A_1106, %div3A_1085 : i32
      %mul3A_1108 = arith.constant 128 : i32
      %mul3A_1109 = arith.muli %select_n3A_1107, %mul3A_1108 : i32
      %multiple_of3A_1110 = tpu.assume_multiple %mul3A_1109, 128 : i32
      %dma_start3A_1111 = arith.constant 0 : i32
      %dma_start3A_1112 = tpu.memref_slice %arg4[%dma_start3A_1111, %multiple_of3A_1110] : memref<64x1000000xf32, #tpu.memory_space<hbm>> -> memref<64x128xf32, #tpu.memory_space<hbm>>
      %dma_start3A_1113 = arith.constant 0 : i32
      %dma_start3A_1114 = tpu.memref_slice %arg4[%dma_start3A_1113, %multiple_of3A_1110] : memref<64x1000000xf32, #tpu.memory_space<hbm>> -> memref<64x128xf32, #tpu.memory_space<hbm>>
      tpu.enqueue_dma source(%dma_start3A_1114 : memref<64x128xf32, #tpu.memory_space<hbm>>) target(%arg8 : memref<64x128xf32, #tpu.memory_space<vmem>>) target_semaphore(%arg14 : memref<!tpu.dma_semaphore, #tpu.memory_space<semaphore_mem>>)
      %slice3A_1115 = vector.extract_strided_slice %get3A_423 {offsets = [7], sizes = [1], strides = [1]} : vector<16xi32> to vector<1xi32>
      %squeeze3A_1116 = vector.extract %slice3A_1115[0] : i32 from vector<1xi32>
      %and3A_1117 = arith.constant 127 : i32
      %and3A_1118 = arith.andi %squeeze3A_1116, %and3A_1117 : i32
      %slice3A_1119 = vector.extract_strided_slice %get3A_434 {offsets = [7], sizes = [1], strides = [1]} : vector<16xi32> to vector<1xi32>
      %squeeze3A_1120 = vector.extract %slice3A_1119[0] : i32 from vector<1xi32>
      %broadcast_in_dim3A_1121 = arith.constant 0.000000e+00 : f32
      %broadcast_in_dim3A_1122 = vector.broadcast %broadcast_in_dim3A_1121 : f32 to vector<16xf32>
      %add3A_1123 = arith.constant 0 : i32
      %add3A_1124 = vector.broadcast %add3A_1123 : i32 to vector<16xi32>
      %add3A_1125 = arith.addi %iota3A, %add3A_1124 : vector<16xi32>
      %broadcast_in_dim3A_1126 = vector.broadcast %and3A_1118 : i32 to vector<16xi32>
      %gather3A_1127 = tpu.vector_load_idx %arg9[%add3A_1125, %broadcast_in_dim3A_1126] : memref<64x128xf32, #tpu.memory_space<vmem>>[vector<16xi32>, vector<16xi32>], vector<16xf32>,
      %broadcast_in_dim3A_1128 = vector.broadcast %squeeze3A_1120 : i32 to vector<16xi32>
      %gather3A_1129 = tpu.vector_load_idx %arg7[%add3A_1125, %broadcast_in_dim3A_1128] : memref<64x1000xf32, #tpu.memory_space<vmem>>[vector<16xi32>, vector<16xi32>], vector<16xf32>,
      %mul3A_1130 = arith.mulf %gather3A_1127, %gather3A_1129 : vector<16xf32>
      %add3A_1131 = arith.addf %broadcast_in_dim3A_1122, %mul3A_1130 : vector<16xf32>
      %add3A_1132 = arith.constant 16 : i32
      %add3A_1133 = vector.broadcast %add3A_1132 : i32 to vector<16xi32>
      %add3A_1134 = arith.addi %iota3A, %add3A_1133 : vector<16xi32>
      %broadcast_in_dim3A_1135 = vector.broadcast %and3A_1118 : i32 to vector<16xi32>
      %gather3A_1136 = tpu.vector_load_idx %arg9[%add3A_1134, %broadcast_in_dim3A_1135] : memref<64x128xf32, #tpu.memory_space<vmem>>[vector<16xi32>, vector<16xi32>], vector<16xf32>,
      %broadcast_in_dim3A_1137 = vector.broadcast %squeeze3A_1120 : i32 to vector<16xi32>
      %gather3A_1138 = tpu.vector_load_idx %arg7[%add3A_1134, %broadcast_in_dim3A_1137] : memref<64x1000xf32, #tpu.memory_space<vmem>>[vector<16xi32>, vector<16xi32>], vector<16xf32>,
      %mul3A_1139 = arith.mulf %gather3A_1136, %gather3A_1138 : vector<16xf32>
      %add3A_1140 = arith.addf %add3A_1131, %mul3A_1139 : vector<16xf32>
      %add3A_1141 = arith.constant 32 : i32
      %add3A_1142 = vector.broadcast %add3A_1141 : i32 to vector<16xi32>
      %add3A_1143 = arith.addi %iota3A, %add3A_1142 : vector<16xi32>
      %broadcast_in_dim3A_1144 = vector.broadcast %and3A_1118 : i32 to vector<16xi32>
      %gather3A_1145 = tpu.vector_load_idx %arg9[%add3A_1143, %broadcast_in_dim3A_1144] : memref<64x128xf32, #tpu.memory_space<vmem>>[vector<16xi32>, vector<16xi32>], vector<16xf32>,
      %broadcast_in_dim3A_1146 = vector.broadcast %squeeze3A_1120 : i32 to vector<16xi32>
      %gather3A_1147 = tpu.vector_load_idx %arg7[%add3A_1143, %broadcast_in_dim3A_1146] : memref<64x1000xf32, #tpu.memory_space<vmem>>[vector<16xi32>, vector<16xi32>], vector<16xf32>,
      %mul3A_1148 = arith.mulf %gather3A_1145, %gather3A_1147 : vector<16xf32>
      %add3A_1149 = arith.addf %add3A_1140, %mul3A_1148 : vector<16xf32>
      %add3A_1150 = arith.constant 48 : i32
      %add3A_1151 = vector.broadcast %add3A_1150 : i32 to vector<16xi32>
      %add3A_1152 = arith.addi %iota3A, %add3A_1151 : vector<16xi32>
      %broadcast_in_dim3A_1153 = vector.broadcast %and3A_1118 : i32 to vector<16xi32>
      %gather3A_1154 = tpu.vector_load_idx %arg9[%add3A_1152, %broadcast_in_dim3A_1153] : memref<64x128xf32, #tpu.memory_space<vmem>>[vector<16xi32>, vector<16xi32>], vector<16xf32>,
      %broadcast_in_dim3A_1155 = vector.broadcast %squeeze3A_1120 : i32 to vector<16xi32>
      %gather3A_1156 = tpu.vector_load_idx %arg7[%add3A_1152, %broadcast_in_dim3A_1155] : memref<64x1000xf32, #tpu.memory_space<vmem>>[vector<16xi32>, vector<16xi32>], vector<16xf32>,
      %mul3A_1157 = arith.mulf %gather3A_1154, %gather3A_1156 : vector<16xf32>
      %add3A_1158 = arith.addf %add3A_1149, %mul3A_1157 : vector<16xf32>
      %eq3A_1159 = arith.constant 7 : i32
      %eq3A_1160 = vector.broadcast %eq3A_1159 : i32 to vector<16xi32>
      %eq3A_1161 = arith.cmpi eq, %iota3A, %eq3A_1160 : vector<16xi32>
      %reduce_sum3A_1162 = arith.constant true
      %reduce_sum3A_1163 = vector.broadcast %reduce_sum3A_1162 : i1 to vector<16xi1>
      %reduce_sum3A_1164 = tpu.scan <sum>, %add3A_1158 masked %reduce_sum3A_1163 : vector<16xf32>, vector<16xi1> -> vector<16xf32>
      %reduce_sum3A_1165 = vector.extract %reduce_sum3A_1164[15] : f32 from vector<16xf32>
      %broadcast_in_dim3A_1166 = vector.broadcast %reduce_sum3A_1165 : f32 to vector<16xf32>
      %select_n3A_1167 = arith.select %eq3A_1161, %broadcast_in_dim3A_1166, %select_n3A_1075 : vector<16xi1>, vector<16xf32>
      %dma_wait3A_1168 = arith.constant 0 : i32
      %dma_wait3A_1169 = arith.constant 0 : i32
      %dma_wait3A_1170 = tpu.memref_slice %arg4[%dma_wait3A_1168, %dma_wait3A_1169] : memref<64x1000000xf32, #tpu.memory_space<hbm>> -> memref<64x128xf32, #tpu.memory_space<hbm>>
      %dma_wait3A_1171 = arith.constant 0 : i32
      %dma_wait3A_1172 = arith.constant 0 : i32
      %dma_wait3A_1173 = tpu.memref_slice %arg4[%dma_wait3A_1171, %dma_wait3A_1172] : memref<64x1000000xf32, #tpu.memory_space<hbm>> -> memref<64x128xf32, #tpu.memory_space<hbm>>
      tpu.wait_dma2 semaphore(%arg14 : memref<!tpu.dma_semaphore, #tpu.memory_space<semaphore_mem>>) src(%dma_wait3A_1173 : memref<64x128xf32, #tpu.memory_space<hbm>>) dst(%arg8 : memref<64x128xf32, #tpu.memory_space<vmem>>)
      %slice3A_1174 = vector.extract_strided_slice %get3A_423 {offsets = [9], sizes = [1], strides = [1]} : vector<16xi32> to vector<1xi32>
      %squeeze3A_1175 = vector.extract %slice3A_1174[0] : i32 from vector<1xi32>
      %jit3A_1176 = arith.constant 128 : i32
      %div3A_1177 = arith.divsi %squeeze3A_1175, %jit3A_1176 : i32
      %sign3A_1178 = arith.constant 0 : i32
      %sign3A_1179 = arith.cmpi sgt, %squeeze3A_1175, %sign3A_1178 : i32
      %sign3A_1180 = arith.extui %sign3A_1179 : i1 to i32
      %sign3A_1181 = arith.constant 0 : i32
      %sign3A_1182 = arith.cmpi slt, %squeeze3A_1175, %sign3A_1181 : i32
      %sign3A_1183 = arith.extui %sign3A_1182 : i1 to i32
      %sign3A_1184 = arith.subi %sign3A_1180, %sign3A_1183 : i32
      %sign3A_1185 = arith.constant 0 : i32
      %sign3A_1186 = arith.cmpi sgt, %jit3A_1176, %sign3A_1185 : i32
      %sign3A_1187 = arith.extui %sign3A_1186 : i1 to i32
      %sign3A_1188 = arith.constant 0 : i32
      %sign3A_1189 = arith.cmpi slt, %jit3A_1176, %sign3A_1188 : i32
      %sign3A_1190 = arith.extui %sign3A_1189 : i1 to i32
      %sign3A_1191 = arith.subi %sign3A_1187, %sign3A_1190 : i32
      %ne3A_1192 = arith.cmpi ne, %sign3A_1184, %sign3A_1191 : i32
      %rem3A_1193 = arith.remsi %squeeze3A_1175, %jit3A_1176 : i32
      %ne3A_1194 = arith.constant 0 : i32
      %ne3A_1195 = arith.cmpi ne, %rem3A_1193, %ne3A_1194 : i32
      %and3A_1196 = arith.andi %ne3A_1192, %ne3A_1195 : i1
      %sub3A_1197 = arith.constant 1 : i32
      %sub3A_1198 = arith.subi %div3A_1177, %sub3A_1197 : i32
      %select_n3A_1199 = arith.select %and3A_1196, %sub3A_1198, %div3A_1177 : i32
      %mul3A_1200 = arith.constant 128 : i32
      %mul3A_1201 = arith.muli %select_n3A_1199, %mul3A_1200 : i32
      %multiple_of3A_1202 = tpu.assume_multiple %mul3A_1201, 128 : i32
      %dma_start3A_1203 = arith.constant 0 : i32
      %dma_start3A_1204 = tpu.memref_slice %arg4[%dma_start3A_1203, %multiple_of3A_1202] : memref<64x1000000xf32, #tpu.memory_space<hbm>> -> memref<64x128xf32, #tpu.memory_space<hbm>>
      %dma_start3A_1205 = arith.constant 0 : i32
      %dma_start3A_1206 = tpu.memref_slice %arg4[%dma_start3A_1205, %multiple_of3A_1202] : memref<64x1000000xf32, #tpu.memory_space<hbm>> -> memref<64x128xf32, #tpu.memory_space<hbm>>
      tpu.enqueue_dma source(%dma_start3A_1206 : memref<64x128xf32, #tpu.memory_space<hbm>>) target(%arg9 : memref<64x128xf32, #tpu.memory_space<vmem>>) target_semaphore(%arg15 : memref<!tpu.dma_semaphore, #tpu.memory_space<semaphore_mem>>)
      %slice3A_1207 = vector.extract_strided_slice %get3A_423 {offsets = [8], sizes = [1], strides = [1]} : vector<16xi32> to vector<1xi32>
      %squeeze3A_1208 = vector.extract %slice3A_1207[0] : i32 from vector<1xi32>
      %and3A_1209 = arith.constant 127 : i32
      %and3A_1210 = arith.andi %squeeze3A_1208, %and3A_1209 : i32
      %slice3A_1211 = vector.extract_strided_slice %get3A_434 {offsets = [8], sizes = [1], strides = [1]} : vector<16xi32> to vector<1xi32>
      %squeeze3A_1212 = vector.extract %slice3A_1211[0] : i32 from vector<1xi32>
      %broadcast_in_dim3A_1213 = arith.constant 0.000000e+00 : f32
      %broadcast_in_dim3A_1214 = vector.broadcast %broadcast_in_dim3A_1213 : f32 to vector<16xf32>
      %add3A_1215 = arith.constant 0 : i32
      %add3A_1216 = vector.broadcast %add3A_1215 : i32 to vector<16xi32>
      %add3A_1217 = arith.addi %iota3A, %add3A_1216 : vector<16xi32>
      %broadcast_in_dim3A_1218 = vector.broadcast %and3A_1210 : i32 to vector<16xi32>
      %gather3A_1219 = tpu.vector_load_idx %arg8[%add3A_1217, %broadcast_in_dim3A_1218] : memref<64x128xf32, #tpu.memory_space<vmem>>[vector<16xi32>, vector<16xi32>], vector<16xf32>,
      %broadcast_in_dim3A_1220 = vector.broadcast %squeeze3A_1212 : i32 to vector<16xi32>
      %gather3A_1221 = tpu.vector_load_idx %arg7[%add3A_1217, %broadcast_in_dim3A_1220] : memref<64x1000xf32, #tpu.memory_space<vmem>>[vector<16xi32>, vector<16xi32>], vector<16xf32>,
      %mul3A_1222 = arith.mulf %gather3A_1219, %gather3A_1221 : vector<16xf32>
      %add3A_1223 = arith.addf %broadcast_in_dim3A_1214, %mul3A_1222 : vector<16xf32>
      %add3A_1224 = arith.constant 16 : i32
      %add3A_1225 = vector.broadcast %add3A_1224 : i32 to vector<16xi32>
      %add3A_1226 = arith.addi %iota3A, %add3A_1225 : vector<16xi32>
      %broadcast_in_dim3A_1227 = vector.broadcast %and3A_1210 : i32 to vector<16xi32>
      %gather3A_1228 = tpu.vector_load_idx %arg8[%add3A_1226, %broadcast_in_dim3A_1227] : memref<64x128xf32, #tpu.memory_space<vmem>>[vector<16xi32>, vector<16xi32>], vector<16xf32>,
      %broadcast_in_dim3A_1229 = vector.broadcast %squeeze3A_1212 : i32 to vector<16xi32>
      %gather3A_1230 = tpu.vector_load_idx %arg7[%add3A_1226, %broadcast_in_dim3A_1229] : memref<64x1000xf32, #tpu.memory_space<vmem>>[vector<16xi32>, vector<16xi32>], vector<16xf32>,
      %mul3A_1231 = arith.mulf %gather3A_1228, %gather3A_1230 : vector<16xf32>
      %add3A_1232 = arith.addf %add3A_1223, %mul3A_1231 : vector<16xf32>
      %add3A_1233 = arith.constant 32 : i32
      %add3A_1234 = vector.broadcast %add3A_1233 : i32 to vector<16xi32>
      %add3A_1235 = arith.addi %iota3A, %add3A_1234 : vector<16xi32>
      %broadcast_in_dim3A_1236 = vector.broadcast %and3A_1210 : i32 to vector<16xi32>
      %gather3A_1237 = tpu.vector_load_idx %arg8[%add3A_1235, %broadcast_in_dim3A_1236] : memref<64x128xf32, #tpu.memory_space<vmem>>[vector<16xi32>, vector<16xi32>], vector<16xf32>,
      %broadcast_in_dim3A_1238 = vector.broadcast %squeeze3A_1212 : i32 to vector<16xi32>
      %gather3A_1239 = tpu.vector_load_idx %arg7[%add3A_1235, %broadcast_in_dim3A_1238] : memref<64x1000xf32, #tpu.memory_space<vmem>>[vector<16xi32>, vector<16xi32>], vector<16xf32>,
      %mul3A_1240 = arith.mulf %gather3A_1237, %gather3A_1239 : vector<16xf32>
      %add3A_1241 = arith.addf %add3A_1232, %mul3A_1240 : vector<16xf32>
      %add3A_1242 = arith.constant 48 : i32
      %add3A_1243 = vector.broadcast %add3A_1242 : i32 to vector<16xi32>
      %add3A_1244 = arith.addi %iota3A, %add3A_1243 : vector<16xi32>
      %broadcast_in_dim3A_1245 = vector.broadcast %and3A_1210 : i32 to vector<16xi32>
      %gather3A_1246 = tpu.vector_load_idx %arg8[%add3A_1244, %broadcast_in_dim3A_1245] : memref<64x128xf32, #tpu.memory_space<vmem>>[vector<16xi32>, vector<16xi32>], vector<16xf32>,
      %broadcast_in_dim3A_1247 = vector.broadcast %squeeze3A_1212 : i32 to vector<16xi32>
      %gather3A_1248 = tpu.vector_load_idx %arg7[%add3A_1244, %broadcast_in_dim3A_1247] : memref<64x1000xf32, #tpu.memory_space<vmem>>[vector<16xi32>, vector<16xi32>], vector<16xf32>,
      %mul3A_1249 = arith.mulf %gather3A_1246, %gather3A_1248 : vector<16xf32>
      %add3A_1250 = arith.addf %add3A_1241, %mul3A_1249 : vector<16xf32>
      %eq3A_1251 = arith.constant 8 : i32
      %eq3A_1252 = vector.broadcast %eq3A_1251 : i32 to vector<16xi32>
      %eq3A_1253 = arith.cmpi eq, %iota3A, %eq3A_1252 : vector<16xi32>
      %reduce_sum3A_1254 = arith.constant true
      %reduce_sum3A_1255 = vector.broadcast %reduce_sum3A_1254 : i1 to vector<16xi1>
      %reduce_sum3A_1256 = tpu.scan <sum>, %add3A_1250 masked %reduce_sum3A_1255 : vector<16xf32>, vector<16xi1> -> vector<16xf32>
      %reduce_sum3A_1257 = vector.extract %reduce_sum3A_1256[15] : f32 from vector<16xf32>
      %broadcast_in_dim3A_1258 = vector.broadcast %reduce_sum3A_1257 : f32 to vector<16xf32>
      %select_n3A_1259 = arith.select %eq3A_1253, %broadcast_in_dim3A_1258, %select_n3A_1167 : vector<16xi1>, vector<16xf32>
      %dma_wait3A_1260 = arith.constant 0 : i32
      %dma_wait3A_1261 = arith.constant 0 : i32
      %dma_wait3A_1262 = tpu.memref_slice %arg4[%dma_wait3A_1260, %dma_wait3A_1261] : memref<64x1000000xf32, #tpu.memory_space<hbm>> -> memref<64x128xf32, #tpu.memory_space<hbm>>
      %dma_wait3A_1263 = arith.constant 0 : i32
      %dma_wait3A_1264 = arith.constant 0 : i32
      %dma_wait3A_1265 = tpu.memref_slice %arg4[%dma_wait3A_1263, %dma_wait3A_1264] : memref<64x1000000xf32, #tpu.memory_space<hbm>> -> memref<64x128xf32, #tpu.memory_space<hbm>>
      tpu.wait_dma2 semaphore(%arg15 : memref<!tpu.dma_semaphore, #tpu.memory_space<semaphore_mem>>) src(%dma_wait3A_1265 : memref<64x128xf32, #tpu.memory_space<hbm>>) dst(%arg9 : memref<64x128xf32, #tpu.memory_space<vmem>>)
      %slice3A_1266 = vector.extract_strided_slice %get3A_423 {offsets = [10], sizes = [1], strides = [1]} : vector<16xi32> to vector<1xi32>
      %squeeze3A_1267 = vector.extract %slice3A_1266[0] : i32 from vector<1xi32>
      %jit3A_1268 = arith.constant 128 : i32
      %div3A_1269 = arith.divsi %squeeze3A_1267, %jit3A_1268 : i32
      %sign3A_1270 = arith.constant 0 : i32
      %sign3A_1271 = arith.cmpi sgt, %squeeze3A_1267, %sign3A_1270 : i32
      %sign3A_1272 = arith.extui %sign3A_1271 : i1 to i32
      %sign3A_1273 = arith.constant 0 : i32
      %sign3A_1274 = arith.cmpi slt, %squeeze3A_1267, %sign3A_1273 : i32
      %sign3A_1275 = arith.extui %sign3A_1274 : i1 to i32
      %sign3A_1276 = arith.subi %sign3A_1272, %sign3A_1275 : i32
      %sign3A_1277 = arith.constant 0 : i32
      %sign3A_1278 = arith.cmpi sgt, %jit3A_1268, %sign3A_1277 : i32
      %sign3A_1279 = arith.extui %sign3A_1278 : i1 to i32
      %sign3A_1280 = arith.constant 0 : i32
      %sign3A_1281 = arith.cmpi slt, %jit3A_1268, %sign3A_1280 : i32
      %sign3A_1282 = arith.extui %sign3A_1281 : i1 to i32
      %sign3A_1283 = arith.subi %sign3A_1279, %sign3A_1282 : i32
      %ne3A_1284 = arith.cmpi ne, %sign3A_1276, %sign3A_1283 : i32
      %rem3A_1285 = arith.remsi %squeeze3A_1267, %jit3A_1268 : i32
      %ne3A_1286 = arith.constant 0 : i32
      %ne3A_1287 = arith.cmpi ne, %rem3A_1285, %ne3A_1286 : i32
      %and3A_1288 = arith.andi %ne3A_1284, %ne3A_1287 : i1
      %sub3A_1289 = arith.constant 1 : i32
      %sub3A_1290 = arith.subi %div3A_1269, %sub3A_1289 : i32
      %select_n3A_1291 = arith.select %and3A_1288, %sub3A_1290, %div3A_1269 : i32
      %mul3A_1292 = arith.constant 128 : i32
      %mul3A_1293 = arith.muli %select_n3A_1291, %mul3A_1292 : i32
      %multiple_of3A_1294 = tpu.assume_multiple %mul3A_1293, 128 : i32
      %dma_start3A_1295 = arith.constant 0 : i32
      %dma_start3A_1296 = tpu.memref_slice %arg4[%dma_start3A_1295, %multiple_of3A_1294] : memref<64x1000000xf32, #tpu.memory_space<hbm>> -> memref<64x128xf32, #tpu.memory_space<hbm>>
      %dma_start3A_1297 = arith.constant 0 : i32
      %dma_start3A_1298 = tpu.memref_slice %arg4[%dma_start3A_1297, %multiple_of3A_1294] : memref<64x1000000xf32, #tpu.memory_space<hbm>> -> memref<64x128xf32, #tpu.memory_space<hbm>>
      tpu.enqueue_dma source(%dma_start3A_1298 : memref<64x128xf32, #tpu.memory_space<hbm>>) target(%arg8 : memref<64x128xf32, #tpu.memory_space<vmem>>) target_semaphore(%arg14 : memref<!tpu.dma_semaphore, #tpu.memory_space<semaphore_mem>>)
      %slice3A_1299 = vector.extract_strided_slice %get3A_423 {offsets = [9], sizes = [1], strides = [1]} : vector<16xi32> to vector<1xi32>
      %squeeze3A_1300 = vector.extract %slice3A_1299[0] : i32 from vector<1xi32>
      %and3A_1301 = arith.constant 127 : i32
      %and3A_1302 = arith.andi %squeeze3A_1300, %and3A_1301 : i32
      %slice3A_1303 = vector.extract_strided_slice %get3A_434 {offsets = [9], sizes = [1], strides = [1]} : vector<16xi32> to vector<1xi32>
      %squeeze3A_1304 = vector.extract %slice3A_1303[0] : i32 from vector<1xi32>
      %broadcast_in_dim3A_1305 = arith.constant 0.000000e+00 : f32
      %broadcast_in_dim3A_1306 = vector.broadcast %broadcast_in_dim3A_1305 : f32 to vector<16xf32>
      %add3A_1307 = arith.constant 0 : i32
      %add3A_1308 = vector.broadcast %add3A_1307 : i32 to vector<16xi32>
      %add3A_1309 = arith.addi %iota3A, %add3A_1308 : vector<16xi32>
      %broadcast_in_dim3A_1310 = vector.broadcast %and3A_1302 : i32 to vector<16xi32>
      %gather3A_1311 = tpu.vector_load_idx %arg9[%add3A_1309, %broadcast_in_dim3A_1310] : memref<64x128xf32, #tpu.memory_space<vmem>>[vector<16xi32>, vector<16xi32>], vector<16xf32>,
      %broadcast_in_dim3A_1312 = vector.broadcast %squeeze3A_1304 : i32 to vector<16xi32>
      %gather3A_1313 = tpu.vector_load_idx %arg7[%add3A_1309, %broadcast_in_dim3A_1312] : memref<64x1000xf32, #tpu.memory_space<vmem>>[vector<16xi32>, vector<16xi32>], vector<16xf32>,
      %mul3A_1314 = arith.mulf %gather3A_1311, %gather3A_1313 : vector<16xf32>
      %add3A_1315 = arith.addf %broadcast_in_dim3A_1306, %mul3A_1314 : vector<16xf32>
      %add3A_1316 = arith.constant 16 : i32
      %add3A_1317 = vector.broadcast %add3A_1316 : i32 to vector<16xi32>
      %add3A_1318 = arith.addi %iota3A, %add3A_1317 : vector<16xi32>
      %broadcast_in_dim3A_1319 = vector.broadcast %and3A_1302 : i32 to vector<16xi32>
      %gather3A_1320 = tpu.vector_load_idx %arg9[%add3A_1318, %broadcast_in_dim3A_1319] : memref<64x128xf32, #tpu.memory_space<vmem>>[vector<16xi32>, vector<16xi32>], vector<16xf32>,
      %broadcast_in_dim3A_1321 = vector.broadcast %squeeze3A_1304 : i32 to vector<16xi32>
      %gather3A_1322 = tpu.vector_load_idx %arg7[%add3A_1318, %broadcast_in_dim3A_1321] : memref<64x1000xf32, #tpu.memory_space<vmem>>[vector<16xi32>, vector<16xi32>], vector<16xf32>,
      %mul3A_1323 = arith.mulf %gather3A_1320, %gather3A_1322 : vector<16xf32>
      %add3A_1324 = arith.addf %add3A_1315, %mul3A_1323 : vector<16xf32>
      %add3A_1325 = arith.constant 32 : i32
      %add3A_1326 = vector.broadcast %add3A_1325 : i32 to vector<16xi32>
      %add3A_1327 = arith.addi %iota3A, %add3A_1326 : vector<16xi32>
      %broadcast_in_dim3A_1328 = vector.broadcast %and3A_1302 : i32 to vector<16xi32>
      %gather3A_1329 = tpu.vector_load_idx %arg9[%add3A_1327, %broadcast_in_dim3A_1328] : memref<64x128xf32, #tpu.memory_space<vmem>>[vector<16xi32>, vector<16xi32>], vector<16xf32>,
      %broadcast_in_dim3A_1330 = vector.broadcast %squeeze3A_1304 : i32 to vector<16xi32>
      %gather3A_1331 = tpu.vector_load_idx %arg7[%add3A_1327, %broadcast_in_dim3A_1330] : memref<64x1000xf32, #tpu.memory_space<vmem>>[vector<16xi32>, vector<16xi32>], vector<16xf32>,
      %mul3A_1332 = arith.mulf %gather3A_1329, %gather3A_1331 : vector<16xf32>
      %add3A_1333 = arith.addf %add3A_1324, %mul3A_1332 : vector<16xf32>
      %add3A_1334 = arith.constant 48 : i32
      %add3A_1335 = vector.broadcast %add3A_1334 : i32 to vector<16xi32>
      %add3A_1336 = arith.addi %iota3A, %add3A_1335 : vector<16xi32>
      %broadcast_in_dim3A_1337 = vector.broadcast %and3A_1302 : i32 to vector<16xi32>
      %gather3A_1338 = tpu.vector_load_idx %arg9[%add3A_1336, %broadcast_in_dim3A_1337] : memref<64x128xf32, #tpu.memory_space<vmem>>[vector<16xi32>, vector<16xi32>], vector<16xf32>,
      %broadcast_in_dim3A_1339 = vector.broadcast %squeeze3A_1304 : i32 to vector<16xi32>
      %gather3A_1340 = tpu.vector_load_idx %arg7[%add3A_1336, %broadcast_in_dim3A_1339] : memref<64x1000xf32, #tpu.memory_space<vmem>>[vector<16xi32>, vector<16xi32>], vector<16xf32>,
      %mul3A_1341 = arith.mulf %gather3A_1338, %gather3A_1340 : vector<16xf32>
      %add3A_1342 = arith.addf %add3A_1333, %mul3A_1341 : vector<16xf32>
      %eq3A_1343 = arith.constant 9 : i32
      %eq3A_1344 = vector.broadcast %eq3A_1343 : i32 to vector<16xi32>
      %eq3A_1345 = arith.cmpi eq, %iota3A, %eq3A_1344 : vector<16xi32>
      %reduce_sum3A_1346 = arith.constant true
      %reduce_sum3A_1347 = vector.broadcast %reduce_sum3A_1346 : i1 to vector<16xi1>
      %reduce_sum3A_1348 = tpu.scan <sum>, %add3A_1342 masked %reduce_sum3A_1347 : vector<16xf32>, vector<16xi1> -> vector<16xf32>
      %reduce_sum3A_1349 = vector.extract %reduce_sum3A_1348[15] : f32 from vector<16xf32>
      %broadcast_in_dim3A_1350 = vector.broadcast %reduce_sum3A_1349 : f32 to vector<16xf32>
      %select_n3A_1351 = arith.select %eq3A_1345, %broadcast_in_dim3A_1350, %select_n3A_1259 : vector<16xi1>, vector<16xf32>
      %dma_wait3A_1352 = arith.constant 0 : i32
      %dma_wait3A_1353 = arith.constant 0 : i32
      %dma_wait3A_1354 = tpu.memref_slice %arg4[%dma_wait3A_1352, %dma_wait3A_1353] : memref<64x1000000xf32, #tpu.memory_space<hbm>> -> memref<64x128xf32, #tpu.memory_space<hbm>>
      %dma_wait3A_1355 = arith.constant 0 : i32
      %dma_wait3A_1356 = arith.constant 0 : i32
      %dma_wait3A_1357 = tpu.memref_slice %arg4[%dma_wait3A_1355, %dma_wait3A_1356] : memref<64x1000000xf32, #tpu.memory_space<hbm>> -> memref<64x128xf32, #tpu.memory_space<hbm>>
      tpu.wait_dma2 semaphore(%arg14 : memref<!tpu.dma_semaphore, #tpu.memory_space<semaphore_mem>>) src(%dma_wait3A_1357 : memref<64x128xf32, #tpu.memory_space<hbm>>) dst(%arg8 : memref<64x128xf32, #tpu.memory_space<vmem>>)
      %slice3A_1358 = vector.extract_strided_slice %get3A_423 {offsets = [11], sizes = [1], strides = [1]} : vector<16xi32> to vector<1xi32>
      %squeeze3A_1359 = vector.extract %slice3A_1358[0] : i32 from vector<1xi32>
      %jit3A_1360 = arith.constant 128 : i32
      %div3A_1361 = arith.divsi %squeeze3A_1359, %jit3A_1360 : i32
      %sign3A_1362 = arith.constant 0 : i32
      %sign3A_1363 = arith.cmpi sgt, %squeeze3A_1359, %sign3A_1362 : i32
      %sign3A_1364 = arith.extui %sign3A_1363 : i1 to i32
      %sign3A_1365 = arith.constant 0 : i32
      %sign3A_1366 = arith.cmpi slt, %squeeze3A_1359, %sign3A_1365 : i32
      %sign3A_1367 = arith.extui %sign3A_1366 : i1 to i32
      %sign3A_1368 = arith.subi %sign3A_1364, %sign3A_1367 : i32
      %sign3A_1369 = arith.constant 0 : i32
      %sign3A_1370 = arith.cmpi sgt, %jit3A_1360, %sign3A_1369 : i32
      %sign3A_1371 = arith.extui %sign3A_1370 : i1 to i32
      %sign3A_1372 = arith.constant 0 : i32
      %sign3A_1373 = arith.cmpi slt, %jit3A_1360, %sign3A_1372 : i32
      %sign3A_1374 = arith.extui %sign3A_1373 : i1 to i32
      %sign3A_1375 = arith.subi %sign3A_1371, %sign3A_1374 : i32
      %ne3A_1376 = arith.cmpi ne, %sign3A_1368, %sign3A_1375 : i32
      %rem3A_1377 = arith.remsi %squeeze3A_1359, %jit3A_1360 : i32
      %ne3A_1378 = arith.constant 0 : i32
      %ne3A_1379 = arith.cmpi ne, %rem3A_1377, %ne3A_1378 : i32
      %and3A_1380 = arith.andi %ne3A_1376, %ne3A_1379 : i1
      %sub3A_1381 = arith.constant 1 : i32
      %sub3A_1382 = arith.subi %div3A_1361, %sub3A_1381 : i32
      %select_n3A_1383 = arith.select %and3A_1380, %sub3A_1382, %div3A_1361 : i32
      %mul3A_1384 = arith.constant 128 : i32
      %mul3A_1385 = arith.muli %select_n3A_1383, %mul3A_1384 : i32
      %multiple_of3A_1386 = tpu.assume_multiple %mul3A_1385, 128 : i32
      %dma_start3A_1387 = arith.constant 0 : i32
      %dma_start3A_1388 = tpu.memref_slice %arg4[%dma_start3A_1387, %multiple_of3A_1386] : memref<64x1000000xf32, #tpu.memory_space<hbm>> -> memref<64x128xf32, #tpu.memory_space<hbm>>
      %dma_start3A_1389 = arith.constant 0 : i32
      %dma_start3A_1390 = tpu.memref_slice %arg4[%dma_start3A_1389, %multiple_of3A_1386] : memref<64x1000000xf32, #tpu.memory_space<hbm>> -> memref<64x128xf32, #tpu.memory_space<hbm>>
      tpu.enqueue_dma source(%dma_start3A_1390 : memref<64x128xf32, #tpu.memory_space<hbm>>) target(%arg9 : memref<64x128xf32, #tpu.memory_space<vmem>>) target_semaphore(%arg15 : memref<!tpu.dma_semaphore, #tpu.memory_space<semaphore_mem>>)
      %slice3A_1391 = vector.extract_strided_slice %get3A_423 {offsets = [10], sizes = [1], strides = [1]} : vector<16xi32> to vector<1xi32>
      %squeeze3A_1392 = vector.extract %slice3A_1391[0] : i32 from vector<1xi32>
      %and3A_1393 = arith.constant 127 : i32
      %and3A_1394 = arith.andi %squeeze3A_1392, %and3A_1393 : i32
      %slice3A_1395 = vector.extract_strided_slice %get3A_434 {offsets = [10], sizes = [1], strides = [1]} : vector<16xi32> to vector<1xi32>
      %squeeze3A_1396 = vector.extract %slice3A_1395[0] : i32 from vector<1xi32>
      %broadcast_in_dim3A_1397 = arith.constant 0.000000e+00 : f32
      %broadcast_in_dim3A_1398 = vector.broadcast %broadcast_in_dim3A_1397 : f32 to vector<16xf32>
      %add3A_1399 = arith.constant 0 : i32
      %add3A_1400 = vector.broadcast %add3A_1399 : i32 to vector<16xi32>
      %add3A_1401 = arith.addi %iota3A, %add3A_1400 : vector<16xi32>
      %broadcast_in_dim3A_1402 = vector.broadcast %and3A_1394 : i32 to vector<16xi32>
      %gather3A_1403 = tpu.vector_load_idx %arg8[%add3A_1401, %broadcast_in_dim3A_1402] : memref<64x128xf32, #tpu.memory_space<vmem>>[vector<16xi32>, vector<16xi32>], vector<16xf32>,
      %broadcast_in_dim3A_1404 = vector.broadcast %squeeze3A_1396 : i32 to vector<16xi32>
      %gather3A_1405 = tpu.vector_load_idx %arg7[%add3A_1401, %broadcast_in_dim3A_1404] : memref<64x1000xf32, #tpu.memory_space<vmem>>[vector<16xi32>, vector<16xi32>], vector<16xf32>,
      %mul3A_1406 = arith.mulf %gather3A_1403, %gather3A_1405 : vector<16xf32>
      %add3A_1407 = arith.addf %broadcast_in_dim3A_1398, %mul3A_1406 : vector<16xf32>
      %add3A_1408 = arith.constant 16 : i32
      %add3A_1409 = vector.broadcast %add3A_1408 : i32 to vector<16xi32>
      %add3A_1410 = arith.addi %iota3A, %add3A_1409 : vector<16xi32>
      %broadcast_in_dim3A_1411 = vector.broadcast %and3A_1394 : i32 to vector<16xi32>
      %gather3A_1412 = tpu.vector_load_idx %arg8[%add3A_1410, %broadcast_in_dim3A_1411] : memref<64x128xf32, #tpu.memory_space<vmem>>[vector<16xi32>, vector<16xi32>], vector<16xf32>,
      %broadcast_in_dim3A_1413 = vector.broadcast %squeeze3A_1396 : i32 to vector<16xi32>
      %gather3A_1414 = tpu.vector_load_idx %arg7[%add3A_1410, %broadcast_in_dim3A_1413] : memref<64x1000xf32, #tpu.memory_space<vmem>>[vector<16xi32>, vector<16xi32>], vector<16xf32>,
      %mul3A_1415 = arith.mulf %gather3A_1412, %gather3A_1414 : vector<16xf32>
      %add3A_1416 = arith.addf %add3A_1407, %mul3A_1415 : vector<16xf32>
      %add3A_1417 = arith.constant 32 : i32
      %add3A_1418 = vector.broadcast %add3A_1417 : i32 to vector<16xi32>
      %add3A_1419 = arith.addi %iota3A, %add3A_1418 : vector<16xi32>
      %broadcast_in_dim3A_1420 = vector.broadcast %and3A_1394 : i32 to vector<16xi32>
      %gather3A_1421 = tpu.vector_load_idx %arg8[%add3A_1419, %broadcast_in_dim3A_1420] : memref<64x128xf32, #tpu.memory_space<vmem>>[vector<16xi32>, vector<16xi32>], vector<16xf32>,
      %broadcast_in_dim3A_1422 = vector.broadcast %squeeze3A_1396 : i32 to vector<16xi32>
      %gather3A_1423 = tpu.vector_load_idx %arg7[%add3A_1419, %broadcast_in_dim3A_1422] : memref<64x1000xf32, #tpu.memory_space<vmem>>[vector<16xi32>, vector<16xi32>], vector<16xf32>,
      %mul3A_1424 = arith.mulf %gather3A_1421, %gather3A_1423 : vector<16xf32>
      %add3A_1425 = arith.addf %add3A_1416, %mul3A_1424 : vector<16xf32>
      %add3A_1426 = arith.constant 48 : i32
      %add3A_1427 = vector.broadcast %add3A_1426 : i32 to vector<16xi32>
      %add3A_1428 = arith.addi %iota3A, %add3A_1427 : vector<16xi32>
      %broadcast_in_dim3A_1429 = vector.broadcast %and3A_1394 : i32 to vector<16xi32>
      %gather3A_1430 = tpu.vector_load_idx %arg8[%add3A_1428, %broadcast_in_dim3A_1429] : memref<64x128xf32, #tpu.memory_space<vmem>>[vector<16xi32>, vector<16xi32>], vector<16xf32>,
      %broadcast_in_dim3A_1431 = vector.broadcast %squeeze3A_1396 : i32 to vector<16xi32>
      %gather3A_1432 = tpu.vector_load_idx %arg7[%add3A_1428, %broadcast_in_dim3A_1431] : memref<64x1000xf32, #tpu.memory_space<vmem>>[vector<16xi32>, vector<16xi32>], vector<16xf32>,
      %mul3A_1433 = arith.mulf %gather3A_1430, %gather3A_1432 : vector<16xf32>
      %add3A_1434 = arith.addf %add3A_1425, %mul3A_1433 : vector<16xf32>
      %eq3A_1435 = arith.constant 10 : i32
      %eq3A_1436 = vector.broadcast %eq3A_1435 : i32 to vector<16xi32>
      %eq3A_1437 = arith.cmpi eq, %iota3A, %eq3A_1436 : vector<16xi32>
      %reduce_sum3A_1438 = arith.constant true
      %reduce_sum3A_1439 = vector.broadcast %reduce_sum3A_1438 : i1 to vector<16xi1>
      %reduce_sum3A_1440 = tpu.scan <sum>, %add3A_1434 masked %reduce_sum3A_1439 : vector<16xf32>, vector<16xi1> -> vector<16xf32>
      %reduce_sum3A_1441 = vector.extract %reduce_sum3A_1440[15] : f32 from vector<16xf32>
      %broadcast_in_dim3A_1442 = vector.broadcast %reduce_sum3A_1441 : f32 to vector<16xf32>
      %select_n3A_1443 = arith.select %eq3A_1437, %broadcast_in_dim3A_1442, %select_n3A_1351 : vector<16xi1>, vector<16xf32>
      %dma_wait3A_1444 = arith.constant 0 : i32
      %dma_wait3A_1445 = arith.constant 0 : i32
      %dma_wait3A_1446 = tpu.memref_slice %arg4[%dma_wait3A_1444, %dma_wait3A_1445] : memref<64x1000000xf32, #tpu.memory_space<hbm>> -> memref<64x128xf32, #tpu.memory_space<hbm>>
      %dma_wait3A_1447 = arith.constant 0 : i32
      %dma_wait3A_1448 = arith.constant 0 : i32
      %dma_wait3A_1449 = tpu.memref_slice %arg4[%dma_wait3A_1447, %dma_wait3A_1448] : memref<64x1000000xf32, #tpu.memory_space<hbm>> -> memref<64x128xf32, #tpu.memory_space<hbm>>
      tpu.wait_dma2 semaphore(%arg15 : memref<!tpu.dma_semaphore, #tpu.memory_space<semaphore_mem>>) src(%dma_wait3A_1449 : memref<64x128xf32, #tpu.memory_space<hbm>>) dst(%arg9 : memref<64x128xf32, #tpu.memory_space<vmem>>)
      %slice3A_1450 = vector.extract_strided_slice %get3A_423 {offsets = [12], sizes = [1], strides = [1]} : vector<16xi32> to vector<1xi32>
      %squeeze3A_1451 = vector.extract %slice3A_1450[0] : i32 from vector<1xi32>
      %jit3A_1452 = arith.constant 128 : i32
      %div3A_1453 = arith.divsi %squeeze3A_1451, %jit3A_1452 : i32
      %sign3A_1454 = arith.constant 0 : i32
      %sign3A_1455 = arith.cmpi sgt, %squeeze3A_1451, %sign3A_1454 : i32
      %sign3A_1456 = arith.extui %sign3A_1455 : i1 to i32
      %sign3A_1457 = arith.constant 0 : i32
      %sign3A_1458 = arith.cmpi slt, %squeeze3A_1451, %sign3A_1457 : i32
      %sign3A_1459 = arith.extui %sign3A_1458 : i1 to i32
      %sign3A_1460 = arith.subi %sign3A_1456, %sign3A_1459 : i32
      %sign3A_1461 = arith.constant 0 : i32
      %sign3A_1462 = arith.cmpi sgt, %jit3A_1452, %sign3A_1461 : i32
      %sign3A_1463 = arith.extui %sign3A_1462 : i1 to i32
      %sign3A_1464 = arith.constant 0 : i32
      %sign3A_1465 = arith.cmpi slt, %jit3A_1452, %sign3A_1464 : i32
      %sign3A_1466 = arith.extui %sign3A_1465 : i1 to i32
      %sign3A_1467 = arith.subi %sign3A_1463, %sign3A_1466 : i32
      %ne3A_1468 = arith.cmpi ne, %sign3A_1460, %sign3A_1467 : i32
      %rem3A_1469 = arith.remsi %squeeze3A_1451, %jit3A_1452 : i32
      %ne3A_1470 = arith.constant 0 : i32
      %ne3A_1471 = arith.cmpi ne, %rem3A_1469, %ne3A_1470 : i32
      %and3A_1472 = arith.andi %ne3A_1468, %ne3A_1471 : i1
      %sub3A_1473 = arith.constant 1 : i32
      %sub3A_1474 = arith.subi %div3A_1453, %sub3A_1473 : i32
      %select_n3A_1475 = arith.select %and3A_1472, %sub3A_1474, %div3A_1453 : i32
      %mul3A_1476 = arith.constant 128 : i32
      %mul3A_1477 = arith.muli %select_n3A_1475, %mul3A_1476 : i32
      %multiple_of3A_1478 = tpu.assume_multiple %mul3A_1477, 128 : i32
      %dma_start3A_1479 = arith.constant 0 : i32
      %dma_start3A_1480 = tpu.memref_slice %arg4[%dma_start3A_1479, %multiple_of3A_1478] : memref<64x1000000xf32, #tpu.memory_space<hbm>> -> memref<64x128xf32, #tpu.memory_space<hbm>>
      %dma_start3A_1481 = arith.constant 0 : i32
      %dma_start3A_1482 = tpu.memref_slice %arg4[%dma_start3A_1481, %multiple_of3A_1478] : memref<64x1000000xf32, #tpu.memory_space<hbm>> -> memref<64x128xf32, #tpu.memory_space<hbm>>
      tpu.enqueue_dma source(%dma_start3A_1482 : memref<64x128xf32, #tpu.memory_space<hbm>>) target(%arg8 : memref<64x128xf32, #tpu.memory_space<vmem>>) target_semaphore(%arg14 : memref<!tpu.dma_semaphore, #tpu.memory_space<semaphore_mem>>)
      %slice3A_1483 = vector.extract_strided_slice %get3A_423 {offsets = [11], sizes = [1], strides = [1]} : vector<16xi32> to vector<1xi32>
      %squeeze3A_1484 = vector.extract %slice3A_1483[0] : i32 from vector<1xi32>
      %and3A_1485 = arith.constant 127 : i32
      %and3A_1486 = arith.andi %squeeze3A_1484, %and3A_1485 : i32
      %slice3A_1487 = vector.extract_strided_slice %get3A_434 {offsets = [11], sizes = [1], strides = [1]} : vector<16xi32> to vector<1xi32>
      %squeeze3A_1488 = vector.extract %slice3A_1487[0] : i32 from vector<1xi32>
      %broadcast_in_dim3A_1489 = arith.constant 0.000000e+00 : f32
      %broadcast_in_dim3A_1490 = vector.broadcast %broadcast_in_dim3A_1489 : f32 to vector<16xf32>
      %add3A_1491 = arith.constant 0 : i32
      %add3A_1492 = vector.broadcast %add3A_1491 : i32 to vector<16xi32>
      %add3A_1493 = arith.addi %iota3A, %add3A_1492 : vector<16xi32>
      %broadcast_in_dim3A_1494 = vector.broadcast %and3A_1486 : i32 to vector<16xi32>
      %gather3A_1495 = tpu.vector_load_idx %arg9[%add3A_1493, %broadcast_in_dim3A_1494] : memref<64x128xf32, #tpu.memory_space<vmem>>[vector<16xi32>, vector<16xi32>], vector<16xf32>,
      %broadcast_in_dim3A_1496 = vector.broadcast %squeeze3A_1488 : i32 to vector<16xi32>
      %gather3A_1497 = tpu.vector_load_idx %arg7[%add3A_1493, %broadcast_in_dim3A_1496] : memref<64x1000xf32, #tpu.memory_space<vmem>>[vector<16xi32>, vector<16xi32>], vector<16xf32>,
      %mul3A_1498 = arith.mulf %gather3A_1495, %gather3A_1497 : vector<16xf32>
      %add3A_1499 = arith.addf %broadcast_in_dim3A_1490, %mul3A_1498 : vector<16xf32>
      %add3A_1500 = arith.constant 16 : i32
      %add3A_1501 = vector.broadcast %add3A_1500 : i32 to vector<16xi32>
      %add3A_1502 = arith.addi %iota3A, %add3A_1501 : vector<16xi32>
      %broadcast_in_dim3A_1503 = vector.broadcast %and3A_1486 : i32 to vector<16xi32>
      %gather3A_1504 = tpu.vector_load_idx %arg9[%add3A_1502, %broadcast_in_dim3A_1503] : memref<64x128xf32, #tpu.memory_space<vmem>>[vector<16xi32>, vector<16xi32>], vector<16xf32>,
      %broadcast_in_dim3A_1505 = vector.broadcast %squeeze3A_1488 : i32 to vector<16xi32>
      %gather3A_1506 = tpu.vector_load_idx %arg7[%add3A_1502, %broadcast_in_dim3A_1505] : memref<64x1000xf32, #tpu.memory_space<vmem>>[vector<16xi32>, vector<16xi32>], vector<16xf32>,
      %mul3A_1507 = arith.mulf %gather3A_1504, %gather3A_1506 : vector<16xf32>
      %add3A_1508 = arith.addf %add3A_1499, %mul3A_1507 : vector<16xf32>
      %add3A_1509 = arith.constant 32 : i32
      %add3A_1510 = vector.broadcast %add3A_1509 : i32 to vector<16xi32>
      %add3A_1511 = arith.addi %iota3A, %add3A_1510 : vector<16xi32>
      %broadcast_in_dim3A_1512 = vector.broadcast %and3A_1486 : i32 to vector<16xi32>
      %gather3A_1513 = tpu.vector_load_idx %arg9[%add3A_1511, %broadcast_in_dim3A_1512] : memref<64x128xf32, #tpu.memory_space<vmem>>[vector<16xi32>, vector<16xi32>], vector<16xf32>,
      %broadcast_in_dim3A_1514 = vector.broadcast %squeeze3A_1488 : i32 to vector<16xi32>
      %gather3A_1515 = tpu.vector_load_idx %arg7[%add3A_1511, %broadcast_in_dim3A_1514] : memref<64x1000xf32, #tpu.memory_space<vmem>>[vector<16xi32>, vector<16xi32>], vector<16xf32>,
      %mul3A_1516 = arith.mulf %gather3A_1513, %gather3A_1515 : vector<16xf32>
      %add3A_1517 = arith.addf %add3A_1508, %mul3A_1516 : vector<16xf32>
      %add3A_1518 = arith.constant 48 : i32
      %add3A_1519 = vector.broadcast %add3A_1518 : i32 to vector<16xi32>
      %add3A_1520 = arith.addi %iota3A, %add3A_1519 : vector<16xi32>
      %broadcast_in_dim3A_1521 = vector.broadcast %and3A_1486 : i32 to vector<16xi32>
      %gather3A_1522 = tpu.vector_load_idx %arg9[%add3A_1520, %broadcast_in_dim3A_1521] : memref<64x128xf32, #tpu.memory_space<vmem>>[vector<16xi32>, vector<16xi32>], vector<16xf32>,
      %broadcast_in_dim3A_1523 = vector.broadcast %squeeze3A_1488 : i32 to vector<16xi32>
      %gather3A_1524 = tpu.vector_load_idx %arg7[%add3A_1520, %broadcast_in_dim3A_1523] : memref<64x1000xf32, #tpu.memory_space<vmem>>[vector<16xi32>, vector<16xi32>], vector<16xf32>,
      %mul3A_1525 = arith.mulf %gather3A_1522, %gather3A_1524 : vector<16xf32>
      %add3A_1526 = arith.addf %add3A_1517, %mul3A_1525 : vector<16xf32>
      %eq3A_1527 = arith.constant 11 : i32
      %eq3A_1528 = vector.broadcast %eq3A_1527 : i32 to vector<16xi32>
      %eq3A_1529 = arith.cmpi eq, %iota3A, %eq3A_1528 : vector<16xi32>
      %reduce_sum3A_1530 = arith.constant true
      %reduce_sum3A_1531 = vector.broadcast %reduce_sum3A_1530 : i1 to vector<16xi1>
      %reduce_sum3A_1532 = tpu.scan <sum>, %add3A_1526 masked %reduce_sum3A_1531 : vector<16xf32>, vector<16xi1> -> vector<16xf32>
      %reduce_sum3A_1533 = vector.extract %reduce_sum3A_1532[15] : f32 from vector<16xf32>
      %broadcast_in_dim3A_1534 = vector.broadcast %reduce_sum3A_1533 : f32 to vector<16xf32>
      %select_n3A_1535 = arith.select %eq3A_1529, %broadcast_in_dim3A_1534, %select_n3A_1443 : vector<16xi1>, vector<16xf32>
      %dma_wait3A_1536 = arith.constant 0 : i32
      %dma_wait3A_1537 = arith.constant 0 : i32
      %dma_wait3A_1538 = tpu.memref_slice %arg4[%dma_wait3A_1536, %dma_wait3A_1537] : memref<64x1000000xf32, #tpu.memory_space<hbm>> -> memref<64x128xf32, #tpu.memory_space<hbm>>
      %dma_wait3A_1539 = arith.constant 0 : i32
      %dma_wait3A_1540 = arith.constant 0 : i32
      %dma_wait3A_1541 = tpu.memref_slice %arg4[%dma_wait3A_1539, %dma_wait3A_1540] : memref<64x1000000xf32, #tpu.memory_space<hbm>> -> memref<64x128xf32, #tpu.memory_space<hbm>>
      tpu.wait_dma2 semaphore(%arg14 : memref<!tpu.dma_semaphore, #tpu.memory_space<semaphore_mem>>) src(%dma_wait3A_1541 : memref<64x128xf32, #tpu.memory_space<hbm>>) dst(%arg8 : memref<64x128xf32, #tpu.memory_space<vmem>>)
      %slice3A_1542 = vector.extract_strided_slice %get3A_423 {offsets = [13], sizes = [1], strides = [1]} : vector<16xi32> to vector<1xi32>
      %squeeze3A_1543 = vector.extract %slice3A_1542[0] : i32 from vector<1xi32>
      %jit3A_1544 = arith.constant 128 : i32
      %div3A_1545 = arith.divsi %squeeze3A_1543, %jit3A_1544 : i32
      %sign3A_1546 = arith.constant 0 : i32
      %sign3A_1547 = arith.cmpi sgt, %squeeze3A_1543, %sign3A_1546 : i32
      %sign3A_1548 = arith.extui %sign3A_1547 : i1 to i32
      %sign3A_1549 = arith.constant 0 : i32
      %sign3A_1550 = arith.cmpi slt, %squeeze3A_1543, %sign3A_1549 : i32
      %sign3A_1551 = arith.extui %sign3A_1550 : i1 to i32
      %sign3A_1552 = arith.subi %sign3A_1548, %sign3A_1551 : i32
      %sign3A_1553 = arith.constant 0 : i32
      %sign3A_1554 = arith.cmpi sgt, %jit3A_1544, %sign3A_1553 : i32
      %sign3A_1555 = arith.extui %sign3A_1554 : i1 to i32
      %sign3A_1556 = arith.constant 0 : i32
      %sign3A_1557 = arith.cmpi slt, %jit3A_1544, %sign3A_1556 : i32
      %sign3A_1558 = arith.extui %sign3A_1557 : i1 to i32
      %sign3A_1559 = arith.subi %sign3A_1555, %sign3A_1558 : i32
      %ne3A_1560 = arith.cmpi ne, %sign3A_1552, %sign3A_1559 : i32
      %rem3A_1561 = arith.remsi %squeeze3A_1543, %jit3A_1544 : i32
      %ne3A_1562 = arith.constant 0 : i32
      %ne3A_1563 = arith.cmpi ne, %rem3A_1561, %ne3A_1562 : i32
      %and3A_1564 = arith.andi %ne3A_1560, %ne3A_1563 : i1
      %sub3A_1565 = arith.constant 1 : i32
      %sub3A_1566 = arith.subi %div3A_1545, %sub3A_1565 : i32
      %select_n3A_1567 = arith.select %and3A_1564, %sub3A_1566, %div3A_1545 : i32
      %mul3A_1568 = arith.constant 128 : i32
      %mul3A_1569 = arith.muli %select_n3A_1567, %mul3A_1568 : i32
      %multiple_of3A_1570 = tpu.assume_multiple %mul3A_1569, 128 : i32
      %dma_start3A_1571 = arith.constant 0 : i32
      %dma_start3A_1572 = tpu.memref_slice %arg4[%dma_start3A_1571, %multiple_of3A_1570] : memref<64x1000000xf32, #tpu.memory_space<hbm>> -> memref<64x128xf32, #tpu.memory_space<hbm>>
      %dma_start3A_1573 = arith.constant 0 : i32
      %dma_start3A_1574 = tpu.memref_slice %arg4[%dma_start3A_1573, %multiple_of3A_1570] : memref<64x1000000xf32, #tpu.memory_space<hbm>> -> memref<64x128xf32, #tpu.memory_space<hbm>>
      tpu.enqueue_dma source(%dma_start3A_1574 : memref<64x128xf32, #tpu.memory_space<hbm>>) target(%arg9 : memref<64x128xf32, #tpu.memory_space<vmem>>) target_semaphore(%arg15 : memref<!tpu.dma_semaphore, #tpu.memory_space<semaphore_mem>>)
      %slice3A_1575 = vector.extract_strided_slice %get3A_423 {offsets = [12], sizes = [1], strides = [1]} : vector<16xi32> to vector<1xi32>
      %squeeze3A_1576 = vector.extract %slice3A_1575[0] : i32 from vector<1xi32>
      %and3A_1577 = arith.constant 127 : i32
      %and3A_1578 = arith.andi %squeeze3A_1576, %and3A_1577 : i32
      %slice3A_1579 = vector.extract_strided_slice %get3A_434 {offsets = [12], sizes = [1], strides = [1]} : vector<16xi32> to vector<1xi32>
      %squeeze3A_1580 = vector.extract %slice3A_1579[0] : i32 from vector<1xi32>
      %broadcast_in_dim3A_1581 = arith.constant 0.000000e+00 : f32
      %broadcast_in_dim3A_1582 = vector.broadcast %broadcast_in_dim3A_1581 : f32 to vector<16xf32>
      %add3A_1583 = arith.constant 0 : i32
      %add3A_1584 = vector.broadcast %add3A_1583 : i32 to vector<16xi32>
      %add3A_1585 = arith.addi %iota3A, %add3A_1584 : vector<16xi32>
      %broadcast_in_dim3A_1586 = vector.broadcast %and3A_1578 : i32 to vector<16xi32>
      %gather3A_1587 = tpu.vector_load_idx %arg8[%add3A_1585, %broadcast_in_dim3A_1586] : memref<64x128xf32, #tpu.memory_space<vmem>>[vector<16xi32>, vector<16xi32>], vector<16xf32>,
      %broadcast_in_dim3A_1588 = vector.broadcast %squeeze3A_1580 : i32 to vector<16xi32>
      %gather3A_1589 = tpu.vector_load_idx %arg7[%add3A_1585, %broadcast_in_dim3A_1588] : memref<64x1000xf32, #tpu.memory_space<vmem>>[vector<16xi32>, vector<16xi32>], vector<16xf32>,
      %mul3A_1590 = arith.mulf %gather3A_1587, %gather3A_1589 : vector<16xf32>
      %add3A_1591 = arith.addf %broadcast_in_dim3A_1582, %mul3A_1590 : vector<16xf32>
      %add3A_1592 = arith.constant 16 : i32
      %add3A_1593 = vector.broadcast %add3A_1592 : i32 to vector<16xi32>
      %add3A_1594 = arith.addi %iota3A, %add3A_1593 : vector<16xi32>
      %broadcast_in_dim3A_1595 = vector.broadcast %and3A_1578 : i32 to vector<16xi32>
      %gather3A_1596 = tpu.vector_load_idx %arg8[%add3A_1594, %broadcast_in_dim3A_1595] : memref<64x128xf32, #tpu.memory_space<vmem>>[vector<16xi32>, vector<16xi32>], vector<16xf32>,
      %broadcast_in_dim3A_1597 = vector.broadcast %squeeze3A_1580 : i32 to vector<16xi32>
      %gather3A_1598 = tpu.vector_load_idx %arg7[%add3A_1594, %broadcast_in_dim3A_1597] : memref<64x1000xf32, #tpu.memory_space<vmem>>[vector<16xi32>, vector<16xi32>], vector<16xf32>,
      %mul3A_1599 = arith.mulf %gather3A_1596, %gather3A_1598 : vector<16xf32>
      %add3A_1600 = arith.addf %add3A_1591, %mul3A_1599 : vector<16xf32>
      %add3A_1601 = arith.constant 32 : i32
      %add3A_1602 = vector.broadcast %add3A_1601 : i32 to vector<16xi32>
      %add3A_1603 = arith.addi %iota3A, %add3A_1602 : vector<16xi32>
      %broadcast_in_dim3A_1604 = vector.broadcast %and3A_1578 : i32 to vector<16xi32>
      %gather3A_1605 = tpu.vector_load_idx %arg8[%add3A_1603, %broadcast_in_dim3A_1604] : memref<64x128xf32, #tpu.memory_space<vmem>>[vector<16xi32>, vector<16xi32>], vector<16xf32>,
      %broadcast_in_dim3A_1606 = vector.broadcast %squeeze3A_1580 : i32 to vector<16xi32>
      %gather3A_1607 = tpu.vector_load_idx %arg7[%add3A_1603, %broadcast_in_dim3A_1606] : memref<64x1000xf32, #tpu.memory_space<vmem>>[vector<16xi32>, vector<16xi32>], vector<16xf32>,
      %mul3A_1608 = arith.mulf %gather3A_1605, %gather3A_1607 : vector<16xf32>
      %add3A_1609 = arith.addf %add3A_1600, %mul3A_1608 : vector<16xf32>
      %add3A_1610 = arith.constant 48 : i32
      %add3A_1611 = vector.broadcast %add3A_1610 : i32 to vector<16xi32>
      %add3A_1612 = arith.addi %iota3A, %add3A_1611 : vector<16xi32>
      %broadcast_in_dim3A_1613 = vector.broadcast %and3A_1578 : i32 to vector<16xi32>
      %gather3A_1614 = tpu.vector_load_idx %arg8[%add3A_1612, %broadcast_in_dim3A_1613] : memref<64x128xf32, #tpu.memory_space<vmem>>[vector<16xi32>, vector<16xi32>], vector<16xf32>,
      %broadcast_in_dim3A_1615 = vector.broadcast %squeeze3A_1580 : i32 to vector<16xi32>
      %gather3A_1616 = tpu.vector_load_idx %arg7[%add3A_1612, %broadcast_in_dim3A_1615] : memref<64x1000xf32, #tpu.memory_space<vmem>>[vector<16xi32>, vector<16xi32>], vector<16xf32>,
      %mul3A_1617 = arith.mulf %gather3A_1614, %gather3A_1616 : vector<16xf32>
      %add3A_1618 = arith.addf %add3A_1609, %mul3A_1617 : vector<16xf32>
      %eq3A_1619 = arith.constant 12 : i32
      %eq3A_1620 = vector.broadcast %eq3A_1619 : i32 to vector<16xi32>
      %eq3A_1621 = arith.cmpi eq, %iota3A, %eq3A_1620 : vector<16xi32>
      %reduce_sum3A_1622 = arith.constant true
      %reduce_sum3A_1623 = vector.broadcast %reduce_sum3A_1622 : i1 to vector<16xi1>
      %reduce_sum3A_1624 = tpu.scan <sum>, %add3A_1618 masked %reduce_sum3A_1623 : vector<16xf32>, vector<16xi1> -> vector<16xf32>
      %reduce_sum3A_1625 = vector.extract %reduce_sum3A_1624[15] : f32 from vector<16xf32>
      %broadcast_in_dim3A_1626 = vector.broadcast %reduce_sum3A_1625 : f32 to vector<16xf32>
      %select_n3A_1627 = arith.select %eq3A_1621, %broadcast_in_dim3A_1626, %select_n3A_1535 : vector<16xi1>, vector<16xf32>
      %dma_wait3A_1628 = arith.constant 0 : i32
      %dma_wait3A_1629 = arith.constant 0 : i32
      %dma_wait3A_1630 = tpu.memref_slice %arg4[%dma_wait3A_1628, %dma_wait3A_1629] : memref<64x1000000xf32, #tpu.memory_space<hbm>> -> memref<64x128xf32, #tpu.memory_space<hbm>>
      %dma_wait3A_1631 = arith.constant 0 : i32
      %dma_wait3A_1632 = arith.constant 0 : i32
      %dma_wait3A_1633 = tpu.memref_slice %arg4[%dma_wait3A_1631, %dma_wait3A_1632] : memref<64x1000000xf32, #tpu.memory_space<hbm>> -> memref<64x128xf32, #tpu.memory_space<hbm>>
      tpu.wait_dma2 semaphore(%arg15 : memref<!tpu.dma_semaphore, #tpu.memory_space<semaphore_mem>>) src(%dma_wait3A_1633 : memref<64x128xf32, #tpu.memory_space<hbm>>) dst(%arg9 : memref<64x128xf32, #tpu.memory_space<vmem>>)
      %slice3A_1634 = vector.extract_strided_slice %get3A_423 {offsets = [14], sizes = [1], strides = [1]} : vector<16xi32> to vector<1xi32>
      %squeeze3A_1635 = vector.extract %slice3A_1634[0] : i32 from vector<1xi32>
      %jit3A_1636 = arith.constant 128 : i32
      %div3A_1637 = arith.divsi %squeeze3A_1635, %jit3A_1636 : i32
      %sign3A_1638 = arith.constant 0 : i32
      %sign3A_1639 = arith.cmpi sgt, %squeeze3A_1635, %sign3A_1638 : i32
      %sign3A_1640 = arith.extui %sign3A_1639 : i1 to i32
      %sign3A_1641 = arith.constant 0 : i32
      %sign3A_1642 = arith.cmpi slt, %squeeze3A_1635, %sign3A_1641 : i32
      %sign3A_1643 = arith.extui %sign3A_1642 : i1 to i32
      %sign3A_1644 = arith.subi %sign3A_1640, %sign3A_1643 : i32
      %sign3A_1645 = arith.constant 0 : i32
      %sign3A_1646 = arith.cmpi sgt, %jit3A_1636, %sign3A_1645 : i32
      %sign3A_1647 = arith.extui %sign3A_1646 : i1 to i32
      %sign3A_1648 = arith.constant 0 : i32
      %sign3A_1649 = arith.cmpi slt, %jit3A_1636, %sign3A_1648 : i32
      %sign3A_1650 = arith.extui %sign3A_1649 : i1 to i32
      %sign3A_1651 = arith.subi %sign3A_1647, %sign3A_1650 : i32
      %ne3A_1652 = arith.cmpi ne, %sign3A_1644, %sign3A_1651 : i32
      %rem3A_1653 = arith.remsi %squeeze3A_1635, %jit3A_1636 : i32
      %ne3A_1654 = arith.constant 0 : i32
      %ne3A_1655 = arith.cmpi ne, %rem3A_1653, %ne3A_1654 : i32
      %and3A_1656 = arith.andi %ne3A_1652, %ne3A_1655 : i1
      %sub3A_1657 = arith.constant 1 : i32
      %sub3A_1658 = arith.subi %div3A_1637, %sub3A_1657 : i32
      %select_n3A_1659 = arith.select %and3A_1656, %sub3A_1658, %div3A_1637 : i32
      %mul3A_1660 = arith.constant 128 : i32
      %mul3A_1661 = arith.muli %select_n3A_1659, %mul3A_1660 : i32
      %multiple_of3A_1662 = tpu.assume_multiple %mul3A_1661, 128 : i32
      %dma_start3A_1663 = arith.constant 0 : i32
      %dma_start3A_1664 = tpu.memref_slice %arg4[%dma_start3A_1663, %multiple_of3A_1662] : memref<64x1000000xf32, #tpu.memory_space<hbm>> -> memref<64x128xf32, #tpu.memory_space<hbm>>
      %dma_start3A_1665 = arith.constant 0 : i32
      %dma_start3A_1666 = tpu.memref_slice %arg4[%dma_start3A_1665, %multiple_of3A_1662] : memref<64x1000000xf32, #tpu.memory_space<hbm>> -> memref<64x128xf32, #tpu.memory_space<hbm>>
      tpu.enqueue_dma source(%dma_start3A_1666 : memref<64x128xf32, #tpu.memory_space<hbm>>) target(%arg8 : memref<64x128xf32, #tpu.memory_space<vmem>>) target_semaphore(%arg14 : memref<!tpu.dma_semaphore, #tpu.memory_space<semaphore_mem>>)
      %slice3A_1667 = vector.extract_strided_slice %get3A_423 {offsets = [13], sizes = [1], strides = [1]} : vector<16xi32> to vector<1xi32>
      %squeeze3A_1668 = vector.extract %slice3A_1667[0] : i32 from vector<1xi32>
      %and3A_1669 = arith.constant 127 : i32
      %and3A_1670 = arith.andi %squeeze3A_1668, %and3A_1669 : i32
      %slice3A_1671 = vector.extract_strided_slice %get3A_434 {offsets = [13], sizes = [1], strides = [1]} : vector<16xi32> to vector<1xi32>
      %squeeze3A_1672 = vector.extract %slice3A_1671[0] : i32 from vector<1xi32>
      %broadcast_in_dim3A_1673 = arith.constant 0.000000e+00 : f32
      %broadcast_in_dim3A_1674 = vector.broadcast %broadcast_in_dim3A_1673 : f32 to vector<16xf32>
      %add3A_1675 = arith.constant 0 : i32
      %add3A_1676 = vector.broadcast %add3A_1675 : i32 to vector<16xi32>
      %add3A_1677 = arith.addi %iota3A, %add3A_1676 : vector<16xi32>
      %broadcast_in_dim3A_1678 = vector.broadcast %and3A_1670 : i32 to vector<16xi32>
      %gather3A_1679 = tpu.vector_load_idx %arg9[%add3A_1677, %broadcast_in_dim3A_1678] : memref<64x128xf32, #tpu.memory_space<vmem>>[vector<16xi32>, vector<16xi32>], vector<16xf32>,
      %broadcast_in_dim3A_1680 = vector.broadcast %squeeze3A_1672 : i32 to vector<16xi32>
      %gather3A_1681 = tpu.vector_load_idx %arg7[%add3A_1677, %broadcast_in_dim3A_1680] : memref<64x1000xf32, #tpu.memory_space<vmem>>[vector<16xi32>, vector<16xi32>], vector<16xf32>,
      %mul3A_1682 = arith.mulf %gather3A_1679, %gather3A_1681 : vector<16xf32>
      %add3A_1683 = arith.addf %broadcast_in_dim3A_1674, %mul3A_1682 : vector<16xf32>
      %add3A_1684 = arith.constant 16 : i32
      %add3A_1685 = vector.broadcast %add3A_1684 : i32 to vector<16xi32>
      %add3A_1686 = arith.addi %iota3A, %add3A_1685 : vector<16xi32>
      %broadcast_in_dim3A_1687 = vector.broadcast %and3A_1670 : i32 to vector<16xi32>
      %gather3A_1688 = tpu.vector_load_idx %arg9[%add3A_1686, %broadcast_in_dim3A_1687] : memref<64x128xf32, #tpu.memory_space<vmem>>[vector<16xi32>, vector<16xi32>], vector<16xf32>,
      %broadcast_in_dim3A_1689 = vector.broadcast %squeeze3A_1672 : i32 to vector<16xi32>
      %gather3A_1690 = tpu.vector_load_idx %arg7[%add3A_1686, %broadcast_in_dim3A_1689] : memref<64x1000xf32, #tpu.memory_space<vmem>>[vector<16xi32>, vector<16xi32>], vector<16xf32>,
      %mul3A_1691 = arith.mulf %gather3A_1688, %gather3A_1690 : vector<16xf32>
      %add3A_1692 = arith.addf %add3A_1683, %mul3A_1691 : vector<16xf32>
      %add3A_1693 = arith.constant 32 : i32
      %add3A_1694 = vector.broadcast %add3A_1693 : i32 to vector<16xi32>
      %add3A_1695 = arith.addi %iota3A, %add3A_1694 : vector<16xi32>
      %broadcast_in_dim3A_1696 = vector.broadcast %and3A_1670 : i32 to vector<16xi32>
      %gather3A_1697 = tpu.vector_load_idx %arg9[%add3A_1695, %broadcast_in_dim3A_1696] : memref<64x128xf32, #tpu.memory_space<vmem>>[vector<16xi32>, vector<16xi32>], vector<16xf32>,
      %broadcast_in_dim3A_1698 = vector.broadcast %squeeze3A_1672 : i32 to vector<16xi32>
      %gather3A_1699 = tpu.vector_load_idx %arg7[%add3A_1695, %broadcast_in_dim3A_1698] : memref<64x1000xf32, #tpu.memory_space<vmem>>[vector<16xi32>, vector<16xi32>], vector<16xf32>,
      %mul3A_1700 = arith.mulf %gather3A_1697, %gather3A_1699 : vector<16xf32>
      %add3A_1701 = arith.addf %add3A_1692, %mul3A_1700 : vector<16xf32>
      %add3A_1702 = arith.constant 48 : i32
      %add3A_1703 = vector.broadcast %add3A_1702 : i32 to vector<16xi32>
      %add3A_1704 = arith.addi %iota3A, %add3A_1703 : vector<16xi32>
      %broadcast_in_dim3A_1705 = vector.broadcast %and3A_1670 : i32 to vector<16xi32>
      %gather3A_1706 = tpu.vector_load_idx %arg9[%add3A_1704, %broadcast_in_dim3A_1705] : memref<64x128xf32, #tpu.memory_space<vmem>>[vector<16xi32>, vector<16xi32>], vector<16xf32>,
      %broadcast_in_dim3A_1707 = vector.broadcast %squeeze3A_1672 : i32 to vector<16xi32>
      %gather3A_1708 = tpu.vector_load_idx %arg7[%add3A_1704, %broadcast_in_dim3A_1707] : memref<64x1000xf32, #tpu.memory_space<vmem>>[vector<16xi32>, vector<16xi32>], vector<16xf32>,
      %mul3A_1709 = arith.mulf %gather3A_1706, %gather3A_1708 : vector<16xf32>
      %add3A_1710 = arith.addf %add3A_1701, %mul3A_1709 : vector<16xf32>
      %eq3A_1711 = arith.constant 13 : i32
      %eq3A_1712 = vector.broadcast %eq3A_1711 : i32 to vector<16xi32>
      %eq3A_1713 = arith.cmpi eq, %iota3A, %eq3A_1712 : vector<16xi32>
      %reduce_sum3A_1714 = arith.constant true
      %reduce_sum3A_1715 = vector.broadcast %reduce_sum3A_1714 : i1 to vector<16xi1>
      %reduce_sum3A_1716 = tpu.scan <sum>, %add3A_1710 masked %reduce_sum3A_1715 : vector<16xf32>, vector<16xi1> -> vector<16xf32>
      %reduce_sum3A_1717 = vector.extract %reduce_sum3A_1716[15] : f32 from vector<16xf32>
      %broadcast_in_dim3A_1718 = vector.broadcast %reduce_sum3A_1717 : f32 to vector<16xf32>
      %select_n3A_1719 = arith.select %eq3A_1713, %broadcast_in_dim3A_1718, %select_n3A_1627 : vector<16xi1>, vector<16xf32>
      %dma_wait3A_1720 = arith.constant 0 : i32
      %dma_wait3A_1721 = arith.constant 0 : i32
      %dma_wait3A_1722 = tpu.memref_slice %arg4[%dma_wait3A_1720, %dma_wait3A_1721] : memref<64x1000000xf32, #tpu.memory_space<hbm>> -> memref<64x128xf32, #tpu.memory_space<hbm>>
      %dma_wait3A_1723 = arith.constant 0 : i32
      %dma_wait3A_1724 = arith.constant 0 : i32
      %dma_wait3A_1725 = tpu.memref_slice %arg4[%dma_wait3A_1723, %dma_wait3A_1724] : memref<64x1000000xf32, #tpu.memory_space<hbm>> -> memref<64x128xf32, #tpu.memory_space<hbm>>
      tpu.wait_dma2 semaphore(%arg14 : memref<!tpu.dma_semaphore, #tpu.memory_space<semaphore_mem>>) src(%dma_wait3A_1725 : memref<64x128xf32, #tpu.memory_space<hbm>>) dst(%arg8 : memref<64x128xf32, #tpu.memory_space<vmem>>)
      %slice3A_1726 = vector.extract_strided_slice %get3A_423 {offsets = [15], sizes = [1], strides = [1]} : vector<16xi32> to vector<1xi32>
      %squeeze3A_1727 = vector.extract %slice3A_1726[0] : i32 from vector<1xi32>
      %jit3A_1728 = arith.constant 128 : i32
      %div3A_1729 = arith.divsi %squeeze3A_1727, %jit3A_1728 : i32
      %sign3A_1730 = arith.constant 0 : i32
      %sign3A_1731 = arith.cmpi sgt, %squeeze3A_1727, %sign3A_1730 : i32
      %sign3A_1732 = arith.extui %sign3A_1731 : i1 to i32
      %sign3A_1733 = arith.constant 0 : i32
      %sign3A_1734 = arith.cmpi slt, %squeeze3A_1727, %sign3A_1733 : i32
      %sign3A_1735 = arith.extui %sign3A_1734 : i1 to i32
      %sign3A_1736 = arith.subi %sign3A_1732, %sign3A_1735 : i32
      %sign3A_1737 = arith.constant 0 : i32
      %sign3A_1738 = arith.cmpi sgt, %jit3A_1728, %sign3A_1737 : i32
      %sign3A_1739 = arith.extui %sign3A_1738 : i1 to i32
      %sign3A_1740 = arith.constant 0 : i32
      %sign3A_1741 = arith.cmpi slt, %jit3A_1728, %sign3A_1740 : i32
      %sign3A_1742 = arith.extui %sign3A_1741 : i1 to i32
      %sign3A_1743 = arith.subi %sign3A_1739, %sign3A_1742 : i32
      %ne3A_1744 = arith.cmpi ne, %sign3A_1736, %sign3A_1743 : i32
      %rem3A_1745 = arith.remsi %squeeze3A_1727, %jit3A_1728 : i32
      %ne3A_1746 = arith.constant 0 : i32
      %ne3A_1747 = arith.cmpi ne, %rem3A_1745, %ne3A_1746 : i32
      %and3A_1748 = arith.andi %ne3A_1744, %ne3A_1747 : i1
      %sub3A_1749 = arith.constant 1 : i32
      %sub3A_1750 = arith.subi %div3A_1729, %sub3A_1749 : i32
      %select_n3A_1751 = arith.select %and3A_1748, %sub3A_1750, %div3A_1729 : i32
      %mul3A_1752 = arith.constant 128 : i32
      %mul3A_1753 = arith.muli %select_n3A_1751, %mul3A_1752 : i32
      %multiple_of3A_1754 = tpu.assume_multiple %mul3A_1753, 128 : i32
      %dma_start3A_1755 = arith.constant 0 : i32
      %dma_start3A_1756 = tpu.memref_slice %arg4[%dma_start3A_1755, %multiple_of3A_1754] : memref<64x1000000xf32, #tpu.memory_space<hbm>> -> memref<64x128xf32, #tpu.memory_space<hbm>>
      %dma_start3A_1757 = arith.constant 0 : i32
      %dma_start3A_1758 = tpu.memref_slice %arg4[%dma_start3A_1757, %multiple_of3A_1754] : memref<64x1000000xf32, #tpu.memory_space<hbm>> -> memref<64x128xf32, #tpu.memory_space<hbm>>
      tpu.enqueue_dma source(%dma_start3A_1758 : memref<64x128xf32, #tpu.memory_space<hbm>>) target(%arg9 : memref<64x128xf32, #tpu.memory_space<vmem>>) target_semaphore(%arg15 : memref<!tpu.dma_semaphore, #tpu.memory_space<semaphore_mem>>)
      %slice3A_1759 = vector.extract_strided_slice %get3A_423 {offsets = [14], sizes = [1], strides = [1]} : vector<16xi32> to vector<1xi32>
      %squeeze3A_1760 = vector.extract %slice3A_1759[0] : i32 from vector<1xi32>
      %and3A_1761 = arith.constant 127 : i32
      %and3A_1762 = arith.andi %squeeze3A_1760, %and3A_1761 : i32
      %slice3A_1763 = vector.extract_strided_slice %get3A_434 {offsets = [14], sizes = [1], strides = [1]} : vector<16xi32> to vector<1xi32>
      %squeeze3A_1764 = vector.extract %slice3A_1763[0] : i32 from vector<1xi32>
      %broadcast_in_dim3A_1765 = arith.constant 0.000000e+00 : f32
      %broadcast_in_dim3A_1766 = vector.broadcast %broadcast_in_dim3A_1765 : f32 to vector<16xf32>
      %add3A_1767 = arith.constant 0 : i32
      %add3A_1768 = vector.broadcast %add3A_1767 : i32 to vector<16xi32>
      %add3A_1769 = arith.addi %iota3A, %add3A_1768 : vector<16xi32>
      %broadcast_in_dim3A_1770 = vector.broadcast %and3A_1762 : i32 to vector<16xi32>
      %gather3A_1771 = tpu.vector_load_idx %arg8[%add3A_1769, %broadcast_in_dim3A_1770] : memref<64x128xf32, #tpu.memory_space<vmem>>[vector<16xi32>, vector<16xi32>], vector<16xf32>,
      %broadcast_in_dim3A_1772 = vector.broadcast %squeeze3A_1764 : i32 to vector<16xi32>
      %gather3A_1773 = tpu.vector_load_idx %arg7[%add3A_1769, %broadcast_in_dim3A_1772] : memref<64x1000xf32, #tpu.memory_space<vmem>>[vector<16xi32>, vector<16xi32>], vector<16xf32>,
      %mul3A_1774 = arith.mulf %gather3A_1771, %gather3A_1773 : vector<16xf32>
      %add3A_1775 = arith.addf %broadcast_in_dim3A_1766, %mul3A_1774 : vector<16xf32>
      %add3A_1776 = arith.constant 16 : i32
      %add3A_1777 = vector.broadcast %add3A_1776 : i32 to vector<16xi32>
      %add3A_1778 = arith.addi %iota3A, %add3A_1777 : vector<16xi32>
      %broadcast_in_dim3A_1779 = vector.broadcast %and3A_1762 : i32 to vector<16xi32>
      %gather3A_1780 = tpu.vector_load_idx %arg8[%add3A_1778, %broadcast_in_dim3A_1779] : memref<64x128xf32, #tpu.memory_space<vmem>>[vector<16xi32>, vector<16xi32>], vector<16xf32>,
      %broadcast_in_dim3A_1781 = vector.broadcast %squeeze3A_1764 : i32 to vector<16xi32>
      %gather3A_1782 = tpu.vector_load_idx %arg7[%add3A_1778, %broadcast_in_dim3A_1781] : memref<64x1000xf32, #tpu.memory_space<vmem>>[vector<16xi32>, vector<16xi32>], vector<16xf32>,
      %mul3A_1783 = arith.mulf %gather3A_1780, %gather3A_1782 : vector<16xf32>
      %add3A_1784 = arith.addf %add3A_1775, %mul3A_1783 : vector<16xf32>
      %add3A_1785 = arith.constant 32 : i32
      %add3A_1786 = vector.broadcast %add3A_1785 : i32 to vector<16xi32>
      %add3A_1787 = arith.addi %iota3A, %add3A_1786 : vector<16xi32>
      %broadcast_in_dim3A_1788 = vector.broadcast %and3A_1762 : i32 to vector<16xi32>
      %gather3A_1789 = tpu.vector_load_idx %arg8[%add3A_1787, %broadcast_in_dim3A_1788] : memref<64x128xf32, #tpu.memory_space<vmem>>[vector<16xi32>, vector<16xi32>], vector<16xf32>,
      %broadcast_in_dim3A_1790 = vector.broadcast %squeeze3A_1764 : i32 to vector<16xi32>
      %gather3A_1791 = tpu.vector_load_idx %arg7[%add3A_1787, %broadcast_in_dim3A_1790] : memref<64x1000xf32, #tpu.memory_space<vmem>>[vector<16xi32>, vector<16xi32>], vector<16xf32>,
      %mul3A_1792 = arith.mulf %gather3A_1789, %gather3A_1791 : vector<16xf32>
      %add3A_1793 = arith.addf %add3A_1784, %mul3A_1792 : vector<16xf32>
      %add3A_1794 = arith.constant 48 : i32
      %add3A_1795 = vector.broadcast %add3A_1794 : i32 to vector<16xi32>
      %add3A_1796 = arith.addi %iota3A, %add3A_1795 : vector<16xi32>
      %broadcast_in_dim3A_1797 = vector.broadcast %and3A_1762 : i32 to vector<16xi32>
      %gather3A_1798 = tpu.vector_load_idx %arg8[%add3A_1796, %broadcast_in_dim3A_1797] : memref<64x128xf32, #tpu.memory_space<vmem>>[vector<16xi32>, vector<16xi32>], vector<16xf32>,
      %broadcast_in_dim3A_1799 = vector.broadcast %squeeze3A_1764 : i32 to vector<16xi32>
      %gather3A_1800 = tpu.vector_load_idx %arg7[%add3A_1796, %broadcast_in_dim3A_1799] : memref<64x1000xf32, #tpu.memory_space<vmem>>[vector<16xi32>, vector<16xi32>], vector<16xf32>,
      %mul3A_1801 = arith.mulf %gather3A_1798, %gather3A_1800 : vector<16xf32>
      %add3A_1802 = arith.addf %add3A_1793, %mul3A_1801 : vector<16xf32>
      %eq3A_1803 = arith.constant 14 : i32
      %eq3A_1804 = vector.broadcast %eq3A_1803 : i32 to vector<16xi32>
      %eq3A_1805 = arith.cmpi eq, %iota3A, %eq3A_1804 : vector<16xi32>
      %reduce_sum3A_1806 = arith.constant true
      %reduce_sum3A_1807 = vector.broadcast %reduce_sum3A_1806 : i1 to vector<16xi1>
      %reduce_sum3A_1808 = tpu.scan <sum>, %add3A_1802 masked %reduce_sum3A_1807 : vector<16xf32>, vector<16xi1> -> vector<16xf32>
      %reduce_sum3A_1809 = vector.extract %reduce_sum3A_1808[15] : f32 from vector<16xf32>
      %broadcast_in_dim3A_1810 = vector.broadcast %reduce_sum3A_1809 : f32 to vector<16xf32>
      %select_n3A_1811 = arith.select %eq3A_1805, %broadcast_in_dim3A_1810, %select_n3A_1719 : vector<16xi1>, vector<16xf32>
      %dma_wait3A_1812 = arith.constant 0 : i32
      %dma_wait3A_1813 = arith.constant 0 : i32
      %dma_wait3A_1814 = tpu.memref_slice %arg4[%dma_wait3A_1812, %dma_wait3A_1813] : memref<64x1000000xf32, #tpu.memory_space<hbm>> -> memref<64x128xf32, #tpu.memory_space<hbm>>
      %dma_wait3A_1815 = arith.constant 0 : i32
      %dma_wait3A_1816 = arith.constant 0 : i32
      %dma_wait3A_1817 = tpu.memref_slice %arg4[%dma_wait3A_1815, %dma_wait3A_1816] : memref<64x1000000xf32, #tpu.memory_space<hbm>> -> memref<64x128xf32, #tpu.memory_space<hbm>>
      tpu.wait_dma2 semaphore(%arg15 : memref<!tpu.dma_semaphore, #tpu.memory_space<semaphore_mem>>) src(%dma_wait3A_1817 : memref<64x128xf32, #tpu.memory_space<hbm>>) dst(%arg9 : memref<64x128xf32, #tpu.memory_space<vmem>>)
      %slice3A_1818 = vector.extract_strided_slice %get3A_430 {offsets = [0], sizes = [1], strides = [1]} : vector<16xi32> to vector<1xi32>
      %squeeze3A_1819 = vector.extract %slice3A_1818[0] : i32 from vector<1xi32>
      %jit3A_1820 = arith.constant 128 : i32
      %div3A_1821 = arith.divsi %squeeze3A_1819, %jit3A_1820 : i32
      %sign3A_1822 = arith.constant 0 : i32
      %sign3A_1823 = arith.cmpi sgt, %squeeze3A_1819, %sign3A_1822 : i32
      %sign3A_1824 = arith.extui %sign3A_1823 : i1 to i32
      %sign3A_1825 = arith.constant 0 : i32
      %sign3A_1826 = arith.cmpi slt, %squeeze3A_1819, %sign3A_1825 : i32
      %sign3A_1827 = arith.extui %sign3A_1826 : i1 to i32
      %sign3A_1828 = arith.subi %sign3A_1824, %sign3A_1827 : i32
      %sign3A_1829 = arith.constant 0 : i32
      %sign3A_1830 = arith.cmpi sgt, %jit3A_1820, %sign3A_1829 : i32
      %sign3A_1831 = arith.extui %sign3A_1830 : i1 to i32
      %sign3A_1832 = arith.constant 0 : i32
      %sign3A_1833 = arith.cmpi slt, %jit3A_1820, %sign3A_1832 : i32
      %sign3A_1834 = arith.extui %sign3A_1833 : i1 to i32
      %sign3A_1835 = arith.subi %sign3A_1831, %sign3A_1834 : i32
      %ne3A_1836 = arith.cmpi ne, %sign3A_1828, %sign3A_1835 : i32
      %rem3A_1837 = arith.remsi %squeeze3A_1819, %jit3A_1820 : i32
      %ne3A_1838 = arith.constant 0 : i32
      %ne3A_1839 = arith.cmpi ne, %rem3A_1837, %ne3A_1838 : i32
      %and3A_1840 = arith.andi %ne3A_1836, %ne3A_1839 : i1
      %sub3A_1841 = arith.constant 1 : i32
      %sub3A_1842 = arith.subi %div3A_1821, %sub3A_1841 : i32
      %select_n3A_1843 = arith.select %and3A_1840, %sub3A_1842, %div3A_1821 : i32
      %mul3A_1844 = arith.constant 128 : i32
      %mul3A_1845 = arith.muli %select_n3A_1843, %mul3A_1844 : i32
      %multiple_of3A_1846 = tpu.assume_multiple %mul3A_1845, 128 : i32
      %dma_start3A_1847 = arith.constant 0 : i32
      %dma_start3A_1848 = tpu.memref_slice %arg4[%dma_start3A_1847, %multiple_of3A_1846] : memref<64x1000000xf32, #tpu.memory_space<hbm>> -> memref<64x128xf32, #tpu.memory_space<hbm>>
      %dma_start3A_1849 = arith.constant 0 : i32
      %dma_start3A_1850 = tpu.memref_slice %arg4[%dma_start3A_1849, %multiple_of3A_1846] : memref<64x1000000xf32, #tpu.memory_space<hbm>> -> memref<64x128xf32, #tpu.memory_space<hbm>>
      tpu.enqueue_dma source(%dma_start3A_1850 : memref<64x128xf32, #tpu.memory_space<hbm>>) target(%arg8 : memref<64x128xf32, #tpu.memory_space<vmem>>) target_semaphore(%arg14 : memref<!tpu.dma_semaphore, #tpu.memory_space<semaphore_mem>>)
      %slice3A_1851 = vector.extract_strided_slice %get3A_423 {offsets = [15], sizes = [1], strides = [1]} : vector<16xi32> to vector<1xi32>
      %squeeze3A_1852 = vector.extract %slice3A_1851[0] : i32 from vector<1xi32>
      %and3A_1853 = arith.constant 127 : i32
      %and3A_1854 = arith.andi %squeeze3A_1852, %and3A_1853 : i32
      %slice3A_1855 = vector.extract_strided_slice %get3A_434 {offsets = [15], sizes = [1], strides = [1]} : vector<16xi32> to vector<1xi32>
      %squeeze3A_1856 = vector.extract %slice3A_1855[0] : i32 from vector<1xi32>
      %broadcast_in_dim3A_1857 = arith.constant 0.000000e+00 : f32
      %broadcast_in_dim3A_1858 = vector.broadcast %broadcast_in_dim3A_1857 : f32 to vector<16xf32>
      %add3A_1859 = arith.constant 0 : i32
      %add3A_1860 = vector.broadcast %add3A_1859 : i32 to vector<16xi32>
      %add3A_1861 = arith.addi %iota3A, %add3A_1860 : vector<16xi32>
      %broadcast_in_dim3A_1862 = vector.broadcast %and3A_1854 : i32 to vector<16xi32>
      %gather3A_1863 = tpu.vector_load_idx %arg9[%add3A_1861, %broadcast_in_dim3A_1862] : memref<64x128xf32, #tpu.memory_space<vmem>>[vector<16xi32>, vector<16xi32>], vector<16xf32>,
      %broadcast_in_dim3A_1864 = vector.broadcast %squeeze3A_1856 : i32 to vector<16xi32>
      %gather3A_1865 = tpu.vector_load_idx %arg7[%add3A_1861, %broadcast_in_dim3A_1864] : memref<64x1000xf32, #tpu.memory_space<vmem>>[vector<16xi32>, vector<16xi32>], vector<16xf32>,
      %mul3A_1866 = arith.mulf %gather3A_1863, %gather3A_1865 : vector<16xf32>
      %add3A_1867 = arith.addf %broadcast_in_dim3A_1858, %mul3A_1866 : vector<16xf32>
      %add3A_1868 = arith.constant 16 : i32
      %add3A_1869 = vector.broadcast %add3A_1868 : i32 to vector<16xi32>
      %add3A_1870 = arith.addi %iota3A, %add3A_1869 : vector<16xi32>
      %broadcast_in_dim3A_1871 = vector.broadcast %and3A_1854 : i32 to vector<16xi32>
      %gather3A_1872 = tpu.vector_load_idx %arg9[%add3A_1870, %broadcast_in_dim3A_1871] : memref<64x128xf32, #tpu.memory_space<vmem>>[vector<16xi32>, vector<16xi32>], vector<16xf32>,
      %broadcast_in_dim3A_1873 = vector.broadcast %squeeze3A_1856 : i32 to vector<16xi32>
      %gather3A_1874 = tpu.vector_load_idx %arg7[%add3A_1870, %broadcast_in_dim3A_1873] : memref<64x1000xf32, #tpu.memory_space<vmem>>[vector<16xi32>, vector<16xi32>], vector<16xf32>,
      %mul3A_1875 = arith.mulf %gather3A_1872, %gather3A_1874 : vector<16xf32>
      %add3A_1876 = arith.addf %add3A_1867, %mul3A_1875 : vector<16xf32>
      %add3A_1877 = arith.constant 32 : i32
      %add3A_1878 = vector.broadcast %add3A_1877 : i32 to vector<16xi32>
      %add3A_1879 = arith.addi %iota3A, %add3A_1878 : vector<16xi32>
      %broadcast_in_dim3A_1880 = vector.broadcast %and3A_1854 : i32 to vector<16xi32>
      %gather3A_1881 = tpu.vector_load_idx %arg9[%add3A_1879, %broadcast_in_dim3A_1880] : memref<64x128xf32, #tpu.memory_space<vmem>>[vector<16xi32>, vector<16xi32>], vector<16xf32>,
      %broadcast_in_dim3A_1882 = vector.broadcast %squeeze3A_1856 : i32 to vector<16xi32>
      %gather3A_1883 = tpu.vector_load_idx %arg7[%add3A_1879, %broadcast_in_dim3A_1882] : memref<64x1000xf32, #tpu.memory_space<vmem>>[vector<16xi32>, vector<16xi32>], vector<16xf32>,
      %mul3A_1884 = arith.mulf %gather3A_1881, %gather3A_1883 : vector<16xf32>
      %add3A_1885 = arith.addf %add3A_1876, %mul3A_1884 : vector<16xf32>
      %add3A_1886 = arith.constant 48 : i32
      %add3A_1887 = vector.broadcast %add3A_1886 : i32 to vector<16xi32>
      %add3A_1888 = arith.addi %iota3A, %add3A_1887 : vector<16xi32>
      %broadcast_in_dim3A_1889 = vector.broadcast %and3A_1854 : i32 to vector<16xi32>
      %gather3A_1890 = tpu.vector_load_idx %arg9[%add3A_1888, %broadcast_in_dim3A_1889] : memref<64x128xf32, #tpu.memory_space<vmem>>[vector<16xi32>, vector<16xi32>], vector<16xf32>,
      %broadcast_in_dim3A_1891 = vector.broadcast %squeeze3A_1856 : i32 to vector<16xi32>
      %gather3A_1892 = tpu.vector_load_idx %arg7[%add3A_1888, %broadcast_in_dim3A_1891] : memref<64x1000xf32, #tpu.memory_space<vmem>>[vector<16xi32>, vector<16xi32>], vector<16xf32>,
      %mul3A_1893 = arith.mulf %gather3A_1890, %gather3A_1892 : vector<16xf32>
      %add3A_1894 = arith.addf %add3A_1885, %mul3A_1893 : vector<16xf32>
      %eq3A_1895 = arith.constant 15 : i32
      %eq3A_1896 = vector.broadcast %eq3A_1895 : i32 to vector<16xi32>
      %eq3A_1897 = arith.cmpi eq, %iota3A, %eq3A_1896 : vector<16xi32>
      %reduce_sum3A_1898 = arith.constant true
      %reduce_sum3A_1899 = vector.broadcast %reduce_sum3A_1898 : i1 to vector<16xi1>
      %reduce_sum3A_1900 = tpu.scan <sum>, %add3A_1894 masked %reduce_sum3A_1899 : vector<16xf32>, vector<16xi1> -> vector<16xf32>
      %reduce_sum3A_1901 = vector.extract %reduce_sum3A_1900[15] : f32 from vector<16xf32>
      %broadcast_in_dim3A_1902 = vector.broadcast %reduce_sum3A_1901 : f32 to vector<16xf32>
      %select_n3A_1903 = arith.select %eq3A_1897, %broadcast_in_dim3A_1902, %select_n3A_1811 : vector<16xi1>, vector<16xf32>
      %mul3A_1904 = arith.constant 16 : i32
      %mul3A_1905 = arith.muli %scan3A_418, %mul3A_1904 : i32
      %swap3A_1906 = arith.index_cast %mul3A_1905 : i32 to index
      %swap3A_1907 = tpu.vector_load %arg10[%swap3A_1906] {strides = array<i32>} : memref<512xf32, #tpu.memory_space<vmem>>, vector<16xf32>,
      tpu.vector_store %arg10[%swap3A_1906], %select_n3A_1903 {strides = array<i32>} : memref<512xf32, #tpu.memory_space<vmem>>, vector<16xf32>,
    }
    %scan3A_348 = arith.constant 32 : i32
    %dma_wait3A = arith.constant 0 : i32
    %dma_wait3A_349 = arith.constant 0 : i32
    %dma_wait3A_350 = tpu.memref_slice %arg4[%dma_wait3A, %dma_wait3A_349] : memref<64x1000000xf32, #tpu.memory_space<hbm>> -> memref<64x128xf32, #tpu.memory_space<hbm>>
    %dma_wait3A_351 = arith.constant 0 : i32
    %dma_wait3A_352 = arith.constant 0 : i32
    %dma_wait3A_353 = tpu.memref_slice %arg4[%dma_wait3A_351, %dma_wait3A_352] : memref<64x1000000xf32, #tpu.memory_space<hbm>> -> memref<64x128xf32, #tpu.memory_space<hbm>>
    tpu.wait_dma2 semaphore(%arg14 : memref<!tpu.dma_semaphore, #tpu.memory_space<semaphore_mem>>) src(%dma_wait3A_353 : memref<64x128xf32, #tpu.memory_space<hbm>>) dst(%arg8 : memref<64x128xf32, #tpu.memory_space<vmem>>)
    %dma_start3A_354 = arith.constant 0 : i32
    %dma_start3A_355 = arith.constant 0 : i32
    %dma_start3A_356 = tpu.memref_slice %arg10[%dma_start3A_355] : memref<512xf32, #tpu.memory_space<vmem>> -> memref<128xf32, #tpu.memory_space<vmem>>
    %dma_start3A_357 = arith.constant 0 : i32
    %dma_start3A_358 = tpu.memref_slice %arg11[%dma_start3A_354, %dma_start3A_357] : memref<4x128xi32, #tpu.memory_space<vmem>> -> memref<1x128xi32, #tpu.memory_space<vmem>>
    %dma_start3A_359 = tpu.memref_squeeze %dma_start3A_358 : memref<1x128xi32, #tpu.memory_space<vmem>> -> memref<128xi32, #tpu.memory_space<vmem>>
    %dma_start3A_360 = arith.constant 0 : i32
    %dma_start3A_361 = tpu.memref_slice %arg6[%dma_start3A_360] : memref<16384xf32, #tpu.memory_space<hbm>> -> memref<16384xf32, #tpu.memory_space<hbm>>
    tpu.enqueue_indirect_dma source(%dma_start3A_356 : memref<128xf32, #tpu.memory_space<vmem>>) target(%dma_start3A_361 : memref<16384xf32, #tpu.memory_space<hbm>>) offsets(%dma_start3A_359 : memref<128xi32, #tpu.memory_space<vmem>>) semaphore(%arg16 : memref<!tpu.dma_semaphore, #tpu.memory_space<semaphore_mem>>)
    %dma_start3A_362 = arith.constant 1 : i32
    %dma_start3A_363 = arith.constant 128 : i32
    %dma_start3A_364 = tpu.memref_slice %arg10[%dma_start3A_363] : memref<512xf32, #tpu.memory_space<vmem>> -> memref<128xf32, #tpu.memory_space<vmem>>
    %dma_start3A_365 = arith.constant 0 : i32
    %dma_start3A_366 = tpu.memref_slice %arg11[%dma_start3A_362, %dma_start3A_365] : memref<4x128xi32, #tpu.memory_space<vmem>> -> memref<1x128xi32, #tpu.memory_space<vmem>>
    %dma_start3A_367 = tpu.memref_squeeze %dma_start3A_366 : memref<1x128xi32, #tpu.memory_space<vmem>> -> memref<128xi32, #tpu.memory_space<vmem>>
    %dma_start3A_368 = arith.constant 0 : i32
    %dma_start3A_369 = tpu.memref_slice %arg6[%dma_start3A_368] : memref<16384xf32, #tpu.memory_space<hbm>> -> memref<16384xf32, #tpu.memory_space<hbm>>
    tpu.enqueue_indirect_dma source(%dma_start3A_364 : memref<128xf32, #tpu.memory_space<vmem>>) target(%dma_start3A_369 : memref<16384xf32, #tpu.memory_space<hbm>>) offsets(%dma_start3A_367 : memref<128xi32, #tpu.memory_space<vmem>>) semaphore(%arg16 : memref<!tpu.dma_semaphore, #tpu.memory_space<semaphore_mem>>)
    %dma_start3A_370 = arith.constant 2 : i32
    %dma_start3A_371 = arith.constant 256 : i32
    %dma_start3A_372 = tpu.memref_slice %arg10[%dma_start3A_371] : memref<512xf32, #tpu.memory_space<vmem>> -> memref<128xf32, #tpu.memory_space<vmem>>
    %dma_start3A_373 = arith.constant 0 : i32
    %dma_start3A_374 = tpu.memref_slice %arg11[%dma_start3A_370, %dma_start3A_373] : memref<4x128xi32, #tpu.memory_space<vmem>> -> memref<1x128xi32, #tpu.memory_space<vmem>>
    %dma_start3A_375 = tpu.memref_squeeze %dma_start3A_374 : memref<1x128xi32, #tpu.memory_space<vmem>> -> memref<128xi32, #tpu.memory_space<vmem>>
    %dma_start3A_376 = arith.constant 0 : i32
    %dma_start3A_377 = tpu.memref_slice %arg6[%dma_start3A_376] : memref<16384xf32, #tpu.memory_space<hbm>> -> memref<16384xf32, #tpu.memory_space<hbm>>
    tpu.enqueue_indirect_dma source(%dma_start3A_372 : memref<128xf32, #tpu.memory_space<vmem>>) target(%dma_start3A_377 : memref<16384xf32, #tpu.memory_space<hbm>>) offsets(%dma_start3A_375 : memref<128xi32, #tpu.memory_space<vmem>>) semaphore(%arg16 : memref<!tpu.dma_semaphore, #tpu.memory_space<semaphore_mem>>)
    %dma_start3A_378 = arith.constant 3 : i32
    %dma_start3A_379 = arith.constant 384 : i32
    %dma_start3A_380 = tpu.memref_slice %arg10[%dma_start3A_379] : memref<512xf32, #tpu.memory_space<vmem>> -> memref<128xf32, #tpu.memory_space<vmem>>
    %dma_start3A_381 = arith.constant 0 : i32
    %dma_start3A_382 = tpu.memref_slice %arg11[%dma_start3A_378, %dma_start3A_381] : memref<4x128xi32, #tpu.memory_space<vmem>> -> memref<1x128xi32, #tpu.memory_space<vmem>>
    %dma_start3A_383 = tpu.memref_squeeze %dma_start3A_382 : memref<1x128xi32, #tpu.memory_space<vmem>> -> memref<128xi32, #tpu.memory_space<vmem>>
    %dma_start3A_384 = arith.constant 0 : i32
    %dma_start3A_385 = tpu.memref_slice %arg6[%dma_start3A_384] : memref<16384xf32, #tpu.memory_space<hbm>> -> memref<16384xf32, #tpu.memory_space<hbm>>
    tpu.enqueue_indirect_dma source(%dma_start3A_380 : memref<128xf32, #tpu.memory_space<vmem>>) target(%dma_start3A_385 : memref<16384xf32, #tpu.memory_space<hbm>>) offsets(%dma_start3A_383 : memref<128xi32, #tpu.memory_space<vmem>>) semaphore(%arg16 : memref<!tpu.dma_semaphore, #tpu.memory_space<semaphore_mem>>)
    %dma_wait3A_386 = arith.constant 0 : i32
    %dma_wait3A_387 = arith.constant 0 : i32
    %dma_wait3A_388 = tpu.memref_slice %arg10[%dma_wait3A_387] : memref<512xf32, #tpu.memory_space<vmem>> -> memref<128xf32, #tpu.memory_space<vmem>>
    %dma_wait3A_389 = arith.constant 0 : i32
    %dma_wait3A_390 = tpu.memref_slice %arg11[%dma_wait3A_386, %dma_wait3A_389] : memref<4x128xi32, #tpu.memory_space<vmem>> -> memref<1x128xi32, #tpu.memory_space<vmem>>
    %dma_wait3A_391 = tpu.memref_squeeze %dma_wait3A_390 : memref<1x128xi32, #tpu.memory_space<vmem>> -> memref<128xi32, #tpu.memory_space<vmem>>
    %dma_wait3A_392 = arith.constant 0 : i32
    %dma_wait3A_393 = tpu.memref_slice %arg6[%dma_wait3A_392] : memref<16384xf32, #tpu.memory_space<hbm>> -> memref<16384xf32, #tpu.memory_space<hbm>>
    tpu.wait_indirect_dma semaphore(%arg16 : memref<!tpu.dma_semaphore, #tpu.memory_space<semaphore_mem>>) src(%dma_wait3A_388 : memref<128xf32, #tpu.memory_space<vmem>>) dst(%dma_wait3A_393 : memref<16384xf32, #tpu.memory_space<hbm>>)
    %dma_wait3A_394 = arith.constant 1 : i32
    %dma_wait3A_395 = arith.constant 128 : i32
    %dma_wait3A_396 = tpu.memref_slice %arg10[%dma_wait3A_395] : memref<512xf32, #tpu.memory_space<vmem>> -> memref<128xf32, #tpu.memory_space<vmem>>
    %dma_wait3A_397 = arith.constant 0 : i32
    %dma_wait3A_398 = tpu.memref_slice %arg11[%dma_wait3A_394, %dma_wait3A_397] : memref<4x128xi32, #tpu.memory_space<vmem>> -> memref<1x128xi32, #tpu.memory_space<vmem>>
    %dma_wait3A_399 = tpu.memref_squeeze %dma_wait3A_398 : memref<1x128xi32, #tpu.memory_space<vmem>> -> memref<128xi32, #tpu.memory_space<vmem>>
    %dma_wait3A_400 = arith.constant 0 : i32
    %dma_wait3A_401 = tpu.memref_slice %arg6[%dma_wait3A_400] : memref<16384xf32, #tpu.memory_space<hbm>> -> memref<16384xf32, #tpu.memory_space<hbm>>
    tpu.wait_indirect_dma semaphore(%arg16 : memref<!tpu.dma_semaphore, #tpu.memory_space<semaphore_mem>>) src(%dma_wait3A_396 : memref<128xf32, #tpu.memory_space<vmem>>) dst(%dma_wait3A_401 : memref<16384xf32, #tpu.memory_space<hbm>>)
    %dma_wait3A_402 = arith.constant 2 : i32
    %dma_wait3A_403 = arith.constant 256 : i32
    %dma_wait3A_404 = tpu.memref_slice %arg10[%dma_wait3A_403] : memref<512xf32, #tpu.memory_space<vmem>> -> memref<128xf32, #tpu.memory_space<vmem>>
    %dma_wait3A_405 = arith.constant 0 : i32
    %dma_wait3A_406 = tpu.memref_slice %arg11[%dma_wait3A_402, %dma_wait3A_405] : memref<4x128xi32, #tpu.memory_space<vmem>> -> memref<1x128xi32, #tpu.memory_space<vmem>>
    %dma_wait3A_407 = tpu.memref_squeeze %dma_wait3A_406 : memref<1x128xi32, #tpu.memory_space<vmem>> -> memref<128xi32, #tpu.memory_space<vmem>>
    %dma_wait3A_408 = arith.constant 0 : i32
    %dma_wait3A_409 = tpu.memref_slice %arg6[%dma_wait3A_408] : memref<16384xf32, #tpu.memory_space<hbm>> -> memref<16384xf32, #tpu.memory_space<hbm>>
    tpu.wait_indirect_dma semaphore(%arg16 : memref<!tpu.dma_semaphore, #tpu.memory_space<semaphore_mem>>) src(%dma_wait3A_404 : memref<128xf32, #tpu.memory_space<vmem>>) dst(%dma_wait3A_409 : memref<16384xf32, #tpu.memory_space<hbm>>)
    %dma_wait3A_410 = arith.constant 3 : i32
    %dma_wait3A_411 = arith.constant 384 : i32
    %dma_wait3A_412 = tpu.memref_slice %arg10[%dma_wait3A_411] : memref<512xf32, #tpu.memory_space<vmem>> -> memref<128xf32, #tpu.memory_space<vmem>>
    %dma_wait3A_413 = arith.constant 0 : i32
    %dma_wait3A_414 = tpu.memref_slice %arg11[%dma_wait3A_410, %dma_wait3A_413] : memref<4x128xi32, #tpu.memory_space<vmem>> -> memref<1x128xi32, #tpu.memory_space<vmem>>
    %dma_wait3A_415 = tpu.memref_squeeze %dma_wait3A_414 : memref<1x128xi32, #tpu.memory_space<vmem>> -> memref<128xi32, #tpu.memory_space<vmem>>
    %dma_wait3A_416 = arith.constant 0 : i32
    %dma_wait3A_417 = tpu.memref_slice %arg6[%dma_wait3A_416] : memref<16384xf32, #tpu.memory_space<hbm>> -> memref<16384xf32, #tpu.memory_space<hbm>>
    tpu.wait_indirect_dma semaphore(%arg16 : memref<!tpu.dma_semaphore, #tpu.memory_space<semaphore_mem>>) src(%dma_wait3A_412 : memref<128xf32, #tpu.memory_space<vmem>>) dst(%dma_wait3A_417 : memref<16384xf32, #tpu.memory_space<hbm>>)
    return
  }
}

</mosaic_0001>

<sc_bundles>
// kernel: kernel.3.cloned.1.call-start
scs
__scs_entry_jumppad:
0x0: {  	(pc) =	sbr.rel $0x88, $3  }
0x1: {  	(tag) =	ssettag $0x0;
	lr =	simm.s32 $0x1  }
0x2: {  	[smem:$0x3F9D] =	sst lr;
	_ =	strace $0xD0000000  }
0x3: {  	_ = 	snop  }
0x4: {  	_ = 	snop  }
0x5: {  	_ = 	snop  }
0x6: {  	_ = 	snop  }
0x7: {  	_ = 	snop  }
__scs_overlays_trampoline_lowered:
0x8: {  	[smem:$0x3FAC] =	sst s0  }
0x9: {  	[smem:$0x3FAD] =	sst s1  }
0xa: {  	[smem:$0x3FAE] =	sst s2  }
0xb: {  	[smem:$0x3FAF] =	sst s3  }
0xc: {  	[smem:$0x3FB0] =	sst s4  }
0xd: {  	[smem:$0x3FB1] =	sst s5  }
0xe: {  	[smem:$0x3FB2] =	sst s6  }
0xf: {  	[smem:$0x3FB3] =	sst s7  }
0x10: {  	[smem:$0x3FB4] =	sst s8  }
0x11: {  	[smem:$0x3FB5] =	sst s9;
	s0 =	simm.s32 @!p0 $0x0  }
0x12: {  	s1 =	sld [smem:$0x3F9B];
	s0 =	simm.s32 @p0 $0x1  }
0x13: {  	[smem:$0x3FB6] =	sst s0;
	s0 =	simm.s32 @!p1 $0x0  }
0x14: {  	s2 =	sld [smem:$0x3F9A];
	s0 =	simm.s32 @p1 $0x1  }
0x15: {  	[smem:$0x3FB7] =	sst s0;
	s0 =	simm.s32 @!p2 $0x0  }
0x16: {  	s3 =	sld [smem:$0x3FDB];
	s0 =	simm.s32 @p2 $0x1  }
0x17: {  	s4 =	simm.s32 $0x1BF5;
	[smem:$0x3FB9] =	sst s0  }
0x18: {  	s0 =	sld [smem:$0x3F9C];
	_ =	swait.ge [sflag:s4], $0x0  }
0x19: {  	s7 =	sld [smem:$0x3F9D]  }
0x1a: {  	s8 =	sadd.s32 $0xFFFFE003, lr  }
0x1b: {  	s9 =	sadd.s32 $0xFFFFFEF7, lr;
	s5 =	simm.s32 $0xFFFFFFFF;
	p2 =	slt.u32 s8, $0xFFFFF086  }
0x1c: {  	p1 =	slt.u32 s9, $0xF7A;
	s5 =	simm.s32 @!p2 $0x0  }
0x1d: {  	s5 =	simm.s32 @p1 $0x1;
	p0 =	seq.s32 s7, s2  }
0x1e: {  	s7 =	smul.u32 @!p0 $0xF7A, s2;
	p2 =	seq.s32 @!p0 s5, $0x0  }
0x1f: {  	s9 =	smul.u32 $0xF7A, s1;
	s8 =	simm.s32 @!p0 $0x1BF5;
	p2 =	por !p2, p0  }
0x20: {  	[sflag:s8] =	ssyncset.s32 @!p0 $0xFFFFF086;
	s6 =	sadd.s32 @!p0 s3, s7;
	s7 =	simm.s32 @!p0 $0x108  }
0x21: {  	s3 =	sadd.s32 s3, s9;
	s6 =	sadd.s32 @!p0 $0x88, s6;
	s7 =	simm.s32 @p2 $0x1082  }
0x22: {  	[simem:s7], [sflag:s8] =	dma.local @!p0 [hbm:s6], $0xF7A  }
0x23: {  	s9 =	sor.u32 $0xD0000000, s2;
	s6 =	simm.s32 $0x108;
	_ =	swait.ge @!p0 [sflag:s8], $0x0  }
0x24: {  	s3 =	sadd.s32 $0x88, s3;
	s6 =	simm.s32 @!p1 $0x1082;
	[sflag:s4] =	ssyncset.s32 $0xFFFFF086  }
0x25: {  	[simem:s6], [sflag:s4] =	dma.local [hbm:s3], $0xF7A  }
0x26: {  	[smem:$0x3F9D] =	sst s1;
	(tag) =	ssettag s2;
	_ =	strace s9  }
0x27: {  	s1 =	sld [smem:$0x3FAD]  }
0x28: {  	s2 =	sld [smem:$0x3FAE]  }
0x29: {  	s4 =	sld [smem:$0x3FB0]  }
0x2a: {  	p0 =	seq.s32 s5, $0x0;
	s5 =	sld [smem:$0x3FB1]  }
0x2b: {  	s6 =	sld [smem:$0x3FB2]  }
0x2c: {  	s7 =	sld [smem:$0x3FB3]  }
0x2d: {  	s3 =	simm.s32 $0x108;
	s8 =	sld [smem:$0x3FB4]  }
0x2e: {  	s3 =	simm.s32 @!p0 $0x1082;
	s9 =	sld [smem:$0x3FB5]  }
0x2f: {  	lr =	sadd.s32 s0, s3;
	s0 =	sld [smem:$0x3FAC]  }
0x30: {  	s3 =	sld [smem:$0x3FAF]  }
0x31: {  	[smem:$0x3FB8] =	sst s10  }
0x32: {  	s10 =	sld [smem:$0x3FB6];
	_ =	sdelay $0x3  }
0x33: {  	p0 =	seq.s32 s10, $0x1;
	s10 =	sld [smem:$0x3FB8];
	_ =	sdelay $0x3  }
0x34: {  	[smem:$0x3FB8] =	sst s10  }
0x35: {  	s10 =	sld [smem:$0x3FB7];
	_ =	sdelay $0x3  }
0x36: {  	p1 =	seq.s32 s10, $0x1;
	s10 =	sld [smem:$0x3FB8];
	_ =	sdelay $0x3  }
0x37: {  	[smem:$0x3FB8] =	sst s10  }
0x38: {  	s10 =	sld [smem:$0x3FB9]  }
0x39: {  	_ = 	snop;
	(pc) =	sbr.ind lr, $3  }
0x3a: {  	_ = 	snop  }
0x3b: {  	_ = 	snop  }
0x3c: {  	p2 =	seq.s32 s10, $0x1;
	s10 =	sld [smem:$0x3FB8]  }
0x3d: {  	_ =	shalt  }
0x3e: {  	_ =	shalt  }
0x3f: {  	_ =	shalt  }
0x40: {  	_ =	shalt  }
0x41: {  	_ =	shalt  }
0x42: {  	_ =	shalt  }
0x43: {  	_ =	shalt  }
0x44: {  	_ =	shalt  }
0x45: {  	_ =	shalt  }
0x46: {  	_ =	shalt  }
0x47: {  	_ =	shalt  }
0x48: {  	_ =	shalt  }
0x49: {  	_ =	shalt  }
0x4a: {  	_ =	shalt  }
0x4b: {  	_ =	shalt  }
0x4c: {  	_ =	shalt  }
0x4d: {  	_ =	shalt  }
0x4e: {  	_ =	shalt  }
0x4f: {  	_ =	shalt  }
0x50: {  	_ =	shalt  }
0x51: {  	_ =	shalt  }
0x52: {  	_ =	shalt  }
0x53: {  	_ =	shalt  }
0x54: {  	_ =	shalt  }
0x55: {  	_ =	shalt  }
0x56: {  	_ =	shalt  }
0x57: {  	_ =	shalt  }
0x58: {  	_ =	shalt  }
0x59: {  	_ =	shalt  }
0x5a: {  	_ =	shalt  }
0x5b: {  	_ =	shalt  }
0x5c: {  	_ =	shalt  }
0x5d: {  	_ =	shalt  }
0x5e: {  	_ =	shalt  }
0x5f: {  	_ =	shalt  }
0x60: {  	_ =	shalt  }
0x61: {  	_ =	shalt  }
0x62: {  	_ =	shalt  }
0x63: {  	_ =	shalt  }
0x64: {  	_ =	shalt  }
0x65: {  	_ =	shalt  }
0x66: {  	_ =	shalt  }
0x67: {  	_ =	shalt  }
0x68: {  	_ =	shalt  }
0x69: {  	_ =	shalt  }
0x6a: {  	_ =	shalt  }
0x6b: {  	_ =	shalt  }
0x6c: {  	_ =	shalt  }
0x6d: {  	_ =	shalt  }
0x6e: {  	_ =	shalt  }
0x6f: {  	_ =	shalt  }
0x70: {  	_ =	shalt  }
0x71: {  	_ =	shalt  }
0x72: {  	_ =	shalt  }
0x73: {  	_ =	shalt  }
0x74: {  	_ =	shalt  }
0x75: {  	_ =	shalt  }
0x76: {  	_ =	shalt  }
0x77: {  	_ =	shalt  }
0x78: {  	_ =	shalt  }
0x79: {  	_ =	shalt  }
0x7a: {  	_ =	shalt  }
0x7b: {  	_ =	shalt  }
0x7c: {  	_ =	shalt  }
0x7d: {  	_ =	shalt  }
0x7e: {  	_ =	shalt  }
0x7f: {  	_ =	shalt  }
0x80: {  	_ =	shalt  }
0x81: {  	_ =	shalt  }
0x82: {  	_ =	shalt  }
0x83: {  	_ =	shalt  }
0x84: {  	_ =	shalt  }
0x85: {  	_ =	shalt  }
0x86: {  	_ =	shalt  }
0x87: {  	_ =	shalt  }
.Lfunc_end0:
.L_simem_size_0:
called_computation_lowered:
.L_overlay_start_0:
0x88: {  	s2 =	sld [smem:$0x3FD9]  }
0x89: {  	s3 =	sld [smem:$0x3FFE];
	_ =	sdelay $0x1  }
0x8a: {  	s1 =	srdreg.scid  }
0x8b: {  	s0 =	sand.u32 $0x1, s1  }
0x8c: {  	s18 =	sshll.u32 s0, $0xA;
	s2 =	sadd.s32 s3, s2  }
0x8d: {  	s2 =	sadd.s32 s2, s18  }
0x8e: {  	[smem:$0x3FC4] =	sst s2  }
0x8f: {  	_ = 	snop  }
0x90: {  	s2 =	sld [smem:$0x3FC9]  }
0x91: {  	s19 =	sld [smem:$0x3FC8]  }
0x92: {  	s4 =	sld [smem:$0x3FC7]  }
0x93: {  	s5 =	sld [smem:$0x3FC6]  }
0x94: {  	s6 =	sld [smem:$0x3FD0];
	(tm) =	ssettm $0x1  }
0x95: {  	s7 =	sld [smem:$0x3FFB];
	_ =	sdelay $0x3  }
0x96: {  	_ =	strace s7  }
0x97: {  	s7 =	sld [smem:$0x3FFC];
	_ =	sdelay $0x3  }
0x98: {  	_ =	strace s7  }
0x99: {  	s7 =	sld [smem:$0x3FFD];
	_ =	sdelay $0x3  }
0x9a: {  	_ =	strace s7  }
0x9b: {  	_ =	strace $0x8FFFFFFF  }
0x9c: {  	s20 =	sld [smem:$0x3FDB];
	_ =	sdelay $0x1  }
0x9d: {  	s8 =	simm.s32 $_scs_section_size  }
0x9e: {  	s9 =	simm.s32 $_size__tile_overlayer_lowered;
	s10 =	simm.s32 $_tile_overlayer_lowered  }
0x9f: {  	s23 =	simm.s32 $0x1BFF;
	s22 =	sshll.u32 s10, $0x1;
	s7 =	sadd.s32 s8, s20  }
0xa0: {  	s11 =	simm.s32 $0x0;
	s21 =	sshll.u32 s9, $0x1;
	s9 =	sadd.s32 s22, s7  }
0xa1: {  	[timem:s11], [sflag:s23] =	dma.local [hbm:s9], s21  }
0xa2: {  	_ =	swait.ge [sflag:s23], s21  }
0xa3: {  	s8 =	ssub.s32 $0x0, s21;
	[sflag:s23] =	ssyncset.done $0x0  }
0xa4: {  	[sflag:s23] =	ssyncadd.s32 s8;
	_ =	sdelay $0x1  }
0xa5: {  	s24 =	simm.s32 $0x1B8B  }
0xa6: {  	_ =	swait.ge [sflag:s24], $0x1  }
0xa7: {  	[sflag:s24] =	ssyncset.done $0x0  }
0xa8: {  	s25 =	simm.s32 $0x1B8E;
	[sflag:s24] =	ssyncadd.s32 $0xFFFFFFFF  }
0xa9: {  	s26 =	simm.s32 $execute0_lowered;
	[smem:$0x3FD2] =	sst s25  }
0xaa: {  	s8 =	sshll.u32 s26, $0x1;
	_ =	strace $0x80000046;
	[dreg:$0x1] =	wrdreg $0xFFFFFFFF  }
0xab: {  	s28 =	simm.s32 $_size_execute0_lowered;
	s7 =	sadd.s32 s7, s8;
	[dreg:$0x0] =	wrdreg $0x0  }
0xac: {  	s8 =	sshll.u32 s28, $0x1;
	[dreg:$0x2] =	wrdreg s7  }
0xad: {  	[dreg:$0x3] =	wrdreg s8  }
0xae: {  	[dreg:$0x4] =	wrdreg $0xC0  }
0xaf: {  	_ =	task [dreg:s11], $0x5FFFF  }
0xb0: {  	[dreg:$0x1] =	wrdreg $0xFFFFFFFF  }
0xb1: {  	[dreg:$0x0] =	wrdreg $0x60  }
0xb2: {  	[dreg:$0x2] =	wrdreg s2  }
0xb3: {  	[dreg:$0x3] =	wrdreg s19  }
0xb4: {  	[dreg:$0x4] =	wrdreg s4  }
0xb5: {  	[dreg:$0x5] =	wrdreg s5  }
0xb6: {  	[dreg:$0x6] =	wrdreg s6  }
0xb7: {  	[dreg:$0x7] =	wrdreg $0x9  }
0xb8: {  	_ =	task.clear_ibuf [dreg:s11], $0x8FFFF;
	_ =	strace $0x90000046  }
0xb9: {  	s29 =	simm.s32 $0x9;
	_ =	strace $0x80000048  }
0xba: {  	_ =	swait.ge [sflag:s29], $0x1  }
0xbb: {  	[sflag:s29] =	ssyncadd.s32 $0xFFFFFFFF  }
0xbc: {  	_ =	strace $0x90000048  }
0xbd: {  	_ =	sfence  }
0xbe: {  	s30 =	sld [smem:$0x0];
	_ =	sdelay $0x2  }
0xbf: {  	s31 =	sshll.u32 s1, $0xD;
	s1 =	sshrl.u32 s1, $0x2  }
0xc0: {  	s3 =	sand.u32 $0x4000, s31;
	s1 =	sadd.s32 s1, s30  }
0xc1: {  	s0 =	sor.u32 s3, s0;
	s1 =	sshll.u32 s1, $0x11  }
0xc2: {  	s0 =	sor.u32 s1, s0  }
0xc3: {  	s0 =	sadd.s32 $0x8F2B, s0  }
0xc4: {  	[sflag:s0] =	ssyncadd.remote.s32 $0x1  }
0xc5: {  	_ =	sfence.sel $0xFFFF  }
0xc6: {  	[dreg:$0x0] =	wrdreg $0xFFFFFFFF;
	(pc) =	sbr.abs _section_cstart, $3  }
0xc7: {  	[dreg:$0x1] =	wrdreg $0xFFFFFFFF  }
0xc8: {  	_ =	task.clear_ibuf [dreg:s11], $0x2FFFF;
	_ =	strace $0x9FFFFFFF  }
0xc9: {  	(tm) =	ssettm $0x7FFFFFFF  }
tec
execute0_lowered:
.L_overlay_start_1:
0x0: {  	(tag) =	ssettag $0x1  }
0x1: {  	v0 =	vlaneseq.u32;
	v45 =	vimm.s32 $0x2380  }
0x2: {  	vm3 =	vcmask $0x300;
	vm4 =	vcmask $0x704;
	vm6 =	vcmask $0xB08  }
0x3: {  	s0 =	srdreg.scid;
	vm8 =	vcmask $0xF0C;
	vm9 =	vcmask $0x1310;
	vm10 =	vcmask $0x1714  }
0x4: {  	s1 =	stileid.u32;
	vm11 =	vcmask $0x1B18;
	vm12 =	vcmask $0x1F1C;
	vm13 =	vcmask $0x2320;
	s6 =	sand.u32 $0x1, s0  }
0x5: {  	vm14 =	vcmask $0x2724;
	vm7 =	vcmask $0x2B28;
	vm5 =	vcmask $0x2F2C;
	s26 =	sshll.u32 s1, $0xA;
	s28 =	sshll.u32 s6, $0x9  }
0x6: {  	vm2 =	vcmask $0x3330;
	vm1 =	vcmask $0x3734;
	vm0 =	vcmask $0x3B38;
	s3 =	sor.u32 s28, s26  }
0x7: {  	v58 =	vimm.s32 $0x6380;
	v60 =	vimm.s32 $0xA380;
	v61 =	vimm.s32 $0xE380;
	s0 =	sor.u32 $0x10, s3  }
0x8: {  	v59 =	vsel vm3, $0x4000, v58;
	v1 =	vor.u32 s3, v0;
	s1 =	sor.u32 $0x20, s3;
	s2 =	sor.u32 $0x30, s3;
	s29 =	sor.u32 $0x40, s3;
	v26 =	vor.u32 s0, v0  }
0x9: {  	s30 =	sor.u32 $0x50, s3;
	s31 =	sor.u32 $0x60, s3;
	s4 =	sor.u32 $0x70, s3;
	v27 =	vor.u32 s1, v0;
	v28 =	vor.u32 s2, v0;
	v29 =	vor.u32 s29, v0  }
0xa: {  	s5 =	sor.u32 $0x80, s3;
	s7 =	sor.u32 $0x90, s3;
	s8 =	sor.u32 $0xA0, s3;
	v30 =	vor.u32 s30, v0;
	v31 =	vor.u32 s31, v0;
	v32 =	vor.u32 s4, v0  }
0xb: {  	s9 =	sor.u32 $0xB0, s3;
	s10 =	sor.u32 $0xC0, s3;
	s11 =	sor.u32 $0xD0, s3;
	v33 =	vor.u32 s5, v0;
	v34 =	vor.u32 s7, v0;
	v35 =	vor.u32 s8, v0  }
0xc: {  	s12 =	sor.u32 $0xE0, s3;
	s13 =	sor.u32 $0xF0, s3;
	s14 =	sor.u32 $0x100, s3;
	[tilespmem:$0x1FE00] =	vst v1;
	v36 =	vor.u32 s9, v0;
	v37 =	vor.u32 s10, v0;
	v38 =	vor.u32 s11, v0  }
0xd: {  	s15 =	sor.u32 $0x110, s3;
	s16 =	sor.u32 $0x120, s3;
	s17 =	sor.u32 $0x130, s3;
	v39 =	vor.u32 s12, v0;
	v40 =	vor.u32 s13, v0;
	v41 =	vor.u32 s14, v0;
	[tilespmem:$0x1FE10] =	vst v26  }
0xe: {  	s18 =	sor.u32 $0x140, s3;
	s19 =	sor.u32 $0x150, s3;
	v42 =	vor.u32 s15, v0;
	v43 =	vor.u32 s16, v0;
	v44 =	vor.u32 s17, v0;
	[tilespmem:$0x1FE20] =	vst v27  }
0xf: {  	s20 =	sor.u32 $0x160, s3;
	s21 =	sor.u32 $0x170, s3;
	s22 =	sor.u32 $0x180, s3;
	v2 =	vor.u32 s18, v0;
	v1 =	vsel vm3, $0x0, v45;
	v46 =	vor.u32 s19, v0;
	[tilespmem:$0x1FE30] =	vst v28  }
0x10: {  	s23 =	sor.u32 $0x190, s3;
	v47 =	vor.u32 s20, v0;
	v48 =	vor.u32 s21, v0;
	v49 =	vor.u32 s22, v0;
	[tilespmem:$0x1FE40] =	vst v29  }
0x11: {  	s24 =	sor.u32 $0x1A0, s3;
	v50 =	vor.u32 s23, v0;
	[tilespmem:$0x1FF40] =	vst v2;
	v1 =	vsel vm4, $0x80, v1;
	v2 =	vsel vm3, $0xC000, v61  }
0x12: {  	s25 =	sor.u32 $0x1B0, s3;
	v51 =	vor.u32 s24, v0;
	[tilespmem:$0x1FE50] =	vst v30;
	v1 =	vsel vm6, $0x100, v1;
	v2 =	vsel vm4, $0xC080, v2  }
0x13: {  	s26 =	sor.u32 $0x1C0, s3;
	v52 =	vor.u32 s25, v0;
	[tilespmem:$0x1FE60] =	vst v31;
	v1 =	vsel vm8, $0x180, v1;
	v2 =	vsel vm6, $0xC100, v2  }
0x14: {  	s28 =	sor.u32 $0x1D0, s3;
	v53 =	vor.u32 s26, v0;
	[tilespmem:$0x1FE70] =	vst v32;
	v1 =	vsel vm9, $0x200, v1;
	v2 =	vsel vm8, $0xC180, v2  }
0x15: {  	v54 =	vor.u32 s28, v0;
	s30 =	sor.u32 $0x1F0, s3;
	[tilespmem:$0x1FE80] =	vst v33;
	v1 =	vsel vm10, $0x280, v1;
	v2 =	vsel vm9, $0xC200, v2  }
0x16: {  	[tilespmem:$0x1FE90] =	vst v34;
	v56 =	vor.u32 s30, v0;
	v1 =	vsel vm11, $0x300, v1;
	v2 =	vsel vm10, $0xC280, v2  }
0x17: {  	s29 =	sor.u32 $0x1E0, s3;
	[tilespmem:$0x1FFF0] =	vst v56;
	v56 =	vmul.u32 $0x80, v0;
	v1 =	vsel vm12, $0x380, v1;
	v2 =	vsel vm11, $0xC300, v2  }
0x18: {  	[tilespmem:$0x1FEA0] =	vst v35;
	v55 =	vor.u32 s29, v0;
	v1 =	vsel vm13, $0x2000, v1;
	v2 =	vsel vm12, $0xC380, v2  }
0x19: {  	[tilespmem:$0x1FEB0] =	vst v36;
	v34 =	vor.u32 $0x800, v56;
	v1 =	vsel vm14, $0x2080, v1;
	v2 =	vsel vm13, $0xE000, v2  }
0x1a: {  	[tilespmem:$0x1FEC0] =	vst v37;
	v36 =	vor.u32 $0x1000, v56;
	v1 =	vsel vm7, $0x2100, v1;
	v2 =	vsel vm14, $0xE080, v2  }
0x1b: {  	[tilespmem:$0x1FED0] =	vst v38;
	v38 =	vor.u32 $0x1800, v56;
	v1 =	vsel vm5, $0x2180, v1;
	v2 =	vsel vm7, $0xE100, v2  }
0x1c: {  	[tilespmem:$0x1FEE0] =	vst v39;
	v57 =	vsel vm2, $0x2200, v1;
	v1 =	vsel vm3, $0x8000, v60;
	v2 =	vsel vm5, $0xE180, v2  }
0x1d: {  	[tilespmem:$0x1FEF0] =	vst v40;
	vm3 =	vmmov $0xf;
	v0 =	vsel vm1, $0x2280, v57;
	v1 =	vsel vm4, $0x8080, v1  }
0x1e: {  	[tilespmem:$0x1FF00] =	vst v41;
	v63 =	vsel vm2, $0xE200, v2;
	v33 =	vsel vm0, $0x2300, v0;
	v0 =	vsel vm4, $0x4080, v59  }
0x1f: {  	[tilespmem:$0x1FF10] =	vst v42;
	v1 =	vsel vm6, $0x8100, v1;
	vm4 =	vmmov $0x1f;
	v0 =	vsel vm6, $0x4100, v0  }
0x20: {  	[tilespmem:$0x1FF20] =	vst v43;
	v1 =	vsel vm8, $0x8180, v1;
	vm6 =	vmmov $0x7f;
	v0 =	vsel vm8, $0x4180, v0  }
0x21: {  	s31 =	rddreg [dreg:$0x0];
	[tilespmem:$0x1FF30] =	vst v44;
	v1 =	vsel vm9, $0x8200, v1;
	vm8 =	vmmov $0x1ff;
	v0 =	vsel vm9, $0x4200, v0  }
0x22: {  	s7 =	rddreg [dreg:$0x1];
	[tilespmem:$0x1FF50] =	vst v46;
	v1 =	vsel vm10, $0x8280, v1;
	vm9 =	vmmov $0x3ff;
	v0 =	vsel vm10, $0x4280, v0  }
0x23: {  	s6 =	ssub.s32 $0x2, s6;
	s1 =	rddreg [dreg:$0x2];
	[tilespmem:$0x1FF60] =	vst v47;
	v1 =	vsel vm11, $0x8300, v1;
	vm10 =	vmmov $0x7ff;
	v0 =	vsel vm11, $0x4300, v0  }
0x24: {  	s4 =	rddreg [dreg:$0x4];
	s5 =	simm.s32 $0x0;
	s8 =	sshrl.u32 s6, $0x1;
	[tilespmem:$0x1FF70] =	vst v48;
	v1 =	vsel vm12, $0x8380, v1;
	vm11 =	vmmov $0xfff;
	v0 =	vsel vm12, $0x4380, v0  }
0x25: {  	s3 =	sshrl.u32 s3, $0x3;
	s9 =	simm.s32 $0x4;
	s11 =	simm.s32 $0x400;
	[tilespmem:$0x1FF80] =	vst v49;
	v1 =	vsel vm13, $0xA000, v1;
	vm12 =	vmmov $0x1fff;
	v0 =	vsel vm13, $0x6000, v0  }
0x26: {  	s10 =	simm.s32 $0x1;
	s12 =	simm.s32 $0x7A1400;
	s13 =	simm.s32 $0x10000;
	[tilespmem:$0x1FF90] =	vst v50;
	v1 =	vsel vm14, $0xA080, v1;
	vm13 =	vmmov $0x3fff;
	v0 =	vsel vm14, $0x6080, v0  }
0x27: {  	s14 =	simm.s32 $0x12000;
	s15 =	simm.s32 $0x2;
	s18 =	simm.s32 $0x14000;
	[tilespmem:$0x1FFA0] =	vst v51;
	v1 =	vsel vm7, $0xA100, v1;
	vm14 =	vmmov $0x7fff;
	v0 =	vsel vm7, $0x6100, v0  }
0x28: {  	s19 =	simm.s32 $0x14280;
	s20 =	simm.s32 $0x14080;
	s21 =	simm.s32 $0x14300;
	[tilespmem:$0x1FFB0] =	vst v52;
	v1 =	vsel vm5, $0xA180, v1;
	vm7 =	vmmov $0xff;
	v0 =	vsel vm5, $0x6180, v0  }
0x29: {  	s16 =	simm.s32 $0x80;
	s22 =	simm.s32 $0x14100;
	s23 =	simm.s32 $0x14380;
	[tilespmem:$0x1FFC0] =	vst v53;
	v62 =	vsel vm2, $0xA200, v1;
	v1 =	vsel vm1, $0xE280, v63;
	v0 =	vsel vm2, $0x6200, v0  }
0x2a: {  	s24 =	simm.s32 $0x14180;
	s25 =	simm.s32 $0x3;
	s26 =	simm.s32 $0x0;
	[tilespmem:$0x1FFD0] =	vst v54;
	vm5 =	vmmov $0x3f;
	v39 =	vsel vm0, $0xE300, v1;
	v0 =	vsel vm1, $0x6280, v0  }
0x2b: {  	[smem:$0x7FF] =	sst s5;
	s8 =	ssub.s32 s6, s8;
	s6 =	sadd.s32 s31, s3;
	[tilespmem:$0x1FFE0] =	vst v55;
	vm2 =	vmmov $0x7;
	v35 =	vsel vm0, $0x6300, v0;
	v0 =	vsel vm1, $0xA280, v62  }
0x2c: {  	s7 =	sadd.s32 s7, s3;
	s8 =	smax.u32 s8, $0x1;
	_ =	strace $0x80000047;
	vm1 =	vmmov $0x3;
	v37 =	vsel vm0, $0xA300, v0;
	vm0 =	vmmov $0x1  }
.LBB2_1:
0x2d: {  	s28 =	simm.s32 $0x14400  }
0x2e: {  	[tilespmem:s28], [sflag:$0x4] =	stream.linear.gather [hbm4b:s6+s5], $0x200, $0x38;
	[tilespmem:$0x14800] =	vst v63  }
0x2f: {  	_ =	swait.ge [sflag:s9], $0x200  }
0x30: {  	[sflag:s9] =	ssyncset.done $0x0  }
0x31: {  	s29 =	simm.s32 $0x14600;
	[sflag:s9] =	ssyncadd.s32 $0xFFFFFE00  }
0x32: {  	[tilespmem:s29], [sflag:$0x4] =	stream.linear.gather [hbm4b:s7+s5], $0x200, $0x38;
	[tilespmem:$0x14800] =	vst v63  }
0x33: {  	_ =	swait.ge [sflag:s9], $0x200  }
0x34: {  	[sflag:s9] =	ssyncset.done $0x0  }
0x35: {  	[sflag:s9] =	ssyncadd.s32 $0xFFFFFE00  }
0x36: {  	s0 =	rddreg [dreg:$0x3]  }
0x37: {  	[tilespmem:s5], [sflag:$0x4] =	stream.linear.gather [hbm4b:s0+s5], $0x10000, $0x38;
	[tilespmem:$0x14800] =	vst v63  }
0x38: {  	_ =	swait.ge [sflag:s9], $0x10000  }
0x39: {  	v0 =	vld [tilespmem:$0x1FE00]  }
0x3a: {  	v25 =	vld [tilespmem:$0x1FE10]  }
0x3b: {  	v26 =	vld [tilespmem:$0x1FE20]  }
0x3c: {  	v1 =	vld [tilespmem:$0x1FE30]  }
0x3d: {  	[sflag:s9] =	ssyncset.done $0x0;
	v28 =	vld [tilespmem:$0x1FE40]  }
0x3e: {  	v29 =	vld [tilespmem:$0x1FE50];
	[sflag:s9] =	ssyncadd.s32 $0xFFFF0000  }
0x3f: {  	v30 =	vld [tilespmem:$0x1FE60];
	[tilespmem:$0x14200] =	vst v0  }
0x40: {  	v31 =	vld [tilespmem:$0x1FE70];
	[tilespmem:$0x14210] =	vst v25  }
0x41: {  	v27 =	vld [tilespmem:$0x14400];
	[tilespmem:$0x14220] =	vst v26  }
0x42: {  	v32 =	vld [tilespmem:$0x1FE80];
	[tilespmem:$0x14230] =	vst v1  }
0x43: {  	v40 =	vld [tilespmem:$0x1FE90];
	[tilespmem:$0x14240] =	vst v28  }
0x44: {  	v41 =	vld [tilespmem:$0x1FEA0];
	[tilespmem:$0x14250] =	vst v29  }
0x45: {  	v42 =	vld [tilespmem:$0x1FEB0];
	[tilespmem:$0x14260] =	vst v30  }
0x46: {  	v43 =	vld [tilespmem:$0x1FEC0];
	[tilespmem:$0x14270] =	vst v31;
	(v2sf) =	vpush v27, $0x0  }
0x47: {  	v44 =	vld [tilespmem:$0x1FED0];
	[tilespmem:$0x14280] =	vst v32  }
0x48: {  	v45 =	vld [tilespmem:$0x1FEE0];
	[tilespmem:$0x14290] =	vst v40  }
0x49: {  	v46 =	vld [tilespmem:$0x1FEF0];
	[tilespmem:$0x142A0] =	vst v41  }
0x4a: {  	v47 =	vld [tilespmem:$0x1FF00];
	[tilespmem:$0x142B0] =	vst v42  }
0x4b: {  	v48 =	vld [tilespmem:$0x1FF10];
	[tilespmem:$0x142C0] =	vst v43  }
0x4c: {  	v49 =	vld [tilespmem:$0x1FF20];
	[tilespmem:$0x142D0] =	vst v44  }
0x4d: {  	v50 =	vld [tilespmem:$0x1FF30];
	[tilespmem:$0x142E0] =	vst v45  }
0x4e: {  	v51 =	vld [tilespmem:$0x1FF40];
	[tilespmem:$0x142F0] =	vst v46  }
0x4f: {  	v52 =	vld [tilespmem:$0x1FF50];
	[tilespmem:$0x14300] =	vst v47  }
0x50: {  	v53 =	vld [tilespmem:$0x1FF60];
	[tilespmem:$0x14310] =	vst v48  }
0x51: {  	v54 =	vld [tilespmem:$0x1FF70];
	[tilespmem:$0x14320] =	vst v49  }
0x52: {  	v55 =	vld [tilespmem:$0x1FF80];
	[tilespmem:$0x14330] =	vst v50  }
0x53: {  	v57 =	vld [tilespmem:$0x1FF90];
	[tilespmem:$0x14340] =	vst v51  }
0x54: {  	v58 =	vld [tilespmem:$0x1FFA0];
	[tilespmem:$0x14350] =	vst v52  }
0x55: {  	v59 =	vld [tilespmem:$0x1FFB0];
	[tilespmem:$0x14360] =	vst v53;
	s2 =	spop (v2sf)  }
0x56: {  	v60 =	vld [tilespmem:$0x1FFC0];
	[tilespmem:$0x14370] =	vst v54;
	s3 =	sand.u32 $0x7F, s2  }
0x57: {  	v61 =	vld [tilespmem:$0x1FFD0];
	[tilespmem:$0x14380] =	vst v55;
	s17 =	sshra.s32 s2, $0x1F;
	p1 =	slt.s32 s2, $0x1;
	p0 =	sne.s32 s3, $0x0  }
0x58: {  	v62 =	vld [tilespmem:$0x1FFE0];
	[tilespmem:$0x14390] =	vst v57;
	s3 =	sshrl.u32 s17, $0x19;
	p0 =	por !p1, !p0  }
0x59: {  	v63 =	vld [tilespmem:$0x1FFF0];
	[tilespmem:$0x143A0] =	vst v58;
	s0 =	sadd.s32 s3, s2;
	s3 =	simm.s32 $0x1;
	p0 =	por !p0, !p0  }
0x5a: {  	[tilespmem:$0x143B0] =	vst v59;
	s0 =	sshrl.u32 s0, $0x7;
	s3 =	simm.s32 @!p0 $0x0  }
0x5b: {  	[tilespmem:$0x143C0] =	vst v60;
	s0 =	ssub.s32 s0, s3  }
0x5c: {  	[tilespmem:$0x143D0] =	vst v61;
	s0 =	sshll.u32 s0, $0x7  }
0x5d: {  	[tilespmem:$0x143E0] =	vst v62;
	s0 =	sand.u32 $0x1FFFFF80, s0  }
0x5e: {  	s30 =	simm.s32 $0x14000;
	s31 =	simm.s32 $0x1;
	[tilespmem:$0x143F0] =	vst v63;
	s0 =	sadd.s32 s1, s0  }
0x5f: {  	[tilespmem:s13], [sflag:$0x1] =	stream.strided.gather [hbm4b:s0+s11], $0x2000, s12, s11, $0x38;
	[tilespmem:$0x14800] =	vst v63  }
.LBB2_2:
0x60: {  	v46 =	vld [tilespmem:s28+$0x0];
	_ =	sdelay $0x1  }
0x61: {  	s0 =	smin.u32 s31, $0x1F  }
0x62: {  	v40 =	vld [tilespmem:s29+$0x0];
	s0 =	sshll.u32 s0, $0x4  }
0x63: {  	v57 =	vld [tilespmem:s0+$0x14400];
	_ =	swait.ge [sflag:s10], $0x2000  }
0x64: {  	(v2sf) =	vpush v46, $0x1;
	_ =	sdelay $0x3  }
0x65: {  	(v2sf) =	vpush v46, $0x0;
	_ =	sdelay $0xa  }
0x66: {  	s17 =	spop (v2sf)  }
0x67: {  	s2 =	sshra.s32 s17, $0x1F;
	s3 =	sand.u32 $0x7F, s17  }
0x68: {  	v0 =	vbroadcast v40, $0x0;
	p0 =	slt.s32 s17, $0x1;
	s2 =	sshrl.u32 s2, $0x19;
	p1 =	sne.s32 s3, $0x0  }
0x69: {  	s0 =	sadd.s32 s2, s17;
	p0 =	por !p0, !p1  }
0x6a: {  	v1 =	vshll.u32 v0, $0x3;
	s2 =	simm.s32 $0x1;
	s17 =	spop (v2sf);
	p0 =	por !p0, !p0  }
0x6b: {  	v0 =	vand.u32 $0x7F, v0;
	v1 =	vand.u32 $0xFFFFFC00, v1;
	s0 =	sshrl.u32 s0, $0x7;
	s17 =	sand.u32 $0x7F, s17;
	s2 =	simm.s32 @!p0 $0x0  }
0x6c: {  	v0 =	vor.u32 v0, v1;
	v2 =	vor.u32 s17, v56;
	s0 =	ssub.s32 s0, s2  }
0x6d: {  	v1 =	vadd.s32 v33, v0;
	s0 =	sshll.u32 s0, $0x7  }
0x6e: {  	[sflag:s10] =	ssyncset.done $0x0;
	v3 =	vor.u32 s17, v34;
	s0 =	sand.u32 $0x1FFFFF80, s0  }
0x6f: {  	[sflag:s10] =	ssyncadd.s32 $0xFFFFE000;
	v4 =	vadd.s32 v35, v0;
	s0 =	sadd.s32 s1, s0  }
0x70: {  	v5 =	vor.u32 s17, v36;
	[tilespmem:s14], [sflag:$0x2] =	stream.strided.gather [hbm4b:s0+s11], $0x2000, s12, s11, $0x38;
	[tilespmem:$0x14800] =	vst v63  }
0x71: {  	v18 =	vadd.s32 v37, v0;
	v9 =	vld.idx.msk [tilespmem:v2+s13+$0x0], $0xffff  }
0x72: {  	v19 =	vor.u32 s17, v38;
	v32 =	vld.idx.msk [tilespmem:v1+s5+$0x0], $0xffff  }
0x73: {  	v0 =	vadd.s32 v39, v0;
	v10 =	vld.idx.msk [tilespmem:v3+s13+$0x0], $0xffff  }
0x74: {  	v62 =	vld.idx.msk [tilespmem:v4+s5+$0x0], $0xffff  }
0x75: {  	v60 =	vld.idx.msk [tilespmem:v5+s13+$0x0], $0xffff  }
0x76: {  	v61 =	vld.idx.msk [tilespmem:v18+s5+$0x0], $0xffff  }
0x77: {  	v58 =	vld.idx.msk [tilespmem:v19+s13+$0x0], $0xffff  }
0x78: {  	v59 =	vld.idx.msk [tilespmem:v0+s5+$0x0], $0xffff;
	_ =	swait.ge [sflag:s15], $0x2000  }
0x79: {  	(v2sf) =	vpush v46, $0x2;
	_ =	sdelay $0xe  }
0x7a: {  	s2 =	spop (v2sf)  }
0x7b: {  	v20 =	vbroadcast v40, $0x1;
	s0 =	sand.u32 $0x7F, s2  }
0x7c: {  	s17 =	sshra.s32 s2, $0x1F;
	p1 =	slt.s32 s2, $0x1;
	p2 =	sne.s32 s0, $0x0  }
0x7d: {  	v21 =	vshll.u32 v20, $0x3;
	s17 =	sshrl.u32 s17, $0x19;
	p0 =	por !p1, !p2  }
0x7e: {  	v0 =	vand.u32 $0x7F, v20;
	v1 =	vand.u32 $0xFFFFFC00, v21;
	s2 =	sadd.s32 s17, s2;
	s17 =	simm.s32 $0x1;
	p0 =	por !p0, !p0  }
0x7f: {  	v0 =	vor.u32 v0, v1;
	s2 =	sshrl.u32 s2, $0x7;
	s17 =	simm.s32 @!p0 $0x0  }
0x80: {  	v1 =	vadd.s32 v33, v0;
	s2 =	ssub.s32 s2, s17  }
0x81: {  	v23 =	vor.u32 s3, v34;
	s2 =	sshll.u32 s2, $0x7  }
0x82: {  	[sflag:s15] =	ssyncset.done $0x0;
	v24 =	vadd.s32 v35, v0;
	s2 =	sand.u32 $0x1FFFFF80, s2  }
0x83: {  	v25 =	vor.u32 s3, v36;
	[sflag:s15] =	ssyncadd.s32 $0xFFFFE000;
	s2 =	sadd.s32 s1, s2  }
0x84: {  	v26 =	vadd.s32 v37, v0;
	[tilespmem:s13], [sflag:$0x1] =	stream.strided.gather [hbm4b:s2+s11], $0x2000, s12, s11, $0x38;
	[tilespmem:$0x14800] =	vst v63  }
0x85: {  	v0 =	vadd.s32 v39, v0;
	v1 =	vld.idx.msk [tilespmem:v1+s5+$0x0], $0xffff  }
0x86: {  	v27 =	vor.u32 s3, v38;
	v3 =	vld.idx.msk [tilespmem:v23+s14+$0x0], $0xffff  }
0x87: {  	v28 =	vld.idx.msk [tilespmem:v24+s5+$0x0], $0xffff  }
0x88: {  	v29 =	vld.idx.msk [tilespmem:v25+s14+$0x0], $0xffff  }
0x89: {  	v2 =	vld.idx.msk [tilespmem:v26+s5+$0x0], $0xffff  }
0x8a: {  	v0 =	vld.idx.msk [tilespmem:v0+s5+$0x0], $0xffff;
	[tilespmem:$0x1F9B0] =	vst v1  }
0x8b: {  	[tilespmem:$0x1F9C0] =	vst v3;
	v1 =	vld.idx.msk [tilespmem:v27+s14+$0x0], $0xffff  }
0x8c: {  	v22 =	vor.u32 s3, v56;
	[tilespmem:$0x1F9D0] =	vst v28  }
0x8d: {  	[tilespmem:$0x1FA00] =	vst v29  }
0x8e: {  	[tilespmem:$0x1FA10] =	vst v2  }
0x8f: {  	[tilespmem:$0x1FA50] =	vst v0  }
0x90: {  	[tilespmem:$0x1FA40] =	vst v1  }
0x91: {  	v63 =	vld.idx.msk [tilespmem:v22+s14+$0x0], $0xffff;
	_ =	swait.ge [sflag:s10], $0x2000  }
0x92: {  	(v2sf) =	vpush v46, $0x3;
	_ =	sdelay $0xe  }
0x93: {  	s2 =	spop (v2sf)  }
0x94: {  	s3 =	sand.u32 $0x7F, s2  }
0x95: {  	v30 =	vbroadcast v40, $0x2;
	s17 =	sshra.s32 s2, $0x1F;
	p3 =	slt.s32 s2, $0x1;
	p4 =	sne.s32 s3, $0x0  }
0x96: {  	s17 =	sshrl.u32 s17, $0x19;
	p0 =	por !p3, !p4  }
0x97: {  	v31 =	vshll.u32 v30, $0x3;
	s2 =	sadd.s32 s17, s2;
	s17 =	simm.s32 $0x1;
	p0 =	por !p0, !p0  }
0x98: {  	v0 =	vand.u32 $0x7F, v30;
	v1 =	vand.u32 $0xFFFFFC00, v31;
	s2 =	sshrl.u32 s2, $0x7;
	s17 =	simm.s32 @!p0 $0x0  }
0x99: {  	v41 =	vor.u32 s0, v56;
	v0 =	vor.u32 v0, v1;
	s2 =	ssub.s32 s2, s17  }
0x9a: {  	v1 =	vadd.s32 v33, v0;
	s2 =	sshll.u32 s2, $0x7  }
0x9b: {  	v42 =	vor.u32 s0, v34;
	[sflag:s10] =	ssyncset.done $0x0;
	s2 =	sand.u32 $0x1FFFFF80, s2  }
0x9c: {  	v43 =	vadd.s32 v35, v0;
	[sflag:s10] =	ssyncadd.s32 $0xFFFFE000;
	s2 =	sadd.s32 s1, s2  }
0x9d: {  	v44 =	vor.u32 s0, v36;
	[tilespmem:s14], [sflag:$0x2] =	stream.strided.gather [hbm4b:s2+s11], $0x2000, s12, s11, $0x38;
	[tilespmem:$0x14800] =	vst v63  }
0x9e: {  	v45 =	vadd.s32 v37, v0;
	v0 =	vadd.s32 v39, v0;
	v2 =	vld.idx.msk [tilespmem:v41+s13+$0x0], $0xffff  }
0x9f: {  	v1 =	vld.idx.msk [tilespmem:v1+s5+$0x0], $0xffff  }
0xa0: {  	v47 =	vor.u32 s0, v38;
	v3 =	vld.idx.msk [tilespmem:v42+s13+$0x0], $0xffff  }
0xa1: {  	v48 =	vld.idx.msk [tilespmem:v43+s5+$0x0], $0xffff  }
0xa2: {  	v49 =	vld.idx.msk [tilespmem:v44+s13+$0x0], $0xffff  }
0xa3: {  	v0 =	vld.idx.msk [tilespmem:v0+s5+$0x0], $0xffff;
	[tilespmem:$0x1F9E0] =	vst v2  }
0xa4: {  	[tilespmem:$0x1F9F0] =	vst v1;
	v2 =	vld.idx.msk [tilespmem:v45+s5+$0x0], $0xffff  }
0xa5: {  	[tilespmem:$0x1FA20] =	vst v3;
	v1 =	vld.idx.msk [tilespmem:v47+s13+$0x0], $0xffff  }
0xa6: {  	[tilespmem:$0x1FA30] =	vst v48  }
0xa7: {  	[tilespmem:$0x1FA60] =	vst v49  }
0xa8: {  	[tilespmem:$0x1FAF0] =	vst v0  }
0xa9: {  	[tilespmem:$0x1FA70] =	vst v2  }
0xaa: {  	[tilespmem:$0x1FAE0] =	vst v1  }
0xab: {  	_ =	swait.ge [sflag:s15], $0x2000  }
0xac: {  	(v2sf) =	vpush v46, $0x4;
	_ =	sdelay $0xe  }
0xad: {  	s2 =	spop (v2sf)  }
0xae: {  	s0 =	sand.u32 $0x7F, s2  }
0xaf: {  	v50 =	vbroadcast v40, $0x3;
	s17 =	sshra.s32 s2, $0x1F;
	p5 =	slt.s32 s2, $0x1;
	p6 =	sne.s32 s0, $0x0  }
0xb0: {  	s17 =	sshrl.u32 s17, $0x19;
	p0 =	por !p5, !p6  }
0xb1: {  	v51 =	vshll.u32 v50, $0x3;
	s2 =	sadd.s32 s17, s2;
	s17 =	simm.s32 $0x1;
	p0 =	por !p0, !p0  }
0xb2: {  	v0 =	vand.u32 $0x7F, v50;
	v1 =	vand.u32 $0xFFFFFC00, v51;
	s2 =	sshrl.u32 s2, $0x7;
	s17 =	simm.s32 @!p0 $0x0  }
0xb3: {  	v52 =	vor.u32 s3, v56;
	v0 =	vor.u32 v0, v1;
	s2 =	ssub.s32 s2, s17  }
0xb4: {  	v1 =	vadd.s32 v33, v0;
	s2 =	sshll.u32 s2, $0x7  }
0xb5: {  	v53 =	vor.u32 s3, v34;
	[sflag:s15] =	ssyncset.done $0x0;
	s2 =	sand.u32 $0x1FFFFF80, s2  }
0xb6: {  	v54 =	vadd.s32 v35, v0;
	[sflag:s15] =	ssyncadd.s32 $0xFFFFE000;
	s2 =	sadd.s32 s1, s2  }
0xb7: {  	v55 =	vor.u32 s3, v36;
	[tilespmem:s13], [sflag:$0x1] =	stream.strided.gather [hbm4b:s2+s11], $0x2000, s12, s11, $0x38;
	[tilespmem:$0x14800] =	vst v63  }
0xb8: {  	v7 =	vadd.s32 v37, v0;
	v0 =	vadd.s32 v39, v0;
	v2 =	vld.idx.msk [tilespmem:v52+s14+$0x0], $0xffff  }
0xb9: {  	v1 =	vld.idx.msk [tilespmem:v1+s5+$0x0], $0xffff  }
0xba: {  	v8 =	vor.u32 s3, v38;
	v3 =	vld.idx.msk [tilespmem:v53+s14+$0x0], $0xffff  }
0xbb: {  	v11 =	vld.idx.msk [tilespmem:v54+s5+$0x0], $0xffff  }
0xbc: {  	v12 =	vld.idx.msk [tilespmem:v55+s14+$0x0], $0xffff  }
0xbd: {  	v0 =	vld.idx.msk [tilespmem:v0+s5+$0x0], $0xffff;
	[tilespmem:$0x1FA80] =	vst v2  }
0xbe: {  	[tilespmem:$0x1FA90] =	vst v1;
	v2 =	vld.idx.msk [tilespmem:v7+s5+$0x0], $0xffff  }
0xbf: {  	[tilespmem:$0x1FAC0] =	vst v3;
	v1 =	vld.idx.msk [tilespmem:v8+s14+$0x0], $0xffff  }
0xc0: {  	[tilespmem:$0x1FAD0] =	vst v11  }
0xc1: {  	[tilespmem:$0x1FB20] =	vst v12  }
0xc2: {  	[tilespmem:$0x1FBB0] =	vst v0  }
0xc3: {  	[tilespmem:$0x1FB30] =	vst v2  }
0xc4: {  	[tilespmem:$0x1FBA0] =	vst v1  }
0xc5: {  	_ =	swait.ge [sflag:s10], $0x2000  }
0xc6: {  	(v2sf) =	vpush v46, $0x5;
	_ =	sdelay $0xe  }
0xc7: {  	s2 =	spop (v2sf)  }
0xc8: {  	s3 =	sand.u32 $0x7F, s2  }
0xc9: {  	v13 =	vbroadcast v40, $0x4;
	s17 =	sshra.s32 s2, $0x1F;
	p1 =	slt.s32 s2, $0x1;
	p2 =	sne.s32 s3, $0x0  }
0xca: {  	s17 =	sshrl.u32 s17, $0x19;
	p0 =	por !p1, !p2  }
0xcb: {  	v14 =	vshll.u32 v13, $0x3;
	s2 =	sadd.s32 s17, s2;
	s17 =	simm.s32 $0x1;
	p0 =	por !p0, !p0  }
0xcc: {  	v0 =	vand.u32 $0x7F, v13;
	v1 =	vand.u32 $0xFFFFFC00, v14;
	s2 =	sshrl.u32 s2, $0x7;
	s17 =	simm.s32 @!p0 $0x0  }
0xcd: {  	v15 =	vor.u32 s0, v56;
	v0 =	vor.u32 v0, v1;
	s2 =	ssub.s32 s2, s17  }
0xce: {  	v1 =	vadd.s32 v33, v0;
	s2 =	sshll.u32 s2, $0x7  }
0xcf: {  	v16 =	vor.u32 s0, v34;
	[sflag:s10] =	ssyncset.done $0x0;
	s2 =	sand.u32 $0x1FFFFF80, s2  }
0xd0: {  	v17 =	vadd.s32 v35, v0;
	[sflag:s10] =	ssyncadd.s32 $0xFFFFE000;
	s2 =	sadd.s32 s1, s2  }
0xd1: {  	v18 =	vor.u32 s0, v36;
	[tilespmem:s14], [sflag:$0x2] =	stream.strided.gather [hbm4b:s2+s11], $0x2000, s12, s11, $0x38;
	[tilespmem:$0x14800] =	vst v63  }
0xd2: {  	v19 =	vadd.s32 v37, v0;
	v0 =	vadd.s32 v39, v0;
	v2 =	vld.idx.msk [tilespmem:v15+s13+$0x0], $0xffff  }
0xd3: {  	v1 =	vld.idx.msk [tilespmem:v1+s5+$0x0], $0xffff  }
0xd4: {  	v20 =	vor.u32 s0, v38;
	v3 =	vld.idx.msk [tilespmem:v16+s13+$0x0], $0xffff  }
0xd5: {  	v21 =	vld.idx.msk [tilespmem:v17+s5+$0x0], $0xffff  }
0xd6: {  	v22 =	vld.idx.msk [tilespmem:v18+s13+$0x0], $0xffff  }
0xd7: {  	v0 =	vld.idx.msk [tilespmem:v0+s5+$0x0], $0xffff;
	[tilespmem:$0x1FAA0] =	vst v2  }
0xd8: {  	[tilespmem:$0x1FAB0] =	vst v1;
	v2 =	vld.idx.msk [tilespmem:v19+s5+$0x0], $0xffff  }
0xd9: {  	[tilespmem:$0x1FB00] =	vst v3;
	v1 =	vld.idx.msk [tilespmem:v20+s13+$0x0], $0xffff  }
0xda: {  	[tilespmem:$0x1FB10] =	vst v21  }
0xdb: {  	[tilespmem:$0x1FB60] =	vst v22  }
0xdc: {  	[tilespmem:$0x1FBF0] =	vst v0  }
0xdd: {  	[tilespmem:$0x1FB70] =	vst v2  }
0xde: {  	[tilespmem:$0x1FBE0] =	vst v1  }
0xdf: {  	_ =	swait.ge [sflag:s15], $0x2000  }
0xe0: {  	(v2sf) =	vpush v46, $0x6;
	_ =	sdelay $0xe  }
0xe1: {  	s2 =	spop (v2sf)  }
0xe2: {  	s0 =	sand.u32 $0x7F, s2  }
0xe3: {  	v23 =	vbroadcast v40, $0x5;
	s17 =	sshra.s32 s2, $0x1F;
	p3 =	slt.s32 s2, $0x1;
	p4 =	sne.s32 s0, $0x0  }
0xe4: {  	s17 =	sshrl.u32 s17, $0x19;
	p0 =	por !p3, !p4  }
0xe5: {  	v24 =	vshll.u32 v23, $0x3;
	s2 =	sadd.s32 s17, s2;
	s17 =	simm.s32 $0x1;
	p0 =	por !p0, !p0  }
0xe6: {  	v0 =	vand.u32 $0x7F, v23;
	v1 =	vand.u32 $0xFFFFFC00, v24;
	s2 =	sshrl.u32 s2, $0x7;
	s17 =	simm.s32 @!p0 $0x0  }
0xe7: {  	v25 =	vor.u32 s3, v56;
	v0 =	vor.u32 v0, v1;
	s2 =	ssub.s32 s2, s17  }
0xe8: {  	v1 =	vadd.s32 v33, v0;
	s2 =	sshll.u32 s2, $0x7  }
0xe9: {  	v26 =	vor.u32 s3, v34;
	[sflag:s15] =	ssyncset.done $0x0;
	s2 =	sand.u32 $0x1FFFFF80, s2  }
0xea: {  	v27 =	vadd.s32 v35, v0;
	[sflag:s15] =	ssyncadd.s32 $0xFFFFE000;
	s2 =	sadd.s32 s1, s2  }
0xeb: {  	v28 =	vor.u32 s3, v36;
	[tilespmem:s13], [sflag:$0x1] =	stream.strided.gather [hbm4b:s2+s11], $0x2000, s12, s11, $0x38;
	[tilespmem:$0x14800] =	vst v63  }
0xec: {  	v29 =	vadd.s32 v37, v0;
	v0 =	vadd.s32 v39, v0;
	v2 =	vld.idx.msk [tilespmem:v25+s14+$0x0], $0xffff  }
0xed: {  	v1 =	vld.idx.msk [tilespmem:v1+s5+$0x0], $0xffff  }
0xee: {  	v30 =	vor.u32 s3, v38;
	v3 =	vld.idx.msk [tilespmem:v26+s14+$0x0], $0xffff  }
0xef: {  	v31 =	vld.idx.msk [tilespmem:v27+s5+$0x0], $0xffff  }
0xf0: {  	v41 =	vld.idx.msk [tilespmem:v28+s14+$0x0], $0xffff  }
0xf1: {  	v0 =	vld.idx.msk [tilespmem:v0+s5+$0x0], $0xffff;
	[tilespmem:$0x1FB40] =	vst v2  }
0xf2: {  	[tilespmem:$0x1FB50] =	vst v1;
	v2 =	vld.idx.msk [tilespmem:v29+s5+$0x0], $0xffff  }
0xf3: {  	[tilespmem:$0x1FB80] =	vst v3;
	v1 =	vld.idx.msk [tilespmem:v30+s14+$0x0], $0xffff  }
0xf4: {  	[tilespmem:$0x1FB90] =	vst v31  }
0xf5: {  	[tilespmem:$0x1FC00] =	vst v41  }
0xf6: {  	[tilespmem:$0x1FC70] =	vst v0  }
0xf7: {  	[tilespmem:$0x1FC10] =	vst v2  }
0xf8: {  	[tilespmem:$0x1FC60] =	vst v1  }
0xf9: {  	_ =	swait.ge [sflag:s10], $0x2000  }
0xfa: {  	(v2sf) =	vpush v46, $0x7;
	_ =	sdelay $0xe  }
0xfb: {  	s2 =	spop (v2sf)  }
0xfc: {  	s3 =	sand.u32 $0x7F, s2  }
0xfd: {  	v42 =	vbroadcast v40, $0x6;
	s17 =	sshra.s32 s2, $0x1F;
	p5 =	slt.s32 s2, $0x1;
	p6 =	sne.s32 s3, $0x0  }
0xfe: {  	s17 =	sshrl.u32 s17, $0x19;
	p0 =	por !p5, !p6  }
0xff: {  	v43 =	vshll.u32 v42, $0x3;
	s2 =	sadd.s32 s17, s2;
	s17 =	simm.s32 $0x1;
	p0 =	por !p0, !p0  }
0x100: {  	v0 =	vand.u32 $0x7F, v42;
	v1 =	vand.u32 $0xFFFFFC00, v43;
	s2 =	sshrl.u32 s2, $0x7;
	s17 =	simm.s32 @!p0 $0x0  }
0x101: {  	v44 =	vor.u32 s0, v56;
	v0 =	vor.u32 v0, v1;
	s2 =	ssub.s32 s2, s17  }
0x102: {  	v1 =	vadd.s32 v33, v0;
	s2 =	sshll.u32 s2, $0x7  }
0x103: {  	v45 =	vor.u32 s0, v34;
	[sflag:s10] =	ssyncset.done $0x0;
	s2 =	sand.u32 $0x1FFFFF80, s2  }
0x104: {  	v47 =	vadd.s32 v35, v0;
	[sflag:s10] =	ssyncadd.s32 $0xFFFFE000;
	s2 =	sadd.s32 s1, s2  }
0x105: {  	v48 =	vor.u32 s0, v36;
	[tilespmem:s14], [sflag:$0x2] =	stream.strided.gather [hbm4b:s2+s11], $0x2000, s12, s11, $0x38;
	[tilespmem:$0x14800] =	vst v63  }
0x106: {  	v49 =	vadd.s32 v37, v0;
	v0 =	vadd.s32 v39, v0;
	v2 =	vld.idx.msk [tilespmem:v44+s13+$0x0], $0xffff  }
0x107: {  	v1 =	vld.idx.msk [tilespmem:v1+s5+$0x0], $0xffff  }
0x108: {  	v50 =	vor.u32 s0, v38;
	v3 =	vld.idx.msk [tilespmem:v45+s13+$0x0], $0xffff  }
0x109: {  	v51 =	vld.idx.msk [tilespmem:v47+s5+$0x0], $0xffff  }
0x10a: {  	v52 =	vld.idx.msk [tilespmem:v48+s13+$0x0], $0xffff  }
0x10b: {  	v0 =	vld.idx.msk [tilespmem:v0+s5+$0x0], $0xffff;
	[tilespmem:$0x1FBC0] =	vst v2  }
0x10c: {  	[tilespmem:$0x1FBD0] =	vst v1;
	v2 =	vld.idx.msk [tilespmem:v49+s5+$0x0], $0xffff  }
0x10d: {  	[tilespmem:$0x1FC20] =	vst v3;
	v1 =	vld.idx.msk [tilespmem:v50+s13+$0x0], $0xffff  }
0x10e: {  	[tilespmem:$0x1FC30] =	vst v51  }
0x10f: {  	[tilespmem:$0x1FC80] =	vst v52  }
0x110: {  	[tilespmem:$0x1FD30] =	vst v0  }
0x111: {  	[tilespmem:$0x1FC90] =	vst v2  }
0x112: {  	[tilespmem:$0x1FD20] =	vst v1  }
0x113: {  	_ =	swait.ge [sflag:s15], $0x2000  }
0x114: {  	(v2sf) =	vpush v46, $0x8;
	_ =	sdelay $0xe  }
0x115: {  	s2 =	spop (v2sf)  }
0x116: {  	s0 =	sand.u32 $0x7F, s2  }
0x117: {  	v53 =	vbroadcast v40, $0x7;
	s17 =	sshra.s32 s2, $0x1F;
	p1 =	slt.s32 s2, $0x1;
	p2 =	sne.s32 s0, $0x0  }
0x118: {  	s17 =	sshrl.u32 s17, $0x19;
	p0 =	por !p1, !p2  }
0x119: {  	v54 =	vshll.u32 v53, $0x3;
	s2 =	sadd.s32 s17, s2;
	s17 =	simm.s32 $0x1;
	p0 =	por !p0, !p0  }
0x11a: {  	v0 =	vand.u32 $0x7F, v53;
	v1 =	vand.u32 $0xFFFFFC00, v54;
	s2 =	sshrl.u32 s2, $0x7;
	s17 =	simm.s32 @!p0 $0x0  }
0x11b: {  	v55 =	vor.u32 s3, v56;
	v0 =	vor.u32 v0, v1;
	s2 =	ssub.s32 s2, s17  }
0x11c: {  	v1 =	vadd.s32 v33, v0;
	s2 =	sshll.u32 s2, $0x7  }
0x11d: {  	v8 =	vor.u32 s3, v34;
	[sflag:s15] =	ssyncset.done $0x0;
	s2 =	sand.u32 $0x1FFFFF80, s2  }
0x11e: {  	v11 =	vadd.s32 v35, v0;
	[sflag:s15] =	ssyncadd.s32 $0xFFFFE000;
	s2 =	sadd.s32 s1, s2  }
0x11f: {  	v12 =	vor.u32 s3, v36;
	[tilespmem:s13], [sflag:$0x1] =	stream.strided.gather [hbm4b:s2+s11], $0x2000, s12, s11, $0x38;
	[tilespmem:$0x14800] =	vst v63  }
0x120: {  	v13 =	vadd.s32 v37, v0;
	v0 =	vadd.s32 v39, v0;
	v2 =	vld.idx.msk [tilespmem:v55+s14+$0x0], $0xffff  }
0x121: {  	v1 =	vld.idx.msk [tilespmem:v1+s5+$0x0], $0xffff  }
0x122: {  	v14 =	vor.u32 s3, v38;
	v3 =	vld.idx.msk [tilespmem:v8+s14+$0x0], $0xffff  }
0x123: {  	v15 =	vld.idx.msk [tilespmem:v11+s5+$0x0], $0xffff  }
0x124: {  	v16 =	vld.idx.msk [tilespmem:v12+s14+$0x0], $0xffff  }
0x125: {  	v0 =	vld.idx.msk [tilespmem:v0+s5+$0x0], $0xffff;
	[tilespmem:$0x1FC40] =	vst v2  }
0x126: {  	[tilespmem:$0x1FC50] =	vst v1;
	v2 =	vld.idx.msk [tilespmem:v13+s5+$0x0], $0xffff  }
0x127: {  	[tilespmem:$0x1FCA0] =	vst v3;
	v1 =	vld.idx.msk [tilespmem:v14+s14+$0x0], $0xffff  }
0x128: {  	[tilespmem:$0x1FCB0] =	vst v15  }
0x129: {  	[tilespmem:$0x1FD00] =	vst v16  }
0x12a: {  	[tilespmem:$0x1FD90] =	vst v0  }
0x12b: {  	[tilespmem:$0x1FD10] =	vst v2  }
0x12c: {  	[tilespmem:$0x1FD80] =	vst v1  }
0x12d: {  	_ =	swait.ge [sflag:s10], $0x2000  }
0x12e: {  	(v2sf) =	vpush v46, $0x9;
	_ =	sdelay $0xe  }
0x12f: {  	s2 =	spop (v2sf)  }
0x130: {  	s3 =	sand.u32 $0x7F, s2  }
0x131: {  	v17 =	vbroadcast v40, $0x8;
	s17 =	sshra.s32 s2, $0x1F;
	p3 =	slt.s32 s2, $0x1;
	p4 =	sne.s32 s3, $0x0  }
0x132: {  	s17 =	sshrl.u32 s17, $0x19;
	p0 =	por !p3, !p4  }
0x133: {  	v18 =	vshll.u32 v17, $0x3;
	s2 =	sadd.s32 s17, s2;
	s17 =	simm.s32 $0x1;
	p0 =	por !p0, !p0  }
0x134: {  	v0 =	vand.u32 $0x7F, v17;
	v1 =	vand.u32 $0xFFFFFC00, v18;
	s2 =	sshrl.u32 s2, $0x7;
	s17 =	simm.s32 @!p0 $0x0  }
0x135: {  	v19 =	vor.u32 s0, v56;
	v0 =	vor.u32 v0, v1;
	s2 =	ssub.s32 s2, s17  }
0x136: {  	v20 =	vadd.s32 v33, v0;
	s2 =	sshll.u32 s2, $0x7  }
0x137: {  	v21 =	vor.u32 s0, v34;
	[sflag:s10] =	ssyncset.done $0x0;
	s2 =	sand.u32 $0x1FFFFF80, s2  }
0x138: {  	v22 =	vadd.s32 v35, v0;
	[sflag:s10] =	ssyncadd.s32 $0xFFFFE000;
	s2 =	sadd.s32 s1, s2  }
0x139: {  	v23 =	vor.u32 s0, v36;
	[tilespmem:s14], [sflag:$0x2] =	stream.strided.gather [hbm4b:s2+s11], $0x2000, s12, s11, $0x38;
	[tilespmem:$0x14800] =	vst v63  }
0x13a: {  	v25 =	vor.u32 s0, v38;
	v1 =	vld.idx.msk [tilespmem:v19+s13+$0x0], $0xffff  }
0x13b: {  	v24 =	vadd.s32 v37, v0;
	v0 =	vadd.s32 v39, v0;
	v2 =	vld.idx.msk [tilespmem:v20+s5+$0x0], $0xffff  }
0x13c: {  	v3 =	vld.idx.msk [tilespmem:v21+s13+$0x0], $0xffff  }
0x13d: {  	v26 =	vld.idx.msk [tilespmem:v22+s5+$0x0], $0xffff  }
0x13e: {  	v27 =	vld.idx.msk [tilespmem:v23+s13+$0x0], $0xffff  }
0x13f: {  	v28 =	vld.idx.msk [tilespmem:v25+s13+$0x0], $0xffff;
	[tilespmem:$0x1FCC0] =	vst v1  }
0x140: {  	v0 =	vld.idx.msk [tilespmem:v0+s5+$0x0], $0xffff;
	[tilespmem:$0x1FCD0] =	vst v2  }
0x141: {  	[tilespmem:$0x1FCE0] =	vst v3;
	v1 =	vld.idx.msk [tilespmem:v24+s5+$0x0], $0xffff  }
0x142: {  	[tilespmem:$0x1FCF0] =	vst v26  }
0x143: {  	[tilespmem:$0x1FD40] =	vst v27  }
0x144: {  	[tilespmem:$0x1FDA0] =	vst v28  }
0x145: {  	[tilespmem:$0x1FDB0] =	vst v0  }
0x146: {  	[tilespmem:$0x1FD50] =	vst v1  }
0x147: {  	_ =	swait.ge [sflag:s15], $0x2000  }
0x148: {  	(v2sf) =	vpush v46, $0xA;
	_ =	sdelay $0xe  }
0x149: {  	s2 =	spop (v2sf)  }
0x14a: {  	s0 =	sand.u32 $0x7F, s2  }
0x14b: {  	v29 =	vbroadcast v40, $0x9;
	s17 =	sshra.s32 s2, $0x1F;
	p5 =	slt.s32 s2, $0x1;
	p6 =	sne.s32 s0, $0x0  }
0x14c: {  	s17 =	sshrl.u32 s17, $0x19;
	p0 =	por !p5, !p6  }
0x14d: {  	v30 =	vshll.u32 v29, $0x3;
	s2 =	sadd.s32 s17, s2;
	s17 =	simm.s32 $0x1;
	p0 =	por !p0, !p0  }
0x14e: {  	v0 =	vand.u32 $0x7F, v29;
	v1 =	vand.u32 $0xFFFFFC00, v30;
	s2 =	sshrl.u32 s2, $0x7;
	s17 =	simm.s32 @!p0 $0x0  }
0x14f: {  	v44 =	vor.u32 s3, v36;
	v0 =	vor.u32 v0, v1;
	s2 =	ssub.s32 s2, s17  }
0x150: {  	v45 =	vadd.s32 v37, v0;
	s2 =	sshll.u32 s2, $0x7  }
0x151: {  	v47 =	vor.u32 s3, v38;
	[sflag:s15] =	ssyncset.done $0x0;
	s2 =	sand.u32 $0x1FFFFF80, s2  }
0x152: {  	v41 =	vadd.s32 v33, v0;
	v43 =	vadd.s32 v35, v0;
	v0 =	vadd.s32 v39, v0;
	[sflag:s15] =	ssyncadd.s32 $0xFFFFE000;
	s2 =	sadd.s32 s1, s2  }
0x153: {  	[tilespmem:s13], [sflag:$0x1] =	stream.strided.gather [hbm4b:s2+s11], $0x2000, s12, s11, $0x38;
	[tilespmem:$0x14800] =	vst v63  }
0x154: {  	v6 =	vld.idx.msk [tilespmem:v44+s14+$0x0], $0xffff  }
0x155: {  	v31 =	vor.u32 s3, v56;
	v1 =	vld.idx.msk [tilespmem:v45+s5+$0x0], $0xffff  }
0x156: {  	v7 =	vld.idx.msk [tilespmem:v47+s14+$0x0], $0xffff  }
0x157: {  	v42 =	vor.u32 s3, v34;
	v0 =	vld.idx.msk [tilespmem:v0+s5+$0x0], $0xffff;
	_ =	sdelay $0x1  }
0x158: {  	[tilespmem:$0x1FD60] =	vst v6  }
0x159: {  	v51 =	vld.idx.msk [tilespmem:v31+s14+$0x0], $0xffff;
	[tilespmem:$0x1FD70] =	vst v1  }
0x15a: {  	v49 =	vld.idx.msk [tilespmem:v41+s5+$0x0], $0xffff;
	[tilespmem:$0x1FDC0] =	vst v7  }
0x15b: {  	v52 =	vld.idx.msk [tilespmem:v42+s14+$0x0], $0xffff;
	[tilespmem:$0x1FDD0] =	vst v0  }
0x15c: {  	v50 =	vld.idx.msk [tilespmem:v43+s5+$0x0], $0xffff;
	_ =	swait.ge [sflag:s10], $0x2000  }
0x15d: {  	(v2sf) =	vpush v46, $0xB;
	_ =	sdelay $0xe  }
0x15e: {  	s2 =	spop (v2sf)  }
0x15f: {  	v8 =	vbroadcast v40, $0xA;
	s3 =	sand.u32 $0x7F, s2  }
0x160: {  	s17 =	sshra.s32 s2, $0x1F;
	p1 =	slt.s32 s2, $0x1;
	p2 =	sne.s32 s3, $0x0  }
0x161: {  	v11 =	vshll.u32 v8, $0x3;
	s17 =	sshrl.u32 s17, $0x19;
	p0 =	por !p1, !p2  }
0x162: {  	v0 =	vand.u32 $0x7F, v8;
	v1 =	vand.u32 $0xFFFFFC00, v11;
	s2 =	sadd.s32 s17, s2;
	s17 =	simm.s32 $0x1;
	p0 =	por !p0, !p0  }
0x163: {  	v0 =	vor.u32 v0, v1;
	s2 =	sshrl.u32 s2, $0x7;
	s17 =	simm.s32 @!p0 $0x0  }
0x164: {  	v18 =	vor.u32 s0, v38;
	v13 =	vadd.s32 v33, v0;
	s2 =	ssub.s32 s2, s17  }
0x165: {  	v15 =	vadd.s32 v35, v0;
	v17 =	vadd.s32 v37, v0;
	v0 =	vadd.s32 v39, v0;
	s2 =	sshll.u32 s2, $0x7  }
0x166: {  	v12 =	vor.u32 s0, v56;
	[sflag:s10] =	ssyncset.done $0x0;
	s2 =	sand.u32 $0x1FFFFF80, s2  }
0x167: {  	[sflag:s10] =	ssyncadd.s32 $0xFFFFE000;
	s2 =	sadd.s32 s1, s2  }
0x168: {  	v14 =	vor.u32 s0, v34;
	[tilespmem:s14], [sflag:$0x2] =	stream.strided.gather [hbm4b:s2+s11], $0x2000, s12, s11, $0x38;
	[tilespmem:$0x14800] =	vst v63  }
0x169: {  	v19 =	vld.idx.msk [tilespmem:v18+s13+$0x0], $0xffff  }
0x16a: {  	v16 =	vor.u32 s0, v36;
	v0 =	vld.idx.msk [tilespmem:v0+s5+$0x0], $0xffff  }
0x16b: {  	v48 =	vld.idx.msk [tilespmem:v12+s13+$0x0], $0xffff  }
0x16c: {  	v47 =	vld.idx.msk [tilespmem:v13+s5+$0x0], $0xffff  }
0x16d: {  	v45 =	vld.idx.msk [tilespmem:v14+s13+$0x0], $0xffff  }
0x16e: {  	v44 =	vld.idx.msk [tilespmem:v15+s5+$0x0], $0xffff;
	[tilespmem:$0x1FDE0] =	vst v19  }
0x16f: {  	v54 =	vld.idx.msk [tilespmem:v16+s13+$0x0], $0xffff;
	[tilespmem:$0x1FDF0] =	vst v0  }
0x170: {  	v53 =	vld.idx.msk [tilespmem:v17+s5+$0x0], $0xffff;
	_ =	swait.ge [sflag:s15], $0x2000  }
0x171: {  	(v2sf) =	vpush v46, $0xC;
	_ =	sdelay $0xe  }
0x172: {  	s2 =	spop (v2sf)  }
0x173: {  	s0 =	sand.u32 $0x7F, s2  }
0x174: {  	v20 =	vbroadcast v40, $0xB;
	s17 =	sshra.s32 s2, $0x1F;
	p3 =	slt.s32 s2, $0x1;
	p4 =	sne.s32 s0, $0x0  }
0x175: {  	s17 =	sshrl.u32 s17, $0x19;
	p0 =	por !p3, !p4  }
0x176: {  	v21 =	vshll.u32 v20, $0x3;
	s2 =	sadd.s32 s17, s2;
	s17 =	simm.s32 $0x1;
	p0 =	por !p0, !p0  }
0x177: {  	v1 =	vand.u32 $0xFFFFFC00, v21;
	v0 =	vand.u32 $0x7F, v20;
	s2 =	sshrl.u32 s2, $0x7;
	s17 =	simm.s32 @!p0 $0x0  }
0x178: {  	v22 =	vor.u32 s3, v56;
	v0 =	vor.u32 v0, v1;
	s2 =	ssub.s32 s2, s17  }
0x179: {  	v23 =	vadd.s32 v33, v0;
	s2 =	sshll.u32 s2, $0x7  }
0x17a: {  	v28 =	vor.u32 s3, v34;
	[sflag:s15] =	ssyncset.done $0x0;
	s2 =	sand.u32 $0x1FFFFF80, s2  }
0x17b: {  	v29 =	vadd.s32 v35, v0;
	[sflag:s15] =	ssyncadd.s32 $0xFFFFE000;
	s2 =	sadd.s32 s1, s2  }
0x17c: {  	v30 =	vor.u32 s3, v36;
	[tilespmem:s13], [sflag:$0x1] =	stream.strided.gather [hbm4b:s2+s11], $0x2000, s12, s11, $0x38;
	[tilespmem:$0x14800] =	vst v63  }
0x17d: {  	v31 =	vadd.s32 v37, v0;
	v26 =	vld.idx.msk [tilespmem:v22+s14+$0x0], $0xffff  }
0x17e: {  	v55 =	vor.u32 s3, v38;
	v24 =	vld.idx.msk [tilespmem:v23+s5+$0x0], $0xffff  }
0x17f: {  	v0 =	vadd.s32 v39, v0;
	v25 =	vld.idx.msk [tilespmem:v28+s14+$0x0], $0xffff  }
0x180: {  	v23 =	vld.idx.msk [tilespmem:v29+s5+$0x0], $0xffff  }
0x181: {  	v41 =	vld.idx.msk [tilespmem:v30+s14+$0x0], $0xffff  }
0x182: {  	v31 =	vld.idx.msk [tilespmem:v31+s5+$0x0], $0xffff  }
0x183: {  	v43 =	vld.idx.msk [tilespmem:v55+s14+$0x0], $0xffff  }
0x184: {  	v42 =	vld.idx.msk [tilespmem:v0+s5+$0x0], $0xffff;
	_ =	swait.ge [sflag:s10], $0x2000  }
0x185: {  	(v2sf) =	vpush v46, $0xD;
	_ =	sdelay $0xe  }
0x186: {  	s2 =	spop (v2sf)  }
0x187: {  	s3 =	sand.u32 $0x7F, s2  }
0x188: {  	v6 =	vbroadcast v40, $0xC;
	s17 =	sshra.s32 s2, $0x1F;
	p5 =	slt.s32 s2, $0x1;
	p6 =	sne.s32 s3, $0x0  }
0x189: {  	s17 =	sshrl.u32 s17, $0x19;
	p0 =	por !p5, !p6  }
0x18a: {  	v7 =	vshll.u32 v6, $0x3;
	s2 =	sadd.s32 s17, s2;
	s17 =	simm.s32 $0x1;
	p0 =	por !p0, !p0  }
0x18b: {  	v1 =	vand.u32 $0xFFFFFC00, v7;
	v0 =	vand.u32 $0x7F, v6;
	s2 =	sshrl.u32 s2, $0x7;
	s17 =	simm.s32 @!p0 $0x0  }
0x18c: {  	v8 =	vor.u32 s0, v56;
	v0 =	vor.u32 v0, v1;
	s2 =	ssub.s32 s2, s17  }
0x18d: {  	v11 =	vadd.s32 v33, v0;
	s2 =	sshll.u32 s2, $0x7  }
0x18e: {  	v12 =	vor.u32 s0, v34;
	[sflag:s10] =	ssyncset.done $0x0;
	s2 =	sand.u32 $0x1FFFFF80, s2  }
0x18f: {  	[sflag:s10] =	ssyncadd.s32 $0xFFFFE000;
	v13 =	vadd.s32 v35, v0;
	s2 =	sadd.s32 s1, s2  }
0x190: {  	v14 =	vor.u32 s0, v36;
	[tilespmem:s14], [sflag:$0x2] =	stream.strided.gather [hbm4b:s2+s11], $0x2000, s12, s11, $0x38;
	[tilespmem:$0x14800] =	vst v63  }
0x191: {  	v15 =	vadd.s32 v37, v0;
	v21 =	vld.idx.msk [tilespmem:v8+s13+$0x0], $0xffff  }
0x192: {  	v55 =	vor.u32 s0, v38;
	v19 =	vld.idx.msk [tilespmem:v11+s5+$0x0], $0xffff  }
0x193: {  	v0 =	vadd.s32 v39, v0;
	v22 =	vld.idx.msk [tilespmem:v12+s13+$0x0], $0xffff  }
0x194: {  	v20 =	vld.idx.msk [tilespmem:v13+s5+$0x0], $0xffff  }
0x195: {  	v28 =	vld.idx.msk [tilespmem:v14+s13+$0x0], $0xffff  }
0x196: {  	v27 =	vld.idx.msk [tilespmem:v15+s5+$0x0], $0xffff  }
0x197: {  	v30 =	vld.idx.msk [tilespmem:v55+s13+$0x0], $0xffff  }
0x198: {  	v29 =	vld.idx.msk [tilespmem:v0+s5+$0x0], $0xffff;
	_ =	swait.ge [sflag:s15], $0x2000  }
0x199: {  	(v2sf) =	vpush v46, $0xE;
	_ =	sdelay $0xe  }
0x19a: {  	s2 =	spop (v2sf)  }
0x19b: {  	s0 =	sand.u32 $0x7F, s2  }
0x19c: {  	v6 =	vbroadcast v40, $0xD;
	s17 =	sshra.s32 s2, $0x1F;
	p1 =	slt.s32 s2, $0x1;
	p2 =	sne.s32 s0, $0x0  }
0x19d: {  	s17 =	sshrl.u32 s17, $0x19;
	p0 =	por !p1, !p2  }
0x19e: {  	v7 =	vshll.u32 v6, $0x3;
	s2 =	sadd.s32 s17, s2;
	s17 =	simm.s32 $0x1;
	p0 =	por !p0, !p0  }
0x19f: {  	v1 =	vand.u32 $0xFFFFFC00, v7;
	v0 =	vand.u32 $0x7F, v6;
	s2 =	sshrl.u32 s2, $0x7;
	s17 =	simm.s32 @!p0 $0x0  }
0x1a0: {  	v8 =	vor.u32 s3, v56;
	v0 =	vor.u32 v0, v1;
	s2 =	ssub.s32 s2, s17  }
0x1a1: {  	v11 =	vadd.s32 v33, v0;
	s2 =	sshll.u32 s2, $0x7  }
0x1a2: {  	v16 =	vor.u32 s3, v34;
	[sflag:s15] =	ssyncset.done $0x0;
	s2 =	sand.u32 $0x1FFFFF80, s2  }
0x1a3: {  	[sflag:s15] =	ssyncadd.s32 $0xFFFFE000;
	v17 =	vadd.s32 v35, v0;
	s2 =	sadd.s32 s1, s2  }
0x1a4: {  	v18 =	vor.u32 s3, v36;
	[tilespmem:s13], [sflag:$0x1] =	stream.strided.gather [hbm4b:s2+s11], $0x2000, s12, s11, $0x38;
	[tilespmem:$0x14800] =	vst v63  }
0x1a5: {  	v55 =	vadd.s32 v37, v0;
	v13 =	vld.idx.msk [tilespmem:v8+s14+$0x0], $0xffff  }
0x1a6: {  	v6 =	vor.u32 s3, v38;
	v11 =	vld.idx.msk [tilespmem:v11+s5+$0x0], $0xffff  }
0x1a7: {  	v0 =	vadd.s32 v39, v0;
	v14 =	vld.idx.msk [tilespmem:v16+s14+$0x0], $0xffff  }
0x1a8: {  	v12 =	vld.idx.msk [tilespmem:v17+s5+$0x0], $0xffff  }
0x1a9: {  	v16 =	vld.idx.msk [tilespmem:v18+s14+$0x0], $0xffff  }
0x1aa: {  	v15 =	vld.idx.msk [tilespmem:v55+s5+$0x0], $0xffff  }
0x1ab: {  	v18 =	vld.idx.msk [tilespmem:v6+s14+$0x0], $0xffff  }
0x1ac: {  	v17 =	vld.idx.msk [tilespmem:v0+s5+$0x0], $0xffff;
	_ =	swait.ge [sflag:s10], $0x2000  }
0x1ad: {  	(v2sf) =	vpush v46, $0xF;
	_ =	sdelay $0xe  }
0x1ae: {  	s2 =	spop (v2sf)  }
0x1af: {  	v7 =	vbroadcast v40, $0xE;
	s3 =	sand.u32 $0x7F, s2  }
0x1b0: {  	s17 =	sshra.s32 s2, $0x1F;
	p3 =	slt.s32 s2, $0x1;
	p4 =	sne.s32 s3, $0x0  }
0x1b1: {  	v8 =	vshll.u32 v7, $0x3;
	s17 =	sshrl.u32 s17, $0x19;
	p0 =	por !p3, !p4  }
0x1b2: {  	v0 =	vand.u32 $0x7F, v7;
	v1 =	vand.u32 $0xFFFFFC00, v8;
	s2 =	sadd.s32 s17, s2;
	s17 =	simm.s32 $0x1;
	p0 =	por !p0, !p0  }
0x1b3: {  	v2 =	vor.u32 v0, v1;
	s2 =	sshrl.u32 s2, $0x7;
	s17 =	simm.s32 @!p0 $0x0  }
0x1b4: {  	v55 =	vadd.s32 v33, v2;
	s2 =	ssub.s32 s2, s17  }
0x1b5: {  	v4 =	vor.u32 s0, v34;
	s2 =	sshll.u32 s2, $0x7  }
0x1b6: {  	[sflag:s10] =	ssyncset.done $0x0;
	v5 =	vadd.s32 v35, v2;
	s2 =	sand.u32 $0x1FFFFF80, s2  }
0x1b7: {  	v6 =	vor.u32 s0, v36;
	[sflag:s10] =	ssyncadd.s32 $0xFFFFE000;
	s2 =	sadd.s32 s1, s2  }
0x1b8: {  	[tilespmem:s14], [sflag:$0x2] =	stream.strided.gather [hbm4b:s2+s11], $0x2000, s12, s11, $0x38;
	[tilespmem:$0x14800] =	vst v63  }
0x1b9: {  	v3 =	vld.idx.msk [tilespmem:v55+s5+$0x0], $0xffff  }
0x1ba: {  	v8 =	vld.idx.msk [tilespmem:v4+s13+$0x0], $0xffff  }
0x1bb: {  	v4 =	vld.idx.msk [tilespmem:v5+s5+$0x0], $0xffff  }
0x1bc: {  	v46 =	vor.u32 s0, v56;
	v5 =	vld.idx.msk [tilespmem:v6+s13+$0x0], $0xffff  }
0x1bd: {  	v55 =	vor.u32 s0, v38;
	v6 =	vld [tilespmem:$0x1F9B0];
	_ =	sdelay $0x2  }
0x1be: {  	v32 =	vmul.f32 v32, v9;
	v9 =	vld [tilespmem:$0x1F9C0]  }
0x1bf: {  	v7 =	vld.idx.msk [tilespmem:v46+s13+$0x0], $0xffff;
	v46 =	vadd.s32 v37, v2  }
0x1c0: {  	v6 =	vmul.f32 v6, v63;
	v63 =	vmul.f32 v62, v10;
	v10 =	vld.idx.msk [tilespmem:v55+s13+$0x0], $0xffff  }
0x1c1: {  	v1 =	vadd.s32 v39, v2;
	v55 =	vld [tilespmem:$0x1F9D0];
	_ =	sdelay $0x2  }
0x1c2: {  	v46 =	vld.idx.msk [tilespmem:v46+s5+$0x0], $0xffff  }
0x1c3: {  	v62 =	vld [tilespmem:$0x1F9E0]  }
0x1c4: {  	v32 =	vadd.f32 $0.0e+00, v32;
	v0 =	vmul.f32 v55, v9;
	v9 =	vld.idx.msk [tilespmem:v1+s5+$0x0], $0xffff  }
0x1c5: {  	v55 =	vld [tilespmem:$0x1F9F0];
	_ =	swait.ge [sflag:s15], $0x2000  }
0x1c6: {  	v32 =	vadd.f32 v63, v32;
	v63 =	vmul.f32 v61, v60;
	v60 =	vld [tilespmem:$0x1FA00]  }
0x1c7: {  	v61 =	vld [tilespmem:$0x1FA10];
	_ =	sdelay $0x2  }
0x1c8: {  	v6 =	vadd.f32 $0.0e+00, v6;
	v32 =	vadd.f32 v63, v32;
	v63 =	vld [tilespmem:$0x1FA20]  }
0x1c9: {  	v62 =	vmul.f32 v55, v62;
	v55 =	vld [tilespmem:$0x1FA30]  }
0x1ca: {  	v0 =	vadd.f32 v0, v6;
	v6 =	vmul.f32 v61, v60;
	v60 =	vld [tilespmem:$0x1FA40]  }
0x1cb: {  	v61 =	vld [tilespmem:$0x1FA50];
	_ =	sdelay $0x3  }
0x1cc: {  	(v2sf) =	vpush v57, $0x0;
	v57 =	vmul.f32 v55, v63;
	v55 =	vld [tilespmem:$0x1FA60]  }
0x1cd: {  	v0 =	vadd.f32 v6, v0;
	v6 =	vmul.f32 v61, v60;
	v60 =	vld [tilespmem:$0x1FA70];
	_ =	sdelay $0x3  }
0x1ce: {  	v61 =	vld [tilespmem:$0x1FA80]  }
0x1cf: {  	v63 =	vmul.f32 v60, v55;
	v55 =	vld [tilespmem:$0x1FA90];
	_ =	sdelay $0x3  }
0x1d0: {  	v60 =	vld [tilespmem:$0x1FAA0]  }
0x1d1: {  	v2 =	vmul.f32 v55, v61;
	v61 =	vld [tilespmem:$0x1FAB0];
	_ =	sdelay $0x1  }
0x1d2: {  	v62 =	vadd.f32 $0.0e+00, v62;
	_ =	sdelay $0x1  }
0x1d3: {  	v1 =	vmul.f32 v59, v58;
	v62 =	vadd.f32 v57, v62;
	v55 =	vld [tilespmem:$0x1FAC0]  }
0x1d4: {  	v0 =	vadd.f32 v6, v0;
	v6 =	vmul.f32 v61, v60;
	v60 =	vld [tilespmem:$0x1FAD0]  }
0x1d5: {  	v1 =	vadd.f32 v1, v32;
	v32 =	vadd.f32 v63, v62;
	v63 =	vld [tilespmem:$0x1FAF0]  }
0x1d6: {  	v61 =	vld [tilespmem:$0x1FAE0];
	_ =	sdelay $0x2  }
0x1d7: {  	v62 =	vmul.f32 v60, v55;
	v55 =	vld [tilespmem:$0x1FB00]  }
0x1d8: {  	v2 =	vadd.f32 $0.0e+00, v2;
	v60 =	vld [tilespmem:$0x1FB10]  }
0x1d9: {  	v63 =	vmul.f32 v63, v61;
	v61 =	vld [tilespmem:$0x1FB20]  }
0x1da: {  	v2 =	vadd.f32 v62, v2;
	v62 =	vld [tilespmem:$0x1FB30];
	_ =	sdelay $0x3  }
0x1db: {  	v60 =	vmul.f32 v60, v55;
	v55 =	vld [tilespmem:$0x1FB40]  }
0x1dc: {  	v62 =	vmul.f32 v62, v61;
	v61 =	vld [tilespmem:$0x1FB50]  }
0x1dd: {  	v6 =	vadd.f32 $0.0e+00, v6  }
0x1de: {  	v32 =	vadd.f32 v63, v32;
	v63 =	vld [tilespmem:$0x1FB90]  }
0x1df: {  	v6 =	vadd.f32 v60, v6;
	v60 =	vld [tilespmem:$0x1FB70]  }
0x1e0: {  	v2 =	vadd.f32 v62, v2;
	v62 =	vld [tilespmem:$0x1FB80]  }
0x1e1: {  	v61 =	vmul.f32 v61, v55;
	v55 =	vld [tilespmem:$0x1FB60];
	_ =	sdelay $0x3  }
0x1e2: {  	v62 =	vmul.f32 v63, v62;
	v63 =	vld [tilespmem:$0x1FBB0]  }
0x1e3: {  	v60 =	vmul.f32 v60, v55;
	v55 =	vld [tilespmem:$0x1FBA0];
	_ =	sdelay $0x3  }
0x1e4: {  	v6 =	vadd.f32 v60, v6;
	v60 =	vld [tilespmem:$0x1FBD0]  }
0x1e5: {  	v63 =	vmul.f32 v63, v55;
	v55 =	vld [tilespmem:$0x1FBC0];
	_ =	sdelay $0x3  }
0x1e6: {  	v57 =	vld [tilespmem:$0x1FBE0]  }
0x1e7: {  	v60 =	vmul.f32 v60, v55;
	v55 =	vld [tilespmem:$0x1FBF0];
	_ =	sdelay $0x1  }
0x1e8: {  	v61 =	vadd.f32 $0.0e+00, v61;
	_ =	sdelay $0x1  }
0x1e9: {  	v61 =	vadd.f32 v62, v61;
	v62 =	vld [tilespmem:$0x1FC10]  }
0x1ea: {  	v59 =	vmul.f32 v55, v57;
	v55 =	vld [tilespmem:$0x1FC00];
	_ =	sdelay $0x4  }
0x1eb: {  	v2 =	vadd.f32 v63, v2;
	v63 =	vld [tilespmem:$0x1FC20];
	v62 =	vmul.f32 v62, v55  }
0x1ec: {  	v55 =	vld [tilespmem:$0x1FC30]  }
0x1ed: {  	v6 =	vadd.f32 v59, v6;
	v59 =	vadd.f32 v62, v61;
	v61 =	vld [tilespmem:$0x1FC40]  }
0x1ee: {  	v62 =	vld [tilespmem:$0x1FC50];
	_ =	sdelay $0x3  }
0x1ef: {  	v63 =	vmul.f32 v55, v63;
	v55 =	vld [tilespmem:$0x1FC60]  }
0x1f0: {  	v61 =	vmul.f32 v62, v61;
	v62 =	vld [tilespmem:$0x1FC70];
	_ =	sdelay $0x1  }
0x1f1: {  	v60 =	vadd.f32 $0.0e+00, v60;
	_ =	sdelay $0x1  }
0x1f2: {  	v60 =	vadd.f32 v63, v60;
	v63 =	vld [tilespmem:$0x1FC90]  }
0x1f3: {  	v62 =	vmul.f32 v62, v55;
	v55 =	vld [tilespmem:$0x1FC80];
	_ =	sdelay $0x3  }
0x1f4: {  	v57 =	vld [tilespmem:$0x1FCA0]  }
0x1f5: {  	v63 =	vmul.f32 v63, v55;
	v55 =	vld [tilespmem:$0x1FCB0];
	_ =	sdelay $0x4  }
0x1f6: {  	v58 =	vmul.f32 v55, v57;
	v57 =	vld [tilespmem:$0x1FCC0]  }
0x1f7: {  	v55 =	vld [tilespmem:$0x1FCD0];
	_ =	sdelay $0x1  }
0x1f8: {  	v61 =	vadd.f32 $0.0e+00, v61;
	_ =	sdelay $0x1  }
0x1f9: {  	v49 =	vmul.f32 v49, v51;
	v51 =	vadd.f32 v58, v61;
	v58 =	vld [tilespmem:$0x1FCE0]  }
0x1fa: {  	v57 =	vmul.f32 v55, v57;
	v55 =	vld [tilespmem:$0x1FCF0];
	_ =	sdelay $0x3  }
0x1fb: {  	v61 =	vld [tilespmem:$0x1FD00]  }
0x1fc: {  	v58 =	vmul.f32 v55, v58;
	v55 =	vld [tilespmem:$0x1FD10];
	_ =	sdelay $0x3  }
0x1fd: {  	v50 =	vmul.f32 v50, v52;
	v52 =	vld [tilespmem:$0x1FD20]  }
0x1fe: {  	v61 =	vmul.f32 v55, v61;
	v55 =	vld [tilespmem:$0x1FD30];
	_ =	sdelay $0x1  }
0x1ff: {  	v57 =	vadd.f32 $0.0e+00, v57  }
0x200: {  	v59 =	vadd.f32 v62, v59;
	v62 =	vld [tilespmem:$0x1FD60]  }
0x201: {  	v57 =	vadd.f32 v58, v57;
	v58 =	vld [tilespmem:$0x1FD40]  }
0x202: {  	v52 =	vmul.f32 v55, v52;
	v55 =	vld [tilespmem:$0x1FD50]  }
0x203: {  	v60 =	vadd.f32 v63, v60;
	v63 =	vld [tilespmem:$0x1FD70];
	_ =	sdelay $0x2  }
0x204: {  	v49 =	vadd.f32 $0.0e+00, v49;
	v51 =	vadd.f32 v61, v51;
	v61 =	vld [tilespmem:$0x1FD90]  }
0x205: {  	v58 =	vmul.f32 v55, v58;
	v55 =	vld [tilespmem:$0x1FD80]  }
0x206: {  	v49 =	vadd.f32 v50, v49;
	v50 =	vmul.f32 v63, v62;
	_ =	sdelay $0x1  }
0x207: {  	v49 =	vadd.f32 v50, v49;
	v50 =	vld [tilespmem:$0x1FDC0]  }
0x208: {  	v57 =	vadd.f32 v58, v57;
	v58 =	vld [tilespmem:$0x1FDA0]  }
0x209: {  	(xrf2) =	vadd.scan.msk.f32 $0xffff, v1;
	v55 =	vmul.f32 v61, v55;
	v61 =	vld [tilespmem:$0x1FDB0]  }
0x20a: {  	(xrf2) =	vadd.scan.msk.f32 $0xffff, v0;
	s0 =	spop (v2sf);
	v52 =	vadd.f32 v52, v60;
	v60 =	vld [tilespmem:$0x1FDD0]  }
0x20b: {  	v47 =	vmul.f32 v47, v48;
	v44 =	vmul.f32 v44, v45;
	s2 =	sand.u32 $0x7F, s0;
	(xrf2) =	vadd.scan.msk.f32 $0xffff, v32  }
0x20c: {  	v40 =	vbroadcast v40, $0xF;
	v23 =	vmul.f32 v23, v25;
	s17 =	sshra.s32 s0, $0x1F;
	p5 =	slt.s32 s0, $0x1;
	p6 =	sne.s32 s2, $0x0;
	(xrf2) =	vadd.scan.msk.f32 $0xffff, v2  }
0x20d: {  	v41 =	vmul.f32 v31, v41;
	v11 =	vmul.f32 v11, v13;
	s17 =	sshrl.u32 s17, $0x19;
	p0 =	por !p5, !p6;
	(xrf2) =	vadd.scan.msk.f32 $0xffff, v6  }
0x20e: {  	s2 =	simm.s32 $0x1;
	s0 =	sadd.s32 s17, s0;
	p0 =	por !p0, !p0;
	(xrf2) =	vadd.scan.msk.f32 $0xffff, v59;
	v59 =	vor.u32 s3, v38;
	v62 =	vand.u32 $0x7F, v40;
	v58 =	vmul.f32 v61, v58  }
0x20f: {  	s0 =	sshrl.u32 s0, $0x7;
	s2 =	simm.s32 @!p0 $0x0;
	v50 =	vmul.f32 v60, v50;
	v60 =	vshll.u32 v40, $0x3;
	v51 =	vadd.f32 v55, v51  }
0x210: {  	s0 =	ssub.s32 s0, s2;
	v55 =	vadd.f32 v58, v57;
	v58 =	vmul.f32 v24, v26;
	v24 =	vand.u32 $0xFFFFFC00, v60  }
0x211: {  	s0 =	sshll.u32 s0, $0x7;
	v63 =	vor.u32 s3, v56;
	v61 =	vadd.f32 $0.0e+00, v47;
	v24 =	vor.u32 v62, v24  }
0x212: {  	v19 =	vmul.f32 v19, v21;
	v12 =	vmul.f32 v12, v14;
	[sflag:s15] =	ssyncset.done $0x0;
	s0 =	sand.u32 $0x1FFFFF80, s0;
	v40 =	vadd.s32 v33, v24  }
0x213: {  	v11 =	vadd.f32 $0.0e+00, v11;
	v45 =	vld [tilespmem:$0x1FDE0];
	[sflag:s15] =	ssyncadd.s32 $0xFFFFE000;
	s0 =	sadd.s32 s1, s0;
	v0 =	vadd.f32 v44, v61;
	v44 =	vor.u32 s3, v34  }
0x214: {  	v20 =	vmul.f32 v20, v22;
	v15 =	vmul.f32 v15, v16;
	[tilespmem:s13], [sflag:$0x1] =	stream.strided.gather [hbm4b:s0+s11], $0x2000, s12, s11, $0x38;
	v47 =	vld [tilespmem:$0x1FDF0];
	v48 =	vadd.s32 v35, v24  }
0x215: {  	v11 =	vadd.f32 v12, v11;
	v32 =	vmul.f32 v53, v54;
	v53 =	vor.u32 s3, v36;
	v25 =	vld.idx.msk [tilespmem:v59+s14+$0x0], $0xffff  }
0x216: {  	v21 =	vmul.f32 v29, v30;
	v54 =	vld.idx.msk [tilespmem:v63+s14+$0x0], $0xffff;
	v1 =	vadd.f32 $0.0e+00, v58;
	v57 =	vadd.s32 v37, v24  }
0x217: {  	v19 =	vadd.f32 $0.0e+00, v19;
	v11 =	vadd.f32 v15, v11;
	v4 =	vmul.f32 v4, v8;
	v58 =	vld.idx.msk [tilespmem:v40+s5+$0x0], $0xffff  }
0x218: {  	v63 =	vmul.f32 v27, v28;
	v24 =	vadd.s32 v39, v24;
	v1 =	vadd.f32 v23, v1;
	v23 =	vld.idx.msk [tilespmem:v44+s14+$0x0], $0xffff  }
0x219: {  	v60 =	vmul.f32 v3, v7;
	v0 =	vadd.f32 v32, v0;
	v2 =	vmul.f32 v47, v45;
	v61 =	vld.idx.msk [tilespmem:v48+s5+$0x0], $0xffff  }
0x21a: {  	v28 =	vmul.f32 v17, v18;
	v49 =	vadd.f32 v50, v49;
	v62 =	vadd.f32 v20, v19;
	v19 =	vld.idx.msk [tilespmem:v53+s14+$0x0], $0xffff  }
0x21b: {  	(xrf2) =	vadd.scan.msk.f32 $0xffff, v52;
	v50 =	vmul.f32 v42, v43;
	v0 =	vadd.f32 v2, v0;
	v2 =	vadd.f32 $0.0e+00, v60;
	v20 =	vld.idx.msk [tilespmem:v57+s5+$0x0], $0xffff  }
0x21c: {  	(xrf2) =	vadd.scan.msk.f32 $0xffff, v51;
	v26 =	vmul.f32 v46, v5;
	v1 =	vadd.f32 v41, v1;
	v13 =	vmul.f32 v58, v54  }
0x21d: {  	(xrf2) =	vadd.scan.msk.f32 $0xffff, v55;
	v6 =	vadd.f32 v63, v62;
	v2 =	vadd.f32 v4, v2;
	v27 =	vld.idx.msk [tilespmem:v24+s5+$0x0], $0xffff  }
0x21e: {  	(xrf2) =	vadd.scan.msk.f32 $0xffff, v49;
	v1 =	vadd.f32 v50, v1;
	v3 =	vmul.f32 v61, v23;
	v13 =	vadd.f32 $0.0e+00, v13  }
0x21f: {  	v30 =	vmul.f32 v9, v10;
	v31, _, _ =	vpop (xrf2);
	v29 =	vadd.f32 v21, v6;
	(xrf2) =	vadd.scan.msk.f32 $0xffff, v0;
	v2 =	vadd.f32 v26, v2  }
0x220: {  	v32 =	vadd.f32 v28, v11;
	v41, _, _ =	vpop (xrf2);
	(xrf2) =	vadd.scan.msk.f32 $0xffff, v1;
	v40 =	vmul.f32 v20, v19;
	v3 =	vadd.f32 v3, v13  }
0x221: {  	v42 =	vbroadcast v31, $0xF;
	v43 =	vbroadcast v41, $0xF;
	v44, _, _ =	vpop (xrf2);
	(xrf2) =	vadd.scan.msk.f32 $0xffff, v29;
	v2 =	vadd.f32 v30, v2  }
0x222: {  	v46 =	vbroadcast v44, $0xF;
	v48, _, _ =	vpop (xrf2);
	(xrf2) =	vadd.scan.msk.f32 $0xffff, v32;
	v47 =	vmul.f32 v27, v25;
	v45 =	vadd.f32 v40, v3  }
0x223: {  	v0 =	vsel vm0, v42, v43;
	v49, _, _ =	vpop (xrf2);
	v5 =	vbroadcast v48, $0xF;
	(xrf2) =	vadd.scan.msk.f32 $0xffff, v2  }
0x224: {  	v0 =	vsel vm1, v0, v46;
	v50, _, _ =	vpop (xrf2);
	v2 =	vbroadcast v49, $0xF;
	v1 =	vadd.f32 v47, v45  }
0x225: {  	v0 =	vsel vm2, v0, v5;
	v51, _, _ =	vpop (xrf2);
	v3 =	vbroadcast v50, $0xF  }
0x226: {  	v52, _, _ =	vpop (xrf2);
	v53 =	vbroadcast v51, $0xF;
	v0 =	vsel vm3, v0, v2;
	(xrf2) =	vadd.scan.msk.f32 $0xffff, v1  }
0x227: {  	v54, _, _ =	vpop (xrf2);
	v0 =	vsel vm4, v0, v3;
	v1 =	vbroadcast v52, $0xF  }
0x228: {  	v55, _, _ =	vpop (xrf2);
	v3 =	vbroadcast v54, $0xF;
	v0 =	vsel vm5, v0, v53  }
0x229: {  	v2 =	vbroadcast v55, $0xF;
	v57, _, _ =	vpop (xrf2);
	v0 =	vsel vm6, v0, v1  }
0x22a: {  	v58, _, _ =	vpop (xrf2);
	v1 =	vbroadcast v57, $0xF;
	v0 =	vsel vm7, v0, v3  }
0x22b: {  	v59, _, _ =	vpop (xrf2);
	v3 =	vbroadcast v58, $0xF;
	v0 =	vsel vm8, v0, v2  }
0x22c: {  	v60, _, _ =	vpop (xrf2);
	v2 =	vbroadcast v59, $0xF;
	v0 =	vsel vm9, v0, v1  }
0x22d: {  	p0 =	sne.s32 s31, $0x20;
	v61, _, _ =	vpop (xrf2);
	v1 =	vbroadcast v60, $0xF;
	v0 =	vsel vm10, v0, v3  }
.Ltmp0:
0x22e: {  	v62 =	vbroadcast v61, $0xF;
	v0 =	vsel vm11, v0, v2;
	(pc) =	sbr.rel @p0 .LBB2_2-.Ltmp0, $4  }
0x22f: {  	v0 =	vsel vm12, v0, v1  }
0x230: {  	v0 =	vsel vm13, v0, v62;
	v63, _, _ =	vpop (xrf2)  }
0x231: {  	s28 =	sadd.s32 $0x10, s28;
	v0 =	vsel vm14, v0, v63  }
0x232: {  	s29 =	sadd.s32 $0x10, s29;
	s31 =	sadd.s32 $0x1, s31;
	[tilespmem:s30+$0x0] =	vst v0;
	s30 =	sadd.s32 $0x10, s30  }
0x233: {  	_ =	swait.ge [sflag:s10], $0x2000  }
0x234: {  	[sflag:s10] =	ssyncset.done $0x0  }
0x235: {  	s0 =	simm.s32 $0x14200;
	[sflag:s10] =	ssyncadd.s32 $0xFFFFE000  }
0x236: {  	[hbm4b:s4+s16] =	stream.indirect.scatter [tilespmem:s18], [sflag:$0x3], $0x1, s0, s16, $0xb8;
	[tilespmem:$0x14800] =	vst v63  }
0x237: {  	_ = 	snop  }
0x238: {  	[hbm4b:s4+s16] =	stream.indirect.scatter [tilespmem:s20], [sflag:$0x3], $0x1, s19, s16, $0xb8;
	[tilespmem:$0x14800] =	vst v63  }
0x239: {  	_ = 	snop  }
0x23a: {  	[hbm4b:s4+s16] =	stream.indirect.scatter [tilespmem:s22], [sflag:$0x3], $0x1, s21, s16, $0xb8;
	[tilespmem:$0x14800] =	vst v63  }
0x23b: {  	_ = 	snop  }
0x23c: {  	[hbm4b:s4+s16] =	stream.indirect.scatter [tilespmem:s24], [sflag:$0x3], $0x1, s23, s16, $0xb8;
	[tilespmem:$0x14800] =	vst v63  }
0x23d: {  	_ =	swait.ge [sflag:s25], $0x80  }
0x23e: {  	[sflag:s25] =	ssyncset.done $0x0  }
0x23f: {  	[sflag:s25] =	ssyncadd.s32 $0xFFFFFF80  }
0x240: {  	_ =	swait.ge [sflag:s25], $0x80  }
0x241: {  	[sflag:s25] =	ssyncset.done $0x0  }
0x242: {  	s26 =	sadd.s32 $0x1, s26;
	[sflag:s25] =	ssyncadd.s32 $0xFFFFFF80  }
0x243: {  	p0 =	sne.s32 s26, s8;
	_ =	swait.ge [sflag:s25], $0x80  }
.Ltmp1:
0x244: {  	[sflag:s25] =	ssyncset.done $0x0;
	(pc) =	sbr.rel @p0 .LBB2_1-.Ltmp1, $4  }
0x245: {  	[sflag:s25] =	ssyncadd.s32 $0xFFFFFF80  }
0x246: {  	_ =	swait.ge [sflag:s25], $0x80  }
0x247: {  	[sflag:s25] =	ssyncset.done $0x0  }
0x248: {  	[sflag:s25] =	ssyncadd.s32 $0xFFFFFF80  }
0x249: {  	_ =	sfence.sel $0x180000  }
0x24a: {  	[bflag:$0x0] =	sbarrier.arrive $0xFFFF  }
0x24b: {  	_ =	strace $0x90000047  }
0x24c: {  	s0 =	stileid.u32;
	[bflag:$0x2] =	sbarrier.arrive $0xFFFF  }
0x24d: {  	p0 =	sne.s32 s0, $0x0;
	s0 =	rddreg [dreg:$0x5]  }
0x24e: {  	s0 =	sadd.s32 @!p0 $0x100000, s0  }
0x24f: {  	[sflag:s0] =	ssyncadd.tile.s32 @!p0 $0x1;
	_ =	shalt  }
.Lfunc_end2:
_tile_overlayer_lowered:
.L_overlay_start_2:
0x250: {  	(tag) =	ssettag $0x2  }
0x251: {  	s0 =	rddreg [dreg:$0x0];
	s2 =	stileid.u32  }
0x252: {  	s1 =	rddreg [dreg:$0x1];
	p0 =	sne.s32 s2, $0x0  }
0x253: {  	s3 =	rddreg [dreg:$0x2];
	[bflag:$0x3] =	sbarrier.arrive $0xFFFF;
	s2 =	simm.s32 @!p0 $0x1C04  }
0x254: {  	[timem:s3], [sflag:s2] =	dma.local @!p0 [hbm:s0], s1  }
0x255: {  	s0 =	simm.s32 @!p0 $0x4  }
0x256: {  	_ =	swait.ge @!p0 [sflag:s0], s1  }
0x257: {  	s1 =	ssub.s32 @!p0 $0x0, s1;
	[sflag:s0] =	ssyncset.done @!p0 $0x0  }
0x258: {  	[sflag:s0] =	ssyncadd.s32 @!p0 s1  }
0x259: {  	[bflag:$0x3] =	sbarrier.arrive $0xFFFF  }
0x25a: {  	_ =	shalt  }

</sc_bundles>
